<compile_context>
chip_gen: v7x
topology: tpu7x:2x2x1
jax: 0.10.2.dev20260603
libtpu: 0.0.44.dev20260713+nightly
codegen_flags: <defaults>
</compile_context>

<pallas_src>
import math

import jax
import jax.numpy as jnp
from jax import lax
from jax.experimental import pallas as pl
from jax.experimental.pallas import tpu as pltpu
from jax.experimental.pallas import tpu_sc as plsc

_SQRT_2_OVER_PI = math.sqrt(2.0 / math.pi)

_N = 8192
_D = 768
_K = 512
_NC = 2
_NS = 16
_NW = _NC * _NS
_LANES = 16
_HALF = _N // 2
_SC_W = _NS
_SC_TOK = _HALF // _SC_W
_TT = 1024
_HALF_TILES = _HALF // _TT


def _phase_a(x_ref, p_ref, assign_ref, sums_ref, counts_ref, pn_scr):
    i = pl.program_id(0)

    @pl.when(i == 0)
    def _():
        p0 = p_ref[...]
        pn_scr[...] = (p0 / jnp.maximum(
            jnp.sqrt(jnp.sum(p0 * p0, axis=1, keepdims=True)),
            1e-12)).astype(jnp.bfloat16)

    x = x_ref[...]
    rn = jnp.sqrt(jnp.sum(x * x, axis=1, keepdims=True))
    xn = x / jnp.maximum(rn, 1e-8)
    sims = lax.dot_general(xn.astype(jnp.bfloat16), pn_scr[...],
                           (((1,), (1,)), ((), ())),
                           preferred_element_type=jnp.float32)
    m = jnp.max(sims, axis=1, keepdims=True)
    k_iota = lax.broadcasted_iota(jnp.int32, sims.shape, 1)
    idx = jnp.min(jnp.where(sims >= m, k_iota, sims.shape[1]), axis=1)
    assign_ref[...] = idx.reshape(assign_ref.shape)
    e = (k_iota == idx[:, None]).astype(jnp.bfloat16)
    part = lax.dot_general(e, x.astype(jnp.bfloat16), (((0,), (0,)), ((), ())),
                           preferred_element_type=jnp.float32)
    cpart = lax.dot_general(e, jnp.ones((x.shape[0], 1), jnp.bfloat16),
                            (((0,), (0,)), ((), ())),
                            preferred_element_type=jnp.float32)

    @pl.when(i == 0)
    def _():
        sums_ref[...] = jnp.zeros_like(sums_ref)
        counts_ref[...] = jnp.zeros_like(counts_ref)

    sums_ref[...] += part

    @pl.when(i >= _HALF_TILES)
    def _():
        counts_ref[...] += cpart


def _counts_body(a_hbm, counts_hbm, idx_v, hist_v):
    w = lax.axis_index("s")
    pltpu.sync_copy(a_hbm.at[pl.ds(w * _SC_TOK, _SC_TOK)], idx_v)

    z16 = jnp.zeros((_LANES,), jnp.float32)
    for r in range(_LANES):
        for j in range(_K // _LANES):
            hist_v[r, pl.ds(j * _LANES, _LANES)] = z16

    lane_iota = lax.iota(jnp.int32, _LANES)
    ones16 = jnp.ones((_LANES,), jnp.float32)
    for i in range(_SC_TOK // _LANES):
        iv = idx_v[pl.ds(i * _LANES, _LANES)]
        plsc.addupdate_scatter(hist_v, [lane_iota, iv], ones16)
    pltpu.sync_copy(hist_v, counts_hbm.at[w])


def _phase_c(lt_ref, lb_ref, sums_ref, csc_ref, ctc_ref, p_ref, x_ref,
             out_ref, pn2_scr):
    i = pl.program_id(0)

    @pl.when(i == 0)
    def _():
        momentum = 0.999
        p0 = p_ref[...]
        sums = sums_ref[...]
        counts = ctc_ref[...] + lax.dot_general(
            csc_ref[...], jnp.ones((_SC_W * _LANES, 1), jnp.float32),
            (((0,), (0,)), ((), ())),
            preferred_element_type=jnp.float32)
        centroids = jnp.where(counts > 0.0,
                              sums / jnp.maximum(counts, 1.0), p0)
        new_p = centroids / jnp.maximum(
            jnp.sqrt(jnp.sum(centroids * centroids, axis=1, keepdims=True)),
            1e-12)
        p_upd = momentum * p0 + (1.0 - momentum) * new_p
        pn2_scr[...] = (p_upd / jnp.maximum(
            jnp.sqrt(jnp.sum(p_upd * p_upd, axis=1, keepdims=True)),
            1e-8)).astype(jnp.bfloat16)

    x = x_ref[...]
    rn = jnp.sqrt(jnp.sum(x * x, axis=1, keepdims=True))
    xn = x / jnp.maximum(rn, 1e-8)
    sims2 = lax.dot_general(xn.astype(jnp.bfloat16), pn2_scr[...],
                            (((1,), (1,)), ((), ())),
                            preferred_element_type=jnp.float32)
    mx = jnp.max(sims2, axis=1, keepdims=True)
    dists = jnp.clip(1.0 - mx, 0.0, 2.0)
    tau = jnp.exp(lt_ref[0])
    alpha = jax.nn.sigmoid(lb_ref[0])
    novelty = 1.0 - jnp.exp(-tau * dists)
    scale = jnp.clip(1.0 - alpha + alpha * novelty, 0.1, 10.0)
    y = x * scale
    out_ref[...] = 0.5 * y * (
        1.0 + jnp.tanh(_SQRT_2_OVER_PI * (y + 0.044715 * y * y * y)))


def kernel(x, P, log_tau, log_blend):
    B, T, D = x.shape
    K = P.shape[0]
    N = B * T
    xf = x.reshape(N, D)
    n_tiles = N // _TT

    assign, sums, counts_tc = pl.pallas_call(
        _phase_a,
        grid=(n_tiles,),
        in_specs=[
            pl.BlockSpec((_TT, D), lambda i: (i, 0)),
            pl.BlockSpec((K, D), lambda i: (0, 0)),
        ],
        out_specs=[
            pl.BlockSpec((1, 1, _TT), lambda i: (i, 0, 0)),
            pl.BlockSpec((K, D), lambda i: (0, 0)),
            pl.BlockSpec((K, 1), lambda i: (0, 0)),
        ],
        out_shape=[
            jax.ShapeDtypeStruct((n_tiles, 1, _TT), jnp.int32),
            jax.ShapeDtypeStruct((K, D), jnp.float32),
            jax.ShapeDtypeStruct((K, 1), jnp.float32),
        ],
        scratch_shapes=[pltpu.VMEM((K, D), jnp.bfloat16)],
    )(xf, P)

    counts_sc = pl.kernel(
        _counts_body,
        out_type=jax.ShapeDtypeStruct((_SC_W, _LANES, _K), jnp.float32),
        mesh=plsc.VectorSubcoreMesh(core_axis_name="c", subcore_axis_name="s",
                                    num_cores=1),
        compiler_params=pltpu.CompilerParams(needs_layout_passes=False),
        scratch_types=[
            pltpu.VMEM((_SC_TOK,), jnp.int32),
            pltpu.VMEM((_LANES, _K), jnp.float32),
        ],
    )(assign.reshape(N)[:_HALF])
    counts_sc = counts_sc.reshape(_SC_W * _LANES, _K)

    lt = jnp.reshape(log_tau, (1,))
    lb = jnp.reshape(log_blend, (1,))
    out = pl.pallas_call(
        _phase_c,
        grid=(n_tiles,),
        in_specs=[
            pl.BlockSpec(memory_space=pltpu.SMEM),
            pl.BlockSpec(memory_space=pltpu.SMEM),
            pl.BlockSpec((K, D), lambda i: (0, 0)),
            pl.BlockSpec((_SC_W * _LANES, K), lambda i: (0, 0)),
            pl.BlockSpec((K, 1), lambda i: (0, 0)),
            pl.BlockSpec((K, D), lambda i: (0, 0)),
            pl.BlockSpec((_TT, D), lambda i: (i, 0)),
        ],
        out_specs=pl.BlockSpec((_TT, D), lambda i: (i, 0)),
        out_shape=jax.ShapeDtypeStruct((N, D), jnp.float32),
        scratch_shapes=[pltpu.VMEM((K, D), jnp.bfloat16)],
    )(lt, lb, sums, counts_sc, counts_tc, P, xf)

    return out.reshape(B, T, D)

# --- scband reference (transcript-rebuilt; emitter-appended) ---
"""Pipeline reference for scband-gelu13-17566416240645 (READ-ONLY COPY).

The authoritative reference and input builder live on the scoring server;
editing this copy changes nothing except your own understanding.
"""

import jax, jax.numpy as jnp
import numpy as np
import math


def _normalize(v, eps=1e-12):
    n = jnp.linalg.norm(v, axis=-1, keepdims=True)
    return v / jnp.maximum(n, eps)


def _gelu(x):
    return 0.5 * x * (1.0 + jnp.tanh(math.sqrt(2.0 / math.pi) * (x + 0.044715 * x ** 3)))


def setup_inputs(seed: int = 0) -> dict:
    key = jax.random.key(seed)
    k1, k2 = jax.random.split(key)
    x = jax.random.normal(k1, (8, 1024, 768), dtype=jnp.float32)
    # prototypes buffer (codebook) as produced by the module's first call: normalized randn
    P = _normalize(jax.random.normal(k2, (512, 768), dtype=jnp.float32))
    log_tau = jnp.asarray(math.log(2.0), dtype=jnp.float32)
    log_blend = jnp.asarray(math.log(0.3 / 0.7), dtype=jnp.float32)
    return {"x": x, "P": P, "log_tau": log_tau, "log_blend": log_blend}


def reference(x, P, log_tau, log_blend):
    # Steady-state forward path (prototypes already initialized)
    K = P.shape[0]
    momentum = 0.999
    tau = jnp.exp(log_tau)
    alpha = jax.nn.sigmoid(log_blend)
    B, T, D = x.shape
    x_flat = jax.lax.stop_gradient(x).reshape(-1, D)
    P0 = jax.lax.stop_gradient(P)  # buffer, no grad in torch
    P_norm = _normalize(P0)
    x_flat_norm = _normalize(x_flat, eps=1e-08)
    sims = jnp.clip(x_flat_norm @ P_norm.T, -1.0, 1.0)
    assignments = jnp.argmax(sims, axis=-1)
    counts = jnp.bincount(assignments, length=K).astype(x.dtype)[:, None]
    sums = jax.ops.segment_sum(x_flat, assignments, num_segments=K)
    centroids = jnp.where(counts > 0, sums / jnp.maximum(counts, 1.0), P0)
    new_P = _normalize(centroids)
    P_upd = momentum * P0 + (1.0 - momentum) * new_P
    P_norm2 = _normalize(P_upd, eps=1e-08)
    sims2 = jnp.clip(x_flat_norm @ P_norm2.T, -1.0, 1.0)
    dists = jnp.clip(1.0 - jnp.max(sims2, axis=-1), 0.0, 2.0)
    novelty = (1.0 - jnp.exp(-tau * dists)).reshape(B, T)
    scale = jnp.clip(1.0 - alpha + alpha * novelty[..., None], 0.1, 10.0)
    return _gelu(x * scale)

if __name__ == "__main__":
    import jax
    _d = setup_inputs()
    print(jax.jit(kernel)(*tuple(_d.values())))

</pallas_src>

<mosaic_0001>
#map = affine_map<(d0, d1) -> (0)>
#map1 = affine_map<(d0, d1) -> (0, 0, 0)>
module attributes {stable_mosaic.version = 14 : i64} {
  func.func @_counts_body(%arg0: i32, %arg1: i32, %arg2: memref<4096xi32, #tpu.memory_space<hbm>>, %arg3: memref<16x16x512xf32, #tpu.memory_space<hbm>>, %arg4: memref<256xi32, #tpu.memory_space<vmem>>, %arg5: memref<16x512xf32, #tpu.memory_space<vmem>>) attributes {dimension_semantics = [#tpu.dimension_semantics<core_parallel>, #tpu.dimension_semantics<subcore_parallel>], iteration_bounds = array<i64: 1, 16>, scalar_prefetch = 0 : i64, scratch_operands = 2 : i64, tpu.core_type = #tpu.core_type<sc_vector_subcore>, window_params = [{transform_indices = #map}, {transform_indices = #map1}]} {
    %mul3A = arith.constant 256 : i32
    %mul3A_0 = arith.muli %arg1, %mul3A : i32
    "tpu.region"() ({
      %run_scoped3A = tpu.sem_alloc : memref<!tpu.dma_semaphore, #tpu.memory_space<semaphore_mem>>
      %dma_start3A = tpu.memref_slice %arg2[%mul3A_0] : memref<4096xi32, #tpu.memory_space<hbm>> -> memref<256xi32, #tpu.memory_space<hbm>>
      %dma_start3A_2082 = tpu.memref_slice %arg2[%mul3A_0] : memref<4096xi32, #tpu.memory_space<hbm>> -> memref<256xi32, #tpu.memory_space<hbm>>
      tpu.enqueue_dma source(%dma_start3A_2082 : memref<256xi32, #tpu.memory_space<hbm>>) target(%arg4 : memref<256xi32, #tpu.memory_space<vmem>>) target_semaphore(%run_scoped3A : memref<!tpu.dma_semaphore, #tpu.memory_space<semaphore_mem>>)
      %dma_wait3A = tpu.memref_slice %arg2[%mul3A_0] : memref<4096xi32, #tpu.memory_space<hbm>> -> memref<256xi32, #tpu.memory_space<hbm>>
      %dma_wait3A_2083 = tpu.memref_slice %arg2[%mul3A_0] : memref<4096xi32, #tpu.memory_space<hbm>> -> memref<256xi32, #tpu.memory_space<hbm>>
      tpu.wait_dma2 semaphore(%run_scoped3A : memref<!tpu.dma_semaphore, #tpu.memory_space<semaphore_mem>>) src(%dma_wait3A_2083 : memref<256xi32, #tpu.memory_space<hbm>>) dst(%arg4 : memref<256xi32, #tpu.memory_space<vmem>>)
      tpu.yield
    }) : () -> ()
    %broadcast_in_dim3A = arith.constant 0.000000e+00 : f32
    %broadcast_in_dim3A_1 = vector.broadcast %broadcast_in_dim3A : f32 to vector<16xf32>
    %swap3A = arith.constant 0 : i32
    %swap3A_2 = arith.index_cast %swap3A : i32 to index
    %swap3A_3 = arith.constant 0 : index
    %swap3A_4 = tpu.vector_load %arg5[%swap3A_2, %swap3A_3] {strides = array<i32>} : memref<16x512xf32, #tpu.memory_space<vmem>>, vector<16xf32>,
    tpu.vector_store %arg5[%swap3A_2, %swap3A_3], %broadcast_in_dim3A_1 {strides = array<i32>} : memref<16x512xf32, #tpu.memory_space<vmem>>, vector<16xf32>,
    %swap3A_5 = arith.constant 0 : i32
    %swap3A_6 = arith.index_cast %swap3A_5 : i32 to index
    %swap3A_7 = arith.constant 16 : index
    %swap3A_8 = tpu.vector_load %arg5[%swap3A_6, %swap3A_7] {strides = array<i32>} : memref<16x512xf32, #tpu.memory_space<vmem>>, vector<16xf32>,
    tpu.vector_store %arg5[%swap3A_6, %swap3A_7], %broadcast_in_dim3A_1 {strides = array<i32>} : memref<16x512xf32, #tpu.memory_space<vmem>>, vector<16xf32>,
    %swap3A_9 = arith.constant 0 : i32
    %swap3A_10 = arith.index_cast %swap3A_9 : i32 to index
    %swap3A_11 = arith.constant 32 : index
    %swap3A_12 = tpu.vector_load %arg5[%swap3A_10, %swap3A_11] {strides = array<i32>} : memref<16x512xf32, #tpu.memory_space<vmem>>, vector<16xf32>,
    tpu.vector_store %arg5[%swap3A_10, %swap3A_11], %broadcast_in_dim3A_1 {strides = array<i32>} : memref<16x512xf32, #tpu.memory_space<vmem>>, vector<16xf32>,
    %swap3A_13 = arith.constant 0 : i32
    %swap3A_14 = arith.index_cast %swap3A_13 : i32 to index
    %swap3A_15 = arith.constant 48 : index
    %swap3A_16 = tpu.vector_load %arg5[%swap3A_14, %swap3A_15] {strides = array<i32>} : memref<16x512xf32, #tpu.memory_space<vmem>>, vector<16xf32>,
    tpu.vector_store %arg5[%swap3A_14, %swap3A_15], %broadcast_in_dim3A_1 {strides = array<i32>} : memref<16x512xf32, #tpu.memory_space<vmem>>, vector<16xf32>,
    %swap3A_17 = arith.constant 0 : i32
    %swap3A_18 = arith.index_cast %swap3A_17 : i32 to index
    %swap3A_19 = arith.constant 64 : index
    %swap3A_20 = tpu.vector_load %arg5[%swap3A_18, %swap3A_19] {strides = array<i32>} : memref<16x512xf32, #tpu.memory_space<vmem>>, vector<16xf32>,
    tpu.vector_store %arg5[%swap3A_18, %swap3A_19], %broadcast_in_dim3A_1 {strides = array<i32>} : memref<16x512xf32, #tpu.memory_space<vmem>>, vector<16xf32>,
    %swap3A_21 = arith.constant 0 : i32
    %swap3A_22 = arith.index_cast %swap3A_21 : i32 to index
    %swap3A_23 = arith.constant 80 : index
    %swap3A_24 = tpu.vector_load %arg5[%swap3A_22, %swap3A_23] {strides = array<i32>} : memref<16x512xf32, #tpu.memory_space<vmem>>, vector<16xf32>,
    tpu.vector_store %arg5[%swap3A_22, %swap3A_23], %broadcast_in_dim3A_1 {strides = array<i32>} : memref<16x512xf32, #tpu.memory_space<vmem>>, vector<16xf32>,
    %swap3A_25 = arith.constant 0 : i32
    %swap3A_26 = arith.index_cast %swap3A_25 : i32 to index
    %swap3A_27 = arith.constant 96 : index
    %swap3A_28 = tpu.vector_load %arg5[%swap3A_26, %swap3A_27] {strides = array<i32>} : memref<16x512xf32, #tpu.memory_space<vmem>>, vector<16xf32>,
    tpu.vector_store %arg5[%swap3A_26, %swap3A_27], %broadcast_in_dim3A_1 {strides = array<i32>} : memref<16x512xf32, #tpu.memory_space<vmem>>, vector<16xf32>,
    %swap3A_29 = arith.constant 0 : i32
    %swap3A_30 = arith.index_cast %swap3A_29 : i32 to index
    %swap3A_31 = arith.constant 112 : index
    %swap3A_32 = tpu.vector_load %arg5[%swap3A_30, %swap3A_31] {strides = array<i32>} : memref<16x512xf32, #tpu.memory_space<vmem>>, vector<16xf32>,
    tpu.vector_store %arg5[%swap3A_30, %swap3A_31], %broadcast_in_dim3A_1 {strides = array<i32>} : memref<16x512xf32, #tpu.memory_space<vmem>>, vector<16xf32>,
    %swap3A_33 = arith.constant 0 : i32
    %swap3A_34 = arith.index_cast %swap3A_33 : i32 to index
    %swap3A_35 = arith.constant 128 : index
    %swap3A_36 = tpu.vector_load %arg5[%swap3A_34, %swap3A_35] {strides = array<i32>} : memref<16x512xf32, #tpu.memory_space<vmem>>, vector<16xf32>,
    tpu.vector_store %arg5[%swap3A_34, %swap3A_35], %broadcast_in_dim3A_1 {strides = array<i32>} : memref<16x512xf32, #tpu.memory_space<vmem>>, vector<16xf32>,
    %swap3A_37 = arith.constant 0 : i32
    %swap3A_38 = arith.index_cast %swap3A_37 : i32 to index
    %swap3A_39 = arith.constant 144 : index
    %swap3A_40 = tpu.vector_load %arg5[%swap3A_38, %swap3A_39] {strides = array<i32>} : memref<16x512xf32, #tpu.memory_space<vmem>>, vector<16xf32>,
    tpu.vector_store %arg5[%swap3A_38, %swap3A_39], %broadcast_in_dim3A_1 {strides = array<i32>} : memref<16x512xf32, #tpu.memory_space<vmem>>, vector<16xf32>,
    %swap3A_41 = arith.constant 0 : i32
    %swap3A_42 = arith.index_cast %swap3A_41 : i32 to index
    %swap3A_43 = arith.constant 160 : index
    %swap3A_44 = tpu.vector_load %arg5[%swap3A_42, %swap3A_43] {strides = array<i32>} : memref<16x512xf32, #tpu.memory_space<vmem>>, vector<16xf32>,
    tpu.vector_store %arg5[%swap3A_42, %swap3A_43], %broadcast_in_dim3A_1 {strides = array<i32>} : memref<16x512xf32, #tpu.memory_space<vmem>>, vector<16xf32>,
    %swap3A_45 = arith.constant 0 : i32
    %swap3A_46 = arith.index_cast %swap3A_45 : i32 to index
    %swap3A_47 = arith.constant 176 : index
    %swap3A_48 = tpu.vector_load %arg5[%swap3A_46, %swap3A_47] {strides = array<i32>} : memref<16x512xf32, #tpu.memory_space<vmem>>, vector<16xf32>,
    tpu.vector_store %arg5[%swap3A_46, %swap3A_47], %broadcast_in_dim3A_1 {strides = array<i32>} : memref<16x512xf32, #tpu.memory_space<vmem>>, vector<16xf32>,
    %swap3A_49 = arith.constant 0 : i32
    %swap3A_50 = arith.index_cast %swap3A_49 : i32 to index
    %swap3A_51 = arith.constant 192 : index
    %swap3A_52 = tpu.vector_load %arg5[%swap3A_50, %swap3A_51] {strides = array<i32>} : memref<16x512xf32, #tpu.memory_space<vmem>>, vector<16xf32>,
    tpu.vector_store %arg5[%swap3A_50, %swap3A_51], %broadcast_in_dim3A_1 {strides = array<i32>} : memref<16x512xf32, #tpu.memory_space<vmem>>, vector<16xf32>,
    %swap3A_53 = arith.constant 0 : i32
    %swap3A_54 = arith.index_cast %swap3A_53 : i32 to index
    %swap3A_55 = arith.constant 208 : index
    %swap3A_56 = tpu.vector_load %arg5[%swap3A_54, %swap3A_55] {strides = array<i32>} : memref<16x512xf32, #tpu.memory_space<vmem>>, vector<16xf32>,
    tpu.vector_store %arg5[%swap3A_54, %swap3A_55], %broadcast_in_dim3A_1 {strides = array<i32>} : memref<16x512xf32, #tpu.memory_space<vmem>>, vector<16xf32>,
    %swap3A_57 = arith.constant 0 : i32
    %swap3A_58 = arith.index_cast %swap3A_57 : i32 to index
    %swap3A_59 = arith.constant 224 : index
    %swap3A_60 = tpu.vector_load %arg5[%swap3A_58, %swap3A_59] {strides = array<i32>} : memref<16x512xf32, #tpu.memory_space<vmem>>, vector<16xf32>,
    tpu.vector_store %arg5[%swap3A_58, %swap3A_59], %broadcast_in_dim3A_1 {strides = array<i32>} : memref<16x512xf32, #tpu.memory_space<vmem>>, vector<16xf32>,
    %swap3A_61 = arith.constant 0 : i32
    %swap3A_62 = arith.index_cast %swap3A_61 : i32 to index
    %swap3A_63 = arith.constant 240 : index
    %swap3A_64 = tpu.vector_load %arg5[%swap3A_62, %swap3A_63] {strides = array<i32>} : memref<16x512xf32, #tpu.memory_space<vmem>>, vector<16xf32>,
    tpu.vector_store %arg5[%swap3A_62, %swap3A_63], %broadcast_in_dim3A_1 {strides = array<i32>} : memref<16x512xf32, #tpu.memory_space<vmem>>, vector<16xf32>,
    %swap3A_65 = arith.constant 0 : i32
    %swap3A_66 = arith.index_cast %swap3A_65 : i32 to index
    %swap3A_67 = arith.constant 256 : index
    %swap3A_68 = tpu.vector_load %arg5[%swap3A_66, %swap3A_67] {strides = array<i32>} : memref<16x512xf32, #tpu.memory_space<vmem>>, vector<16xf32>,
    tpu.vector_store %arg5[%swap3A_66, %swap3A_67], %broadcast_in_dim3A_1 {strides = array<i32>} : memref<16x512xf32, #tpu.memory_space<vmem>>, vector<16xf32>,
    %swap3A_69 = arith.constant 0 : i32
    %swap3A_70 = arith.index_cast %swap3A_69 : i32 to index
    %swap3A_71 = arith.constant 272 : index
    %swap3A_72 = tpu.vector_load %arg5[%swap3A_70, %swap3A_71] {strides = array<i32>} : memref<16x512xf32, #tpu.memory_space<vmem>>, vector<16xf32>,
    tpu.vector_store %arg5[%swap3A_70, %swap3A_71], %broadcast_in_dim3A_1 {strides = array<i32>} : memref<16x512xf32, #tpu.memory_space<vmem>>, vector<16xf32>,
    %swap3A_73 = arith.constant 0 : i32
    %swap3A_74 = arith.index_cast %swap3A_73 : i32 to index
    %swap3A_75 = arith.constant 288 : index
    %swap3A_76 = tpu.vector_load %arg5[%swap3A_74, %swap3A_75] {strides = array<i32>} : memref<16x512xf32, #tpu.memory_space<vmem>>, vector<16xf32>,
    tpu.vector_store %arg5[%swap3A_74, %swap3A_75], %broadcast_in_dim3A_1 {strides = array<i32>} : memref<16x512xf32, #tpu.memory_space<vmem>>, vector<16xf32>,
    %swap3A_77 = arith.constant 0 : i32
    %swap3A_78 = arith.index_cast %swap3A_77 : i32 to index
    %swap3A_79 = arith.constant 304 : index
    %swap3A_80 = tpu.vector_load %arg5[%swap3A_78, %swap3A_79] {strides = array<i32>} : memref<16x512xf32, #tpu.memory_space<vmem>>, vector<16xf32>,
    tpu.vector_store %arg5[%swap3A_78, %swap3A_79], %broadcast_in_dim3A_1 {strides = array<i32>} : memref<16x512xf32, #tpu.memory_space<vmem>>, vector<16xf32>,
    %swap3A_81 = arith.constant 0 : i32
    %swap3A_82 = arith.index_cast %swap3A_81 : i32 to index
    %swap3A_83 = arith.constant 320 : index
    %swap3A_84 = tpu.vector_load %arg5[%swap3A_82, %swap3A_83] {strides = array<i32>} : memref<16x512xf32, #tpu.memory_space<vmem>>, vector<16xf32>,
    tpu.vector_store %arg5[%swap3A_82, %swap3A_83], %broadcast_in_dim3A_1 {strides = array<i32>} : memref<16x512xf32, #tpu.memory_space<vmem>>, vector<16xf32>,
    %swap3A_85 = arith.constant 0 : i32
    %swap3A_86 = arith.index_cast %swap3A_85 : i32 to index
    %swap3A_87 = arith.constant 336 : index
    %swap3A_88 = tpu.vector_load %arg5[%swap3A_86, %swap3A_87] {strides = array<i32>} : memref<16x512xf32, #tpu.memory_space<vmem>>, vector<16xf32>,
    tpu.vector_store %arg5[%swap3A_86, %swap3A_87], %broadcast_in_dim3A_1 {strides = array<i32>} : memref<16x512xf32, #tpu.memory_space<vmem>>, vector<16xf32>,
    %swap3A_89 = arith.constant 0 : i32
    %swap3A_90 = arith.index_cast %swap3A_89 : i32 to index
    %swap3A_91 = arith.constant 352 : index
    %swap3A_92 = tpu.vector_load %arg5[%swap3A_90, %swap3A_91] {strides = array<i32>} : memref<16x512xf32, #tpu.memory_space<vmem>>, vector<16xf32>,
    tpu.vector_store %arg5[%swap3A_90, %swap3A_91], %broadcast_in_dim3A_1 {strides = array<i32>} : memref<16x512xf32, #tpu.memory_space<vmem>>, vector<16xf32>,
    %swap3A_93 = arith.constant 0 : i32
    %swap3A_94 = arith.index_cast %swap3A_93 : i32 to index
    %swap3A_95 = arith.constant 368 : index
    %swap3A_96 = tpu.vector_load %arg5[%swap3A_94, %swap3A_95] {strides = array<i32>} : memref<16x512xf32, #tpu.memory_space<vmem>>, vector<16xf32>,
    tpu.vector_store %arg5[%swap3A_94, %swap3A_95], %broadcast_in_dim3A_1 {strides = array<i32>} : memref<16x512xf32, #tpu.memory_space<vmem>>, vector<16xf32>,
    %swap3A_97 = arith.constant 0 : i32
    %swap3A_98 = arith.index_cast %swap3A_97 : i32 to index
    %swap3A_99 = arith.constant 384 : index
    %swap3A_100 = tpu.vector_load %arg5[%swap3A_98, %swap3A_99] {strides = array<i32>} : memref<16x512xf32, #tpu.memory_space<vmem>>, vector<16xf32>,
    tpu.vector_store %arg5[%swap3A_98, %swap3A_99], %broadcast_in_dim3A_1 {strides = array<i32>} : memref<16x512xf32, #tpu.memory_space<vmem>>, vector<16xf32>,
    %swap3A_101 = arith.constant 0 : i32
    %swap3A_102 = arith.index_cast %swap3A_101 : i32 to index
    %swap3A_103 = arith.constant 400 : index
    %swap3A_104 = tpu.vector_load %arg5[%swap3A_102, %swap3A_103] {strides = array<i32>} : memref<16x512xf32, #tpu.memory_space<vmem>>, vector<16xf32>,
    tpu.vector_store %arg5[%swap3A_102, %swap3A_103], %broadcast_in_dim3A_1 {strides = array<i32>} : memref<16x512xf32, #tpu.memory_space<vmem>>, vector<16xf32>,
    %swap3A_105 = arith.constant 0 : i32
    %swap3A_106 = arith.index_cast %swap3A_105 : i32 to index
    %swap3A_107 = arith.constant 416 : index
    %swap3A_108 = tpu.vector_load %arg5[%swap3A_106, %swap3A_107] {strides = array<i32>} : memref<16x512xf32, #tpu.memory_space<vmem>>, vector<16xf32>,
    tpu.vector_store %arg5[%swap3A_106, %swap3A_107], %broadcast_in_dim3A_1 {strides = array<i32>} : memref<16x512xf32, #tpu.memory_space<vmem>>, vector<16xf32>,
    %swap3A_109 = arith.constant 0 : i32
    %swap3A_110 = arith.index_cast %swap3A_109 : i32 to index
    %swap3A_111 = arith.constant 432 : index
    %swap3A_112 = tpu.vector_load %arg5[%swap3A_110, %swap3A_111] {strides = array<i32>} : memref<16x512xf32, #tpu.memory_space<vmem>>, vector<16xf32>,
    tpu.vector_store %arg5[%swap3A_110, %swap3A_111], %broadcast_in_dim3A_1 {strides = array<i32>} : memref<16x512xf32, #tpu.memory_space<vmem>>, vector<16xf32>,
    %swap3A_113 = arith.constant 0 : i32
    %swap3A_114 = arith.index_cast %swap3A_113 : i32 to index
    %swap3A_115 = arith.constant 448 : index
    %swap3A_116 = tpu.vector_load %arg5[%swap3A_114, %swap3A_115] {strides = array<i32>} : memref<16x512xf32, #tpu.memory_space<vmem>>, vector<16xf32>,
    tpu.vector_store %arg5[%swap3A_114, %swap3A_115], %broadcast_in_dim3A_1 {strides = array<i32>} : memref<16x512xf32, #tpu.memory_space<vmem>>, vector<16xf32>,
    %swap3A_117 = arith.constant 0 : i32
    %swap3A_118 = arith.index_cast %swap3A_117 : i32 to index
    %swap3A_119 = arith.constant 464 : index
    %swap3A_120 = tpu.vector_load %arg5[%swap3A_118, %swap3A_119] {strides = array<i32>} : memref<16x512xf32, #tpu.memory_space<vmem>>, vector<16xf32>,
    tpu.vector_store %arg5[%swap3A_118, %swap3A_119], %broadcast_in_dim3A_1 {strides = array<i32>} : memref<16x512xf32, #tpu.memory_space<vmem>>, vector<16xf32>,
    %swap3A_121 = arith.constant 0 : i32
    %swap3A_122 = arith.index_cast %swap3A_121 : i32 to index
    %swap3A_123 = arith.constant 480 : index
    %swap3A_124 = tpu.vector_load %arg5[%swap3A_122, %swap3A_123] {strides = array<i32>} : memref<16x512xf32, #tpu.memory_space<vmem>>, vector<16xf32>,
    tpu.vector_store %arg5[%swap3A_122, %swap3A_123], %broadcast_in_dim3A_1 {strides = array<i32>} : memref<16x512xf32, #tpu.memory_space<vmem>>, vector<16xf32>,
    %swap3A_125 = arith.constant 0 : i32
    %swap3A_126 = arith.index_cast %swap3A_125 : i32 to index
    %swap3A_127 = arith.constant 496 : index
    %swap3A_128 = tpu.vector_load %arg5[%swap3A_126, %swap3A_127] {strides = array<i32>} : memref<16x512xf32, #tpu.memory_space<vmem>>, vector<16xf32>,
    tpu.vector_store %arg5[%swap3A_126, %swap3A_127], %broadcast_in_dim3A_1 {strides = array<i32>} : memref<16x512xf32, #tpu.memory_space<vmem>>, vector<16xf32>,
    %swap3A_129 = arith.constant 1 : i32
    %swap3A_130 = arith.index_cast %swap3A_129 : i32 to index
    %swap3A_131 = arith.constant 0 : index
    %swap3A_132 = tpu.vector_load %arg5[%swap3A_130, %swap3A_131] {strides = array<i32>} : memref<16x512xf32, #tpu.memory_space<vmem>>, vector<16xf32>,
    tpu.vector_store %arg5[%swap3A_130, %swap3A_131], %broadcast_in_dim3A_1 {strides = array<i32>} : memref<16x512xf32, #tpu.memory_space<vmem>>, vector<16xf32>,
    %swap3A_133 = arith.constant 1 : i32
    %swap3A_134 = arith.index_cast %swap3A_133 : i32 to index
    %swap3A_135 = arith.constant 16 : index
    %swap3A_136 = tpu.vector_load %arg5[%swap3A_134, %swap3A_135] {strides = array<i32>} : memref<16x512xf32, #tpu.memory_space<vmem>>, vector<16xf32>,
    tpu.vector_store %arg5[%swap3A_134, %swap3A_135], %broadcast_in_dim3A_1 {strides = array<i32>} : memref<16x512xf32, #tpu.memory_space<vmem>>, vector<16xf32>,
    %swap3A_137 = arith.constant 1 : i32
    %swap3A_138 = arith.index_cast %swap3A_137 : i32 to index
    %swap3A_139 = arith.constant 32 : index
    %swap3A_140 = tpu.vector_load %arg5[%swap3A_138, %swap3A_139] {strides = array<i32>} : memref<16x512xf32, #tpu.memory_space<vmem>>, vector<16xf32>,
    tpu.vector_store %arg5[%swap3A_138, %swap3A_139], %broadcast_in_dim3A_1 {strides = array<i32>} : memref<16x512xf32, #tpu.memory_space<vmem>>, vector<16xf32>,
    %swap3A_141 = arith.constant 1 : i32
    %swap3A_142 = arith.index_cast %swap3A_141 : i32 to index
    %swap3A_143 = arith.constant 48 : index
    %swap3A_144 = tpu.vector_load %arg5[%swap3A_142, %swap3A_143] {strides = array<i32>} : memref<16x512xf32, #tpu.memory_space<vmem>>, vector<16xf32>,
    tpu.vector_store %arg5[%swap3A_142, %swap3A_143], %broadcast_in_dim3A_1 {strides = array<i32>} : memref<16x512xf32, #tpu.memory_space<vmem>>, vector<16xf32>,
    %swap3A_145 = arith.constant 1 : i32
    %swap3A_146 = arith.index_cast %swap3A_145 : i32 to index
    %swap3A_147 = arith.constant 64 : index
    %swap3A_148 = tpu.vector_load %arg5[%swap3A_146, %swap3A_147] {strides = array<i32>} : memref<16x512xf32, #tpu.memory_space<vmem>>, vector<16xf32>,
    tpu.vector_store %arg5[%swap3A_146, %swap3A_147], %broadcast_in_dim3A_1 {strides = array<i32>} : memref<16x512xf32, #tpu.memory_space<vmem>>, vector<16xf32>,
    %swap3A_149 = arith.constant 1 : i32
    %swap3A_150 = arith.index_cast %swap3A_149 : i32 to index
    %swap3A_151 = arith.constant 80 : index
    %swap3A_152 = tpu.vector_load %arg5[%swap3A_150, %swap3A_151] {strides = array<i32>} : memref<16x512xf32, #tpu.memory_space<vmem>>, vector<16xf32>,
    tpu.vector_store %arg5[%swap3A_150, %swap3A_151], %broadcast_in_dim3A_1 {strides = array<i32>} : memref<16x512xf32, #tpu.memory_space<vmem>>, vector<16xf32>,
    %swap3A_153 = arith.constant 1 : i32
    %swap3A_154 = arith.index_cast %swap3A_153 : i32 to index
    %swap3A_155 = arith.constant 96 : index
    %swap3A_156 = tpu.vector_load %arg5[%swap3A_154, %swap3A_155] {strides = array<i32>} : memref<16x512xf32, #tpu.memory_space<vmem>>, vector<16xf32>,
    tpu.vector_store %arg5[%swap3A_154, %swap3A_155], %broadcast_in_dim3A_1 {strides = array<i32>} : memref<16x512xf32, #tpu.memory_space<vmem>>, vector<16xf32>,
    %swap3A_157 = arith.constant 1 : i32
    %swap3A_158 = arith.index_cast %swap3A_157 : i32 to index
    %swap3A_159 = arith.constant 112 : index
    %swap3A_160 = tpu.vector_load %arg5[%swap3A_158, %swap3A_159] {strides = array<i32>} : memref<16x512xf32, #tpu.memory_space<vmem>>, vector<16xf32>,
    tpu.vector_store %arg5[%swap3A_158, %swap3A_159], %broadcast_in_dim3A_1 {strides = array<i32>} : memref<16x512xf32, #tpu.memory_space<vmem>>, vector<16xf32>,
    %swap3A_161 = arith.constant 1 : i32
    %swap3A_162 = arith.index_cast %swap3A_161 : i32 to index
    %swap3A_163 = arith.constant 128 : index
    %swap3A_164 = tpu.vector_load %arg5[%swap3A_162, %swap3A_163] {strides = array<i32>} : memref<16x512xf32, #tpu.memory_space<vmem>>, vector<16xf32>,
    tpu.vector_store %arg5[%swap3A_162, %swap3A_163], %broadcast_in_dim3A_1 {strides = array<i32>} : memref<16x512xf32, #tpu.memory_space<vmem>>, vector<16xf32>,
    %swap3A_165 = arith.constant 1 : i32
    %swap3A_166 = arith.index_cast %swap3A_165 : i32 to index
    %swap3A_167 = arith.constant 144 : index
    %swap3A_168 = tpu.vector_load %arg5[%swap3A_166, %swap3A_167] {strides = array<i32>} : memref<16x512xf32, #tpu.memory_space<vmem>>, vector<16xf32>,
    tpu.vector_store %arg5[%swap3A_166, %swap3A_167], %broadcast_in_dim3A_1 {strides = array<i32>} : memref<16x512xf32, #tpu.memory_space<vmem>>, vector<16xf32>,
    %swap3A_169 = arith.constant 1 : i32
    %swap3A_170 = arith.index_cast %swap3A_169 : i32 to index
    %swap3A_171 = arith.constant 160 : index
    %swap3A_172 = tpu.vector_load %arg5[%swap3A_170, %swap3A_171] {strides = array<i32>} : memref<16x512xf32, #tpu.memory_space<vmem>>, vector<16xf32>,
    tpu.vector_store %arg5[%swap3A_170, %swap3A_171], %broadcast_in_dim3A_1 {strides = array<i32>} : memref<16x512xf32, #tpu.memory_space<vmem>>, vector<16xf32>,
    %swap3A_173 = arith.constant 1 : i32
    %swap3A_174 = arith.index_cast %swap3A_173 : i32 to index
    %swap3A_175 = arith.constant 176 : index
    %swap3A_176 = tpu.vector_load %arg5[%swap3A_174, %swap3A_175] {strides = array<i32>} : memref<16x512xf32, #tpu.memory_space<vmem>>, vector<16xf32>,
    tpu.vector_store %arg5[%swap3A_174, %swap3A_175], %broadcast_in_dim3A_1 {strides = array<i32>} : memref<16x512xf32, #tpu.memory_space<vmem>>, vector<16xf32>,
    %swap3A_177 = arith.constant 1 : i32
    %swap3A_178 = arith.index_cast %swap3A_177 : i32 to index
    %swap3A_179 = arith.constant 192 : index
    %swap3A_180 = tpu.vector_load %arg5[%swap3A_178, %swap3A_179] {strides = array<i32>} : memref<16x512xf32, #tpu.memory_space<vmem>>, vector<16xf32>,
    tpu.vector_store %arg5[%swap3A_178, %swap3A_179], %broadcast_in_dim3A_1 {strides = array<i32>} : memref<16x512xf32, #tpu.memory_space<vmem>>, vector<16xf32>,
    %swap3A_181 = arith.constant 1 : i32
    %swap3A_182 = arith.index_cast %swap3A_181 : i32 to index
    %swap3A_183 = arith.constant 208 : index
    %swap3A_184 = tpu.vector_load %arg5[%swap3A_182, %swap3A_183] {strides = array<i32>} : memref<16x512xf32, #tpu.memory_space<vmem>>, vector<16xf32>,
    tpu.vector_store %arg5[%swap3A_182, %swap3A_183], %broadcast_in_dim3A_1 {strides = array<i32>} : memref<16x512xf32, #tpu.memory_space<vmem>>, vector<16xf32>,
    %swap3A_185 = arith.constant 1 : i32
    %swap3A_186 = arith.index_cast %swap3A_185 : i32 to index
    %swap3A_187 = arith.constant 224 : index
    %swap3A_188 = tpu.vector_load %arg5[%swap3A_186, %swap3A_187] {strides = array<i32>} : memref<16x512xf32, #tpu.memory_space<vmem>>, vector<16xf32>,
    tpu.vector_store %arg5[%swap3A_186, %swap3A_187], %broadcast_in_dim3A_1 {strides = array<i32>} : memref<16x512xf32, #tpu.memory_space<vmem>>, vector<16xf32>,
    %swap3A_189 = arith.constant 1 : i32
    %swap3A_190 = arith.index_cast %swap3A_189 : i32 to index
    %swap3A_191 = arith.constant 240 : index
    %swap3A_192 = tpu.vector_load %arg5[%swap3A_190, %swap3A_191] {strides = array<i32>} : memref<16x512xf32, #tpu.memory_space<vmem>>, vector<16xf32>,
    tpu.vector_store %arg5[%swap3A_190, %swap3A_191], %broadcast_in_dim3A_1 {strides = array<i32>} : memref<16x512xf32, #tpu.memory_space<vmem>>, vector<16xf32>,
    %swap3A_193 = arith.constant 1 : i32
    %swap3A_194 = arith.index_cast %swap3A_193 : i32 to index
    %swap3A_195 = arith.constant 256 : index
    %swap3A_196 = tpu.vector_load %arg5[%swap3A_194, %swap3A_195] {strides = array<i32>} : memref<16x512xf32, #tpu.memory_space<vmem>>, vector<16xf32>,
    tpu.vector_store %arg5[%swap3A_194, %swap3A_195], %broadcast_in_dim3A_1 {strides = array<i32>} : memref<16x512xf32, #tpu.memory_space<vmem>>, vector<16xf32>,
    %swap3A_197 = arith.constant 1 : i32
    %swap3A_198 = arith.index_cast %swap3A_197 : i32 to index
    %swap3A_199 = arith.constant 272 : index
    %swap3A_200 = tpu.vector_load %arg5[%swap3A_198, %swap3A_199] {strides = array<i32>} : memref<16x512xf32, #tpu.memory_space<vmem>>, vector<16xf32>,
    tpu.vector_store %arg5[%swap3A_198, %swap3A_199], %broadcast_in_dim3A_1 {strides = array<i32>} : memref<16x512xf32, #tpu.memory_space<vmem>>, vector<16xf32>,
    %swap3A_201 = arith.constant 1 : i32
    %swap3A_202 = arith.index_cast %swap3A_201 : i32 to index
    %swap3A_203 = arith.constant 288 : index
    %swap3A_204 = tpu.vector_load %arg5[%swap3A_202, %swap3A_203] {strides = array<i32>} : memref<16x512xf32, #tpu.memory_space<vmem>>, vector<16xf32>,
    tpu.vector_store %arg5[%swap3A_202, %swap3A_203], %broadcast_in_dim3A_1 {strides = array<i32>} : memref<16x512xf32, #tpu.memory_space<vmem>>, vector<16xf32>,
    %swap3A_205 = arith.constant 1 : i32
    %swap3A_206 = arith.index_cast %swap3A_205 : i32 to index
    %swap3A_207 = arith.constant 304 : index
    %swap3A_208 = tpu.vector_load %arg5[%swap3A_206, %swap3A_207] {strides = array<i32>} : memref<16x512xf32, #tpu.memory_space<vmem>>, vector<16xf32>,
    tpu.vector_store %arg5[%swap3A_206, %swap3A_207], %broadcast_in_dim3A_1 {strides = array<i32>} : memref<16x512xf32, #tpu.memory_space<vmem>>, vector<16xf32>,
    %swap3A_209 = arith.constant 1 : i32
    %swap3A_210 = arith.index_cast %swap3A_209 : i32 to index
    %swap3A_211 = arith.constant 320 : index
    %swap3A_212 = tpu.vector_load %arg5[%swap3A_210, %swap3A_211] {strides = array<i32>} : memref<16x512xf32, #tpu.memory_space<vmem>>, vector<16xf32>,
    tpu.vector_store %arg5[%swap3A_210, %swap3A_211], %broadcast_in_dim3A_1 {strides = array<i32>} : memref<16x512xf32, #tpu.memory_space<vmem>>, vector<16xf32>,
    %swap3A_213 = arith.constant 1 : i32
    %swap3A_214 = arith.index_cast %swap3A_213 : i32 to index
    %swap3A_215 = arith.constant 336 : index
    %swap3A_216 = tpu.vector_load %arg5[%swap3A_214, %swap3A_215] {strides = array<i32>} : memref<16x512xf32, #tpu.memory_space<vmem>>, vector<16xf32>,
    tpu.vector_store %arg5[%swap3A_214, %swap3A_215], %broadcast_in_dim3A_1 {strides = array<i32>} : memref<16x512xf32, #tpu.memory_space<vmem>>, vector<16xf32>,
    %swap3A_217 = arith.constant 1 : i32
    %swap3A_218 = arith.index_cast %swap3A_217 : i32 to index
    %swap3A_219 = arith.constant 352 : index
    %swap3A_220 = tpu.vector_load %arg5[%swap3A_218, %swap3A_219] {strides = array<i32>} : memref<16x512xf32, #tpu.memory_space<vmem>>, vector<16xf32>,
    tpu.vector_store %arg5[%swap3A_218, %swap3A_219], %broadcast_in_dim3A_1 {strides = array<i32>} : memref<16x512xf32, #tpu.memory_space<vmem>>, vector<16xf32>,
    %swap3A_221 = arith.constant 1 : i32
    %swap3A_222 = arith.index_cast %swap3A_221 : i32 to index
    %swap3A_223 = arith.constant 368 : index
    %swap3A_224 = tpu.vector_load %arg5[%swap3A_222, %swap3A_223] {strides = array<i32>} : memref<16x512xf32, #tpu.memory_space<vmem>>, vector<16xf32>,
    tpu.vector_store %arg5[%swap3A_222, %swap3A_223], %broadcast_in_dim3A_1 {strides = array<i32>} : memref<16x512xf32, #tpu.memory_space<vmem>>, vector<16xf32>,
    %swap3A_225 = arith.constant 1 : i32
    %swap3A_226 = arith.index_cast %swap3A_225 : i32 to index
    %swap3A_227 = arith.constant 384 : index
    %swap3A_228 = tpu.vector_load %arg5[%swap3A_226, %swap3A_227] {strides = array<i32>} : memref<16x512xf32, #tpu.memory_space<vmem>>, vector<16xf32>,
    tpu.vector_store %arg5[%swap3A_226, %swap3A_227], %broadcast_in_dim3A_1 {strides = array<i32>} : memref<16x512xf32, #tpu.memory_space<vmem>>, vector<16xf32>,
    %swap3A_229 = arith.constant 1 : i32
    %swap3A_230 = arith.index_cast %swap3A_229 : i32 to index
    %swap3A_231 = arith.constant 400 : index
    %swap3A_232 = tpu.vector_load %arg5[%swap3A_230, %swap3A_231] {strides = array<i32>} : memref<16x512xf32, #tpu.memory_space<vmem>>, vector<16xf32>,
    tpu.vector_store %arg5[%swap3A_230, %swap3A_231], %broadcast_in_dim3A_1 {strides = array<i32>} : memref<16x512xf32, #tpu.memory_space<vmem>>, vector<16xf32>,
    %swap3A_233 = arith.constant 1 : i32
    %swap3A_234 = arith.index_cast %swap3A_233 : i32 to index
    %swap3A_235 = arith.constant 416 : index
    %swap3A_236 = tpu.vector_load %arg5[%swap3A_234, %swap3A_235] {strides = array<i32>} : memref<16x512xf32, #tpu.memory_space<vmem>>, vector<16xf32>,
    tpu.vector_store %arg5[%swap3A_234, %swap3A_235], %broadcast_in_dim3A_1 {strides = array<i32>} : memref<16x512xf32, #tpu.memory_space<vmem>>, vector<16xf32>,
    %swap3A_237 = arith.constant 1 : i32
    %swap3A_238 = arith.index_cast %swap3A_237 : i32 to index
    %swap3A_239 = arith.constant 432 : index
    %swap3A_240 = tpu.vector_load %arg5[%swap3A_238, %swap3A_239] {strides = array<i32>} : memref<16x512xf32, #tpu.memory_space<vmem>>, vector<16xf32>,
    tpu.vector_store %arg5[%swap3A_238, %swap3A_239], %broadcast_in_dim3A_1 {strides = array<i32>} : memref<16x512xf32, #tpu.memory_space<vmem>>, vector<16xf32>,
    %swap3A_241 = arith.constant 1 : i32
    %swap3A_242 = arith.index_cast %swap3A_241 : i32 to index
    %swap3A_243 = arith.constant 448 : index
    %swap3A_244 = tpu.vector_load %arg5[%swap3A_242, %swap3A_243] {strides = array<i32>} : memref<16x512xf32, #tpu.memory_space<vmem>>, vector<16xf32>,
    tpu.vector_store %arg5[%swap3A_242, %swap3A_243], %broadcast_in_dim3A_1 {strides = array<i32>} : memref<16x512xf32, #tpu.memory_space<vmem>>, vector<16xf32>,
    %swap3A_245 = arith.constant 1 : i32
    %swap3A_246 = arith.index_cast %swap3A_245 : i32 to index
    %swap3A_247 = arith.constant 464 : index
    %swap3A_248 = tpu.vector_load %arg5[%swap3A_246, %swap3A_247] {strides = array<i32>} : memref<16x512xf32, #tpu.memory_space<vmem>>, vector<16xf32>,
    tpu.vector_store %arg5[%swap3A_246, %swap3A_247], %broadcast_in_dim3A_1 {strides = array<i32>} : memref<16x512xf32, #tpu.memory_space<vmem>>, vector<16xf32>,
    %swap3A_249 = arith.constant 1 : i32
    %swap3A_250 = arith.index_cast %swap3A_249 : i32 to index
    %swap3A_251 = arith.constant 480 : index
    %swap3A_252 = tpu.vector_load %arg5[%swap3A_250, %swap3A_251] {strides = array<i32>} : memref<16x512xf32, #tpu.memory_space<vmem>>, vector<16xf32>,
    tpu.vector_store %arg5[%swap3A_250, %swap3A_251], %broadcast_in_dim3A_1 {strides = array<i32>} : memref<16x512xf32, #tpu.memory_space<vmem>>, vector<16xf32>,
    %swap3A_253 = arith.constant 1 : i32
    %swap3A_254 = arith.index_cast %swap3A_253 : i32 to index
    %swap3A_255 = arith.constant 496 : index
    %swap3A_256 = tpu.vector_load %arg5[%swap3A_254, %swap3A_255] {strides = array<i32>} : memref<16x512xf32, #tpu.memory_space<vmem>>, vector<16xf32>,
    tpu.vector_store %arg5[%swap3A_254, %swap3A_255], %broadcast_in_dim3A_1 {strides = array<i32>} : memref<16x512xf32, #tpu.memory_space<vmem>>, vector<16xf32>,
    %swap3A_257 = arith.constant 2 : i32
    %swap3A_258 = arith.index_cast %swap3A_257 : i32 to index
    %swap3A_259 = arith.constant 0 : index
    %swap3A_260 = tpu.vector_load %arg5[%swap3A_258, %swap3A_259] {strides = array<i32>} : memref<16x512xf32, #tpu.memory_space<vmem>>, vector<16xf32>,
    tpu.vector_store %arg5[%swap3A_258, %swap3A_259], %broadcast_in_dim3A_1 {strides = array<i32>} : memref<16x512xf32, #tpu.memory_space<vmem>>, vector<16xf32>,
    %swap3A_261 = arith.constant 2 : i32
    %swap3A_262 = arith.index_cast %swap3A_261 : i32 to index
    %swap3A_263 = arith.constant 16 : index
    %swap3A_264 = tpu.vector_load %arg5[%swap3A_262, %swap3A_263] {strides = array<i32>} : memref<16x512xf32, #tpu.memory_space<vmem>>, vector<16xf32>,
    tpu.vector_store %arg5[%swap3A_262, %swap3A_263], %broadcast_in_dim3A_1 {strides = array<i32>} : memref<16x512xf32, #tpu.memory_space<vmem>>, vector<16xf32>,
    %swap3A_265 = arith.constant 2 : i32
    %swap3A_266 = arith.index_cast %swap3A_265 : i32 to index
    %swap3A_267 = arith.constant 32 : index
    %swap3A_268 = tpu.vector_load %arg5[%swap3A_266, %swap3A_267] {strides = array<i32>} : memref<16x512xf32, #tpu.memory_space<vmem>>, vector<16xf32>,
    tpu.vector_store %arg5[%swap3A_266, %swap3A_267], %broadcast_in_dim3A_1 {strides = array<i32>} : memref<16x512xf32, #tpu.memory_space<vmem>>, vector<16xf32>,
    %swap3A_269 = arith.constant 2 : i32
    %swap3A_270 = arith.index_cast %swap3A_269 : i32 to index
    %swap3A_271 = arith.constant 48 : index
    %swap3A_272 = tpu.vector_load %arg5[%swap3A_270, %swap3A_271] {strides = array<i32>} : memref<16x512xf32, #tpu.memory_space<vmem>>, vector<16xf32>,
    tpu.vector_store %arg5[%swap3A_270, %swap3A_271], %broadcast_in_dim3A_1 {strides = array<i32>} : memref<16x512xf32, #tpu.memory_space<vmem>>, vector<16xf32>,
    %swap3A_273 = arith.constant 2 : i32
    %swap3A_274 = arith.index_cast %swap3A_273 : i32 to index
    %swap3A_275 = arith.constant 64 : index
    %swap3A_276 = tpu.vector_load %arg5[%swap3A_274, %swap3A_275] {strides = array<i32>} : memref<16x512xf32, #tpu.memory_space<vmem>>, vector<16xf32>,
    tpu.vector_store %arg5[%swap3A_274, %swap3A_275], %broadcast_in_dim3A_1 {strides = array<i32>} : memref<16x512xf32, #tpu.memory_space<vmem>>, vector<16xf32>,
    %swap3A_277 = arith.constant 2 : i32
    %swap3A_278 = arith.index_cast %swap3A_277 : i32 to index
    %swap3A_279 = arith.constant 80 : index
    %swap3A_280 = tpu.vector_load %arg5[%swap3A_278, %swap3A_279] {strides = array<i32>} : memref<16x512xf32, #tpu.memory_space<vmem>>, vector<16xf32>,
    tpu.vector_store %arg5[%swap3A_278, %swap3A_279], %broadcast_in_dim3A_1 {strides = array<i32>} : memref<16x512xf32, #tpu.memory_space<vmem>>, vector<16xf32>,
    %swap3A_281 = arith.constant 2 : i32
    %swap3A_282 = arith.index_cast %swap3A_281 : i32 to index
    %swap3A_283 = arith.constant 96 : index
    %swap3A_284 = tpu.vector_load %arg5[%swap3A_282, %swap3A_283] {strides = array<i32>} : memref<16x512xf32, #tpu.memory_space<vmem>>, vector<16xf32>,
    tpu.vector_store %arg5[%swap3A_282, %swap3A_283], %broadcast_in_dim3A_1 {strides = array<i32>} : memref<16x512xf32, #tpu.memory_space<vmem>>, vector<16xf32>,
    %swap3A_285 = arith.constant 2 : i32
    %swap3A_286 = arith.index_cast %swap3A_285 : i32 to index
    %swap3A_287 = arith.constant 112 : index
    %swap3A_288 = tpu.vector_load %arg5[%swap3A_286, %swap3A_287] {strides = array<i32>} : memref<16x512xf32, #tpu.memory_space<vmem>>, vector<16xf32>,
    tpu.vector_store %arg5[%swap3A_286, %swap3A_287], %broadcast_in_dim3A_1 {strides = array<i32>} : memref<16x512xf32, #tpu.memory_space<vmem>>, vector<16xf32>,
    %swap3A_289 = arith.constant 2 : i32
    %swap3A_290 = arith.index_cast %swap3A_289 : i32 to index
    %swap3A_291 = arith.constant 128 : index
    %swap3A_292 = tpu.vector_load %arg5[%swap3A_290, %swap3A_291] {strides = array<i32>} : memref<16x512xf32, #tpu.memory_space<vmem>>, vector<16xf32>,
    tpu.vector_store %arg5[%swap3A_290, %swap3A_291], %broadcast_in_dim3A_1 {strides = array<i32>} : memref<16x512xf32, #tpu.memory_space<vmem>>, vector<16xf32>,
    %swap3A_293 = arith.constant 2 : i32
    %swap3A_294 = arith.index_cast %swap3A_293 : i32 to index
    %swap3A_295 = arith.constant 144 : index
    %swap3A_296 = tpu.vector_load %arg5[%swap3A_294, %swap3A_295] {strides = array<i32>} : memref<16x512xf32, #tpu.memory_space<vmem>>, vector<16xf32>,
    tpu.vector_store %arg5[%swap3A_294, %swap3A_295], %broadcast_in_dim3A_1 {strides = array<i32>} : memref<16x512xf32, #tpu.memory_space<vmem>>, vector<16xf32>,
    %swap3A_297 = arith.constant 2 : i32
    %swap3A_298 = arith.index_cast %swap3A_297 : i32 to index
    %swap3A_299 = arith.constant 160 : index
    %swap3A_300 = tpu.vector_load %arg5[%swap3A_298, %swap3A_299] {strides = array<i32>} : memref<16x512xf32, #tpu.memory_space<vmem>>, vector<16xf32>,
    tpu.vector_store %arg5[%swap3A_298, %swap3A_299], %broadcast_in_dim3A_1 {strides = array<i32>} : memref<16x512xf32, #tpu.memory_space<vmem>>, vector<16xf32>,
    %swap3A_301 = arith.constant 2 : i32
    %swap3A_302 = arith.index_cast %swap3A_301 : i32 to index
    %swap3A_303 = arith.constant 176 : index
    %swap3A_304 = tpu.vector_load %arg5[%swap3A_302, %swap3A_303] {strides = array<i32>} : memref<16x512xf32, #tpu.memory_space<vmem>>, vector<16xf32>,
    tpu.vector_store %arg5[%swap3A_302, %swap3A_303], %broadcast_in_dim3A_1 {strides = array<i32>} : memref<16x512xf32, #tpu.memory_space<vmem>>, vector<16xf32>,
    %swap3A_305 = arith.constant 2 : i32
    %swap3A_306 = arith.index_cast %swap3A_305 : i32 to index
    %swap3A_307 = arith.constant 192 : index
    %swap3A_308 = tpu.vector_load %arg5[%swap3A_306, %swap3A_307] {strides = array<i32>} : memref<16x512xf32, #tpu.memory_space<vmem>>, vector<16xf32>,
    tpu.vector_store %arg5[%swap3A_306, %swap3A_307], %broadcast_in_dim3A_1 {strides = array<i32>} : memref<16x512xf32, #tpu.memory_space<vmem>>, vector<16xf32>,
    %swap3A_309 = arith.constant 2 : i32
    %swap3A_310 = arith.index_cast %swap3A_309 : i32 to index
    %swap3A_311 = arith.constant 208 : index
    %swap3A_312 = tpu.vector_load %arg5[%swap3A_310, %swap3A_311] {strides = array<i32>} : memref<16x512xf32, #tpu.memory_space<vmem>>, vector<16xf32>,
    tpu.vector_store %arg5[%swap3A_310, %swap3A_311], %broadcast_in_dim3A_1 {strides = array<i32>} : memref<16x512xf32, #tpu.memory_space<vmem>>, vector<16xf32>,
    %swap3A_313 = arith.constant 2 : i32
    %swap3A_314 = arith.index_cast %swap3A_313 : i32 to index
    %swap3A_315 = arith.constant 224 : index
    %swap3A_316 = tpu.vector_load %arg5[%swap3A_314, %swap3A_315] {strides = array<i32>} : memref<16x512xf32, #tpu.memory_space<vmem>>, vector<16xf32>,
    tpu.vector_store %arg5[%swap3A_314, %swap3A_315], %broadcast_in_dim3A_1 {strides = array<i32>} : memref<16x512xf32, #tpu.memory_space<vmem>>, vector<16xf32>,
    %swap3A_317 = arith.constant 2 : i32
    %swap3A_318 = arith.index_cast %swap3A_317 : i32 to index
    %swap3A_319 = arith.constant 240 : index
    %swap3A_320 = tpu.vector_load %arg5[%swap3A_318, %swap3A_319] {strides = array<i32>} : memref<16x512xf32, #tpu.memory_space<vmem>>, vector<16xf32>,
    tpu.vector_store %arg5[%swap3A_318, %swap3A_319], %broadcast_in_dim3A_1 {strides = array<i32>} : memref<16x512xf32, #tpu.memory_space<vmem>>, vector<16xf32>,
    %swap3A_321 = arith.constant 2 : i32
    %swap3A_322 = arith.index_cast %swap3A_321 : i32 to index
    %swap3A_323 = arith.constant 256 : index
    %swap3A_324 = tpu.vector_load %arg5[%swap3A_322, %swap3A_323] {strides = array<i32>} : memref<16x512xf32, #tpu.memory_space<vmem>>, vector<16xf32>,
    tpu.vector_store %arg5[%swap3A_322, %swap3A_323], %broadcast_in_dim3A_1 {strides = array<i32>} : memref<16x512xf32, #tpu.memory_space<vmem>>, vector<16xf32>,
    %swap3A_325 = arith.constant 2 : i32
    %swap3A_326 = arith.index_cast %swap3A_325 : i32 to index
    %swap3A_327 = arith.constant 272 : index
    %swap3A_328 = tpu.vector_load %arg5[%swap3A_326, %swap3A_327] {strides = array<i32>} : memref<16x512xf32, #tpu.memory_space<vmem>>, vector<16xf32>,
    tpu.vector_store %arg5[%swap3A_326, %swap3A_327], %broadcast_in_dim3A_1 {strides = array<i32>} : memref<16x512xf32, #tpu.memory_space<vmem>>, vector<16xf32>,
    %swap3A_329 = arith.constant 2 : i32
    %swap3A_330 = arith.index_cast %swap3A_329 : i32 to index
    %swap3A_331 = arith.constant 288 : index
    %swap3A_332 = tpu.vector_load %arg5[%swap3A_330, %swap3A_331] {strides = array<i32>} : memref<16x512xf32, #tpu.memory_space<vmem>>, vector<16xf32>,
    tpu.vector_store %arg5[%swap3A_330, %swap3A_331], %broadcast_in_dim3A_1 {strides = array<i32>} : memref<16x512xf32, #tpu.memory_space<vmem>>, vector<16xf32>,
    %swap3A_333 = arith.constant 2 : i32
    %swap3A_334 = arith.index_cast %swap3A_333 : i32 to index
    %swap3A_335 = arith.constant 304 : index
    %swap3A_336 = tpu.vector_load %arg5[%swap3A_334, %swap3A_335] {strides = array<i32>} : memref<16x512xf32, #tpu.memory_space<vmem>>, vector<16xf32>,
    tpu.vector_store %arg5[%swap3A_334, %swap3A_335], %broadcast_in_dim3A_1 {strides = array<i32>} : memref<16x512xf32, #tpu.memory_space<vmem>>, vector<16xf32>,
    %swap3A_337 = arith.constant 2 : i32
    %swap3A_338 = arith.index_cast %swap3A_337 : i32 to index
    %swap3A_339 = arith.constant 320 : index
    %swap3A_340 = tpu.vector_load %arg5[%swap3A_338, %swap3A_339] {strides = array<i32>} : memref<16x512xf32, #tpu.memory_space<vmem>>, vector<16xf32>,
    tpu.vector_store %arg5[%swap3A_338, %swap3A_339], %broadcast_in_dim3A_1 {strides = array<i32>} : memref<16x512xf32, #tpu.memory_space<vmem>>, vector<16xf32>,
    %swap3A_341 = arith.constant 2 : i32
    %swap3A_342 = arith.index_cast %swap3A_341 : i32 to index
    %swap3A_343 = arith.constant 336 : index
    %swap3A_344 = tpu.vector_load %arg5[%swap3A_342, %swap3A_343] {strides = array<i32>} : memref<16x512xf32, #tpu.memory_space<vmem>>, vector<16xf32>,
    tpu.vector_store %arg5[%swap3A_342, %swap3A_343], %broadcast_in_dim3A_1 {strides = array<i32>} : memref<16x512xf32, #tpu.memory_space<vmem>>, vector<16xf32>,
    %swap3A_345 = arith.constant 2 : i32
    %swap3A_346 = arith.index_cast %swap3A_345 : i32 to index
    %swap3A_347 = arith.constant 352 : index
    %swap3A_348 = tpu.vector_load %arg5[%swap3A_346, %swap3A_347] {strides = array<i32>} : memref<16x512xf32, #tpu.memory_space<vmem>>, vector<16xf32>,
    tpu.vector_store %arg5[%swap3A_346, %swap3A_347], %broadcast_in_dim3A_1 {strides = array<i32>} : memref<16x512xf32, #tpu.memory_space<vmem>>, vector<16xf32>,
    %swap3A_349 = arith.constant 2 : i32
    %swap3A_350 = arith.index_cast %swap3A_349 : i32 to index
    %swap3A_351 = arith.constant 368 : index
    %swap3A_352 = tpu.vector_load %arg5[%swap3A_350, %swap3A_351] {strides = array<i32>} : memref<16x512xf32, #tpu.memory_space<vmem>>, vector<16xf32>,
    tpu.vector_store %arg5[%swap3A_350, %swap3A_351], %broadcast_in_dim3A_1 {strides = array<i32>} : memref<16x512xf32, #tpu.memory_space<vmem>>, vector<16xf32>,
    %swap3A_353 = arith.constant 2 : i32
    %swap3A_354 = arith.index_cast %swap3A_353 : i32 to index
    %swap3A_355 = arith.constant 384 : index
    %swap3A_356 = tpu.vector_load %arg5[%swap3A_354, %swap3A_355] {strides = array<i32>} : memref<16x512xf32, #tpu.memory_space<vmem>>, vector<16xf32>,
    tpu.vector_store %arg5[%swap3A_354, %swap3A_355], %broadcast_in_dim3A_1 {strides = array<i32>} : memref<16x512xf32, #tpu.memory_space<vmem>>, vector<16xf32>,
    %swap3A_357 = arith.constant 2 : i32
    %swap3A_358 = arith.index_cast %swap3A_357 : i32 to index
    %swap3A_359 = arith.constant 400 : index
    %swap3A_360 = tpu.vector_load %arg5[%swap3A_358, %swap3A_359] {strides = array<i32>} : memref<16x512xf32, #tpu.memory_space<vmem>>, vector<16xf32>,
    tpu.vector_store %arg5[%swap3A_358, %swap3A_359], %broadcast_in_dim3A_1 {strides = array<i32>} : memref<16x512xf32, #tpu.memory_space<vmem>>, vector<16xf32>,
    %swap3A_361 = arith.constant 2 : i32
    %swap3A_362 = arith.index_cast %swap3A_361 : i32 to index
    %swap3A_363 = arith.constant 416 : index
    %swap3A_364 = tpu.vector_load %arg5[%swap3A_362, %swap3A_363] {strides = array<i32>} : memref<16x512xf32, #tpu.memory_space<vmem>>, vector<16xf32>,
    tpu.vector_store %arg5[%swap3A_362, %swap3A_363], %broadcast_in_dim3A_1 {strides = array<i32>} : memref<16x512xf32, #tpu.memory_space<vmem>>, vector<16xf32>,
    %swap3A_365 = arith.constant 2 : i32
    %swap3A_366 = arith.index_cast %swap3A_365 : i32 to index
    %swap3A_367 = arith.constant 432 : index
    %swap3A_368 = tpu.vector_load %arg5[%swap3A_366, %swap3A_367] {strides = array<i32>} : memref<16x512xf32, #tpu.memory_space<vmem>>, vector<16xf32>,
    tpu.vector_store %arg5[%swap3A_366, %swap3A_367], %broadcast_in_dim3A_1 {strides = array<i32>} : memref<16x512xf32, #tpu.memory_space<vmem>>, vector<16xf32>,
    %swap3A_369 = arith.constant 2 : i32
    %swap3A_370 = arith.index_cast %swap3A_369 : i32 to index
    %swap3A_371 = arith.constant 448 : index
    %swap3A_372 = tpu.vector_load %arg5[%swap3A_370, %swap3A_371] {strides = array<i32>} : memref<16x512xf32, #tpu.memory_space<vmem>>, vector<16xf32>,
    tpu.vector_store %arg5[%swap3A_370, %swap3A_371], %broadcast_in_dim3A_1 {strides = array<i32>} : memref<16x512xf32, #tpu.memory_space<vmem>>, vector<16xf32>,
    %swap3A_373 = arith.constant 2 : i32
    %swap3A_374 = arith.index_cast %swap3A_373 : i32 to index
    %swap3A_375 = arith.constant 464 : index
    %swap3A_376 = tpu.vector_load %arg5[%swap3A_374, %swap3A_375] {strides = array<i32>} : memref<16x512xf32, #tpu.memory_space<vmem>>, vector<16xf32>,
    tpu.vector_store %arg5[%swap3A_374, %swap3A_375], %broadcast_in_dim3A_1 {strides = array<i32>} : memref<16x512xf32, #tpu.memory_space<vmem>>, vector<16xf32>,
    %swap3A_377 = arith.constant 2 : i32
    %swap3A_378 = arith.index_cast %swap3A_377 : i32 to index
    %swap3A_379 = arith.constant 480 : index
    %swap3A_380 = tpu.vector_load %arg5[%swap3A_378, %swap3A_379] {strides = array<i32>} : memref<16x512xf32, #tpu.memory_space<vmem>>, vector<16xf32>,
    tpu.vector_store %arg5[%swap3A_378, %swap3A_379], %broadcast_in_dim3A_1 {strides = array<i32>} : memref<16x512xf32, #tpu.memory_space<vmem>>, vector<16xf32>,
    %swap3A_381 = arith.constant 2 : i32
    %swap3A_382 = arith.index_cast %swap3A_381 : i32 to index
    %swap3A_383 = arith.constant 496 : index
    %swap3A_384 = tpu.vector_load %arg5[%swap3A_382, %swap3A_383] {strides = array<i32>} : memref<16x512xf32, #tpu.memory_space<vmem>>, vector<16xf32>,
    tpu.vector_store %arg5[%swap3A_382, %swap3A_383], %broadcast_in_dim3A_1 {strides = array<i32>} : memref<16x512xf32, #tpu.memory_space<vmem>>, vector<16xf32>,
    %swap3A_385 = arith.constant 3 : i32
    %swap3A_386 = arith.index_cast %swap3A_385 : i32 to index
    %swap3A_387 = arith.constant 0 : index
    %swap3A_388 = tpu.vector_load %arg5[%swap3A_386, %swap3A_387] {strides = array<i32>} : memref<16x512xf32, #tpu.memory_space<vmem>>, vector<16xf32>,
    tpu.vector_store %arg5[%swap3A_386, %swap3A_387], %broadcast_in_dim3A_1 {strides = array<i32>} : memref<16x512xf32, #tpu.memory_space<vmem>>, vector<16xf32>,
    %swap3A_389 = arith.constant 3 : i32
    %swap3A_390 = arith.index_cast %swap3A_389 : i32 to index
    %swap3A_391 = arith.constant 16 : index
    %swap3A_392 = tpu.vector_load %arg5[%swap3A_390, %swap3A_391] {strides = array<i32>} : memref<16x512xf32, #tpu.memory_space<vmem>>, vector<16xf32>,
    tpu.vector_store %arg5[%swap3A_390, %swap3A_391], %broadcast_in_dim3A_1 {strides = array<i32>} : memref<16x512xf32, #tpu.memory_space<vmem>>, vector<16xf32>,
    %swap3A_393 = arith.constant 3 : i32
    %swap3A_394 = arith.index_cast %swap3A_393 : i32 to index
    %swap3A_395 = arith.constant 32 : index
    %swap3A_396 = tpu.vector_load %arg5[%swap3A_394, %swap3A_395] {strides = array<i32>} : memref<16x512xf32, #tpu.memory_space<vmem>>, vector<16xf32>,
    tpu.vector_store %arg5[%swap3A_394, %swap3A_395], %broadcast_in_dim3A_1 {strides = array<i32>} : memref<16x512xf32, #tpu.memory_space<vmem>>, vector<16xf32>,
    %swap3A_397 = arith.constant 3 : i32
    %swap3A_398 = arith.index_cast %swap3A_397 : i32 to index
    %swap3A_399 = arith.constant 48 : index
    %swap3A_400 = tpu.vector_load %arg5[%swap3A_398, %swap3A_399] {strides = array<i32>} : memref<16x512xf32, #tpu.memory_space<vmem>>, vector<16xf32>,
    tpu.vector_store %arg5[%swap3A_398, %swap3A_399], %broadcast_in_dim3A_1 {strides = array<i32>} : memref<16x512xf32, #tpu.memory_space<vmem>>, vector<16xf32>,
    %swap3A_401 = arith.constant 3 : i32
    %swap3A_402 = arith.index_cast %swap3A_401 : i32 to index
    %swap3A_403 = arith.constant 64 : index
    %swap3A_404 = tpu.vector_load %arg5[%swap3A_402, %swap3A_403] {strides = array<i32>} : memref<16x512xf32, #tpu.memory_space<vmem>>, vector<16xf32>,
    tpu.vector_store %arg5[%swap3A_402, %swap3A_403], %broadcast_in_dim3A_1 {strides = array<i32>} : memref<16x512xf32, #tpu.memory_space<vmem>>, vector<16xf32>,
    %swap3A_405 = arith.constant 3 : i32
    %swap3A_406 = arith.index_cast %swap3A_405 : i32 to index
    %swap3A_407 = arith.constant 80 : index
    %swap3A_408 = tpu.vector_load %arg5[%swap3A_406, %swap3A_407] {strides = array<i32>} : memref<16x512xf32, #tpu.memory_space<vmem>>, vector<16xf32>,
    tpu.vector_store %arg5[%swap3A_406, %swap3A_407], %broadcast_in_dim3A_1 {strides = array<i32>} : memref<16x512xf32, #tpu.memory_space<vmem>>, vector<16xf32>,
    %swap3A_409 = arith.constant 3 : i32
    %swap3A_410 = arith.index_cast %swap3A_409 : i32 to index
    %swap3A_411 = arith.constant 96 : index
    %swap3A_412 = tpu.vector_load %arg5[%swap3A_410, %swap3A_411] {strides = array<i32>} : memref<16x512xf32, #tpu.memory_space<vmem>>, vector<16xf32>,
    tpu.vector_store %arg5[%swap3A_410, %swap3A_411], %broadcast_in_dim3A_1 {strides = array<i32>} : memref<16x512xf32, #tpu.memory_space<vmem>>, vector<16xf32>,
    %swap3A_413 = arith.constant 3 : i32
    %swap3A_414 = arith.index_cast %swap3A_413 : i32 to index
    %swap3A_415 = arith.constant 112 : index
    %swap3A_416 = tpu.vector_load %arg5[%swap3A_414, %swap3A_415] {strides = array<i32>} : memref<16x512xf32, #tpu.memory_space<vmem>>, vector<16xf32>,
    tpu.vector_store %arg5[%swap3A_414, %swap3A_415], %broadcast_in_dim3A_1 {strides = array<i32>} : memref<16x512xf32, #tpu.memory_space<vmem>>, vector<16xf32>,
    %swap3A_417 = arith.constant 3 : i32
    %swap3A_418 = arith.index_cast %swap3A_417 : i32 to index
    %swap3A_419 = arith.constant 128 : index
    %swap3A_420 = tpu.vector_load %arg5[%swap3A_418, %swap3A_419] {strides = array<i32>} : memref<16x512xf32, #tpu.memory_space<vmem>>, vector<16xf32>,
    tpu.vector_store %arg5[%swap3A_418, %swap3A_419], %broadcast_in_dim3A_1 {strides = array<i32>} : memref<16x512xf32, #tpu.memory_space<vmem>>, vector<16xf32>,
    %swap3A_421 = arith.constant 3 : i32
    %swap3A_422 = arith.index_cast %swap3A_421 : i32 to index
    %swap3A_423 = arith.constant 144 : index
    %swap3A_424 = tpu.vector_load %arg5[%swap3A_422, %swap3A_423] {strides = array<i32>} : memref<16x512xf32, #tpu.memory_space<vmem>>, vector<16xf32>,
    tpu.vector_store %arg5[%swap3A_422, %swap3A_423], %broadcast_in_dim3A_1 {strides = array<i32>} : memref<16x512xf32, #tpu.memory_space<vmem>>, vector<16xf32>,
    %swap3A_425 = arith.constant 3 : i32
    %swap3A_426 = arith.index_cast %swap3A_425 : i32 to index
    %swap3A_427 = arith.constant 160 : index
    %swap3A_428 = tpu.vector_load %arg5[%swap3A_426, %swap3A_427] {strides = array<i32>} : memref<16x512xf32, #tpu.memory_space<vmem>>, vector<16xf32>,
    tpu.vector_store %arg5[%swap3A_426, %swap3A_427], %broadcast_in_dim3A_1 {strides = array<i32>} : memref<16x512xf32, #tpu.memory_space<vmem>>, vector<16xf32>,
    %swap3A_429 = arith.constant 3 : i32
    %swap3A_430 = arith.index_cast %swap3A_429 : i32 to index
    %swap3A_431 = arith.constant 176 : index
    %swap3A_432 = tpu.vector_load %arg5[%swap3A_430, %swap3A_431] {strides = array<i32>} : memref<16x512xf32, #tpu.memory_space<vmem>>, vector<16xf32>,
    tpu.vector_store %arg5[%swap3A_430, %swap3A_431], %broadcast_in_dim3A_1 {strides = array<i32>} : memref<16x512xf32, #tpu.memory_space<vmem>>, vector<16xf32>,
    %swap3A_433 = arith.constant 3 : i32
    %swap3A_434 = arith.index_cast %swap3A_433 : i32 to index
    %swap3A_435 = arith.constant 192 : index
    %swap3A_436 = tpu.vector_load %arg5[%swap3A_434, %swap3A_435] {strides = array<i32>} : memref<16x512xf32, #tpu.memory_space<vmem>>, vector<16xf32>,
    tpu.vector_store %arg5[%swap3A_434, %swap3A_435], %broadcast_in_dim3A_1 {strides = array<i32>} : memref<16x512xf32, #tpu.memory_space<vmem>>, vector<16xf32>,
    %swap3A_437 = arith.constant 3 : i32
    %swap3A_438 = arith.index_cast %swap3A_437 : i32 to index
    %swap3A_439 = arith.constant 208 : index
    %swap3A_440 = tpu.vector_load %arg5[%swap3A_438, %swap3A_439] {strides = array<i32>} : memref<16x512xf32, #tpu.memory_space<vmem>>, vector<16xf32>,
    tpu.vector_store %arg5[%swap3A_438, %swap3A_439], %broadcast_in_dim3A_1 {strides = array<i32>} : memref<16x512xf32, #tpu.memory_space<vmem>>, vector<16xf32>,
    %swap3A_441 = arith.constant 3 : i32
    %swap3A_442 = arith.index_cast %swap3A_441 : i32 to index
    %swap3A_443 = arith.constant 224 : index
    %swap3A_444 = tpu.vector_load %arg5[%swap3A_442, %swap3A_443] {strides = array<i32>} : memref<16x512xf32, #tpu.memory_space<vmem>>, vector<16xf32>,
    tpu.vector_store %arg5[%swap3A_442, %swap3A_443], %broadcast_in_dim3A_1 {strides = array<i32>} : memref<16x512xf32, #tpu.memory_space<vmem>>, vector<16xf32>,
    %swap3A_445 = arith.constant 3 : i32
    %swap3A_446 = arith.index_cast %swap3A_445 : i32 to index
    %swap3A_447 = arith.constant 240 : index
    %swap3A_448 = tpu.vector_load %arg5[%swap3A_446, %swap3A_447] {strides = array<i32>} : memref<16x512xf32, #tpu.memory_space<vmem>>, vector<16xf32>,
    tpu.vector_store %arg5[%swap3A_446, %swap3A_447], %broadcast_in_dim3A_1 {strides = array<i32>} : memref<16x512xf32, #tpu.memory_space<vmem>>, vector<16xf32>,
    %swap3A_449 = arith.constant 3 : i32
    %swap3A_450 = arith.index_cast %swap3A_449 : i32 to index
    %swap3A_451 = arith.constant 256 : index
    %swap3A_452 = tpu.vector_load %arg5[%swap3A_450, %swap3A_451] {strides = array<i32>} : memref<16x512xf32, #tpu.memory_space<vmem>>, vector<16xf32>,
    tpu.vector_store %arg5[%swap3A_450, %swap3A_451], %broadcast_in_dim3A_1 {strides = array<i32>} : memref<16x512xf32, #tpu.memory_space<vmem>>, vector<16xf32>,
    %swap3A_453 = arith.constant 3 : i32
    %swap3A_454 = arith.index_cast %swap3A_453 : i32 to index
    %swap3A_455 = arith.constant 272 : index
    %swap3A_456 = tpu.vector_load %arg5[%swap3A_454, %swap3A_455] {strides = array<i32>} : memref<16x512xf32, #tpu.memory_space<vmem>>, vector<16xf32>,
    tpu.vector_store %arg5[%swap3A_454, %swap3A_455], %broadcast_in_dim3A_1 {strides = array<i32>} : memref<16x512xf32, #tpu.memory_space<vmem>>, vector<16xf32>,
    %swap3A_457 = arith.constant 3 : i32
    %swap3A_458 = arith.index_cast %swap3A_457 : i32 to index
    %swap3A_459 = arith.constant 288 : index
    %swap3A_460 = tpu.vector_load %arg5[%swap3A_458, %swap3A_459] {strides = array<i32>} : memref<16x512xf32, #tpu.memory_space<vmem>>, vector<16xf32>,
    tpu.vector_store %arg5[%swap3A_458, %swap3A_459], %broadcast_in_dim3A_1 {strides = array<i32>} : memref<16x512xf32, #tpu.memory_space<vmem>>, vector<16xf32>,
    %swap3A_461 = arith.constant 3 : i32
    %swap3A_462 = arith.index_cast %swap3A_461 : i32 to index
    %swap3A_463 = arith.constant 304 : index
    %swap3A_464 = tpu.vector_load %arg5[%swap3A_462, %swap3A_463] {strides = array<i32>} : memref<16x512xf32, #tpu.memory_space<vmem>>, vector<16xf32>,
    tpu.vector_store %arg5[%swap3A_462, %swap3A_463], %broadcast_in_dim3A_1 {strides = array<i32>} : memref<16x512xf32, #tpu.memory_space<vmem>>, vector<16xf32>,
    %swap3A_465 = arith.constant 3 : i32
    %swap3A_466 = arith.index_cast %swap3A_465 : i32 to index
    %swap3A_467 = arith.constant 320 : index
    %swap3A_468 = tpu.vector_load %arg5[%swap3A_466, %swap3A_467] {strides = array<i32>} : memref<16x512xf32, #tpu.memory_space<vmem>>, vector<16xf32>,
    tpu.vector_store %arg5[%swap3A_466, %swap3A_467], %broadcast_in_dim3A_1 {strides = array<i32>} : memref<16x512xf32, #tpu.memory_space<vmem>>, vector<16xf32>,
    %swap3A_469 = arith.constant 3 : i32
    %swap3A_470 = arith.index_cast %swap3A_469 : i32 to index
    %swap3A_471 = arith.constant 336 : index
    %swap3A_472 = tpu.vector_load %arg5[%swap3A_470, %swap3A_471] {strides = array<i32>} : memref<16x512xf32, #tpu.memory_space<vmem>>, vector<16xf32>,
    tpu.vector_store %arg5[%swap3A_470, %swap3A_471], %broadcast_in_dim3A_1 {strides = array<i32>} : memref<16x512xf32, #tpu.memory_space<vmem>>, vector<16xf32>,
    %swap3A_473 = arith.constant 3 : i32
    %swap3A_474 = arith.index_cast %swap3A_473 : i32 to index
    %swap3A_475 = arith.constant 352 : index
    %swap3A_476 = tpu.vector_load %arg5[%swap3A_474, %swap3A_475] {strides = array<i32>} : memref<16x512xf32, #tpu.memory_space<vmem>>, vector<16xf32>,
    tpu.vector_store %arg5[%swap3A_474, %swap3A_475], %broadcast_in_dim3A_1 {strides = array<i32>} : memref<16x512xf32, #tpu.memory_space<vmem>>, vector<16xf32>,
    %swap3A_477 = arith.constant 3 : i32
    %swap3A_478 = arith.index_cast %swap3A_477 : i32 to index
    %swap3A_479 = arith.constant 368 : index
    %swap3A_480 = tpu.vector_load %arg5[%swap3A_478, %swap3A_479] {strides = array<i32>} : memref<16x512xf32, #tpu.memory_space<vmem>>, vector<16xf32>,
    tpu.vector_store %arg5[%swap3A_478, %swap3A_479], %broadcast_in_dim3A_1 {strides = array<i32>} : memref<16x512xf32, #tpu.memory_space<vmem>>, vector<16xf32>,
    %swap3A_481 = arith.constant 3 : i32
    %swap3A_482 = arith.index_cast %swap3A_481 : i32 to index
    %swap3A_483 = arith.constant 384 : index
    %swap3A_484 = tpu.vector_load %arg5[%swap3A_482, %swap3A_483] {strides = array<i32>} : memref<16x512xf32, #tpu.memory_space<vmem>>, vector<16xf32>,
    tpu.vector_store %arg5[%swap3A_482, %swap3A_483], %broadcast_in_dim3A_1 {strides = array<i32>} : memref<16x512xf32, #tpu.memory_space<vmem>>, vector<16xf32>,
    %swap3A_485 = arith.constant 3 : i32
    %swap3A_486 = arith.index_cast %swap3A_485 : i32 to index
    %swap3A_487 = arith.constant 400 : index
    %swap3A_488 = tpu.vector_load %arg5[%swap3A_486, %swap3A_487] {strides = array<i32>} : memref<16x512xf32, #tpu.memory_space<vmem>>, vector<16xf32>,
    tpu.vector_store %arg5[%swap3A_486, %swap3A_487], %broadcast_in_dim3A_1 {strides = array<i32>} : memref<16x512xf32, #tpu.memory_space<vmem>>, vector<16xf32>,
    %swap3A_489 = arith.constant 3 : i32
    %swap3A_490 = arith.index_cast %swap3A_489 : i32 to index
    %swap3A_491 = arith.constant 416 : index
    %swap3A_492 = tpu.vector_load %arg5[%swap3A_490, %swap3A_491] {strides = array<i32>} : memref<16x512xf32, #tpu.memory_space<vmem>>, vector<16xf32>,
    tpu.vector_store %arg5[%swap3A_490, %swap3A_491], %broadcast_in_dim3A_1 {strides = array<i32>} : memref<16x512xf32, #tpu.memory_space<vmem>>, vector<16xf32>,
    %swap3A_493 = arith.constant 3 : i32
    %swap3A_494 = arith.index_cast %swap3A_493 : i32 to index
    %swap3A_495 = arith.constant 432 : index
    %swap3A_496 = tpu.vector_load %arg5[%swap3A_494, %swap3A_495] {strides = array<i32>} : memref<16x512xf32, #tpu.memory_space<vmem>>, vector<16xf32>,
    tpu.vector_store %arg5[%swap3A_494, %swap3A_495], %broadcast_in_dim3A_1 {strides = array<i32>} : memref<16x512xf32, #tpu.memory_space<vmem>>, vector<16xf32>,
    %swap3A_497 = arith.constant 3 : i32
    %swap3A_498 = arith.index_cast %swap3A_497 : i32 to index
    %swap3A_499 = arith.constant 448 : index
    %swap3A_500 = tpu.vector_load %arg5[%swap3A_498, %swap3A_499] {strides = array<i32>} : memref<16x512xf32, #tpu.memory_space<vmem>>, vector<16xf32>,
    tpu.vector_store %arg5[%swap3A_498, %swap3A_499], %broadcast_in_dim3A_1 {strides = array<i32>} : memref<16x512xf32, #tpu.memory_space<vmem>>, vector<16xf32>,
    %swap3A_501 = arith.constant 3 : i32
    %swap3A_502 = arith.index_cast %swap3A_501 : i32 to index
    %swap3A_503 = arith.constant 464 : index
    %swap3A_504 = tpu.vector_load %arg5[%swap3A_502, %swap3A_503] {strides = array<i32>} : memref<16x512xf32, #tpu.memory_space<vmem>>, vector<16xf32>,
    tpu.vector_store %arg5[%swap3A_502, %swap3A_503], %broadcast_in_dim3A_1 {strides = array<i32>} : memref<16x512xf32, #tpu.memory_space<vmem>>, vector<16xf32>,
    %swap3A_505 = arith.constant 3 : i32
    %swap3A_506 = arith.index_cast %swap3A_505 : i32 to index
    %swap3A_507 = arith.constant 480 : index
    %swap3A_508 = tpu.vector_load %arg5[%swap3A_506, %swap3A_507] {strides = array<i32>} : memref<16x512xf32, #tpu.memory_space<vmem>>, vector<16xf32>,
    tpu.vector_store %arg5[%swap3A_506, %swap3A_507], %broadcast_in_dim3A_1 {strides = array<i32>} : memref<16x512xf32, #tpu.memory_space<vmem>>, vector<16xf32>,
    %swap3A_509 = arith.constant 3 : i32
    %swap3A_510 = arith.index_cast %swap3A_509 : i32 to index
    %swap3A_511 = arith.constant 496 : index
    %swap3A_512 = tpu.vector_load %arg5[%swap3A_510, %swap3A_511] {strides = array<i32>} : memref<16x512xf32, #tpu.memory_space<vmem>>, vector<16xf32>,
    tpu.vector_store %arg5[%swap3A_510, %swap3A_511], %broadcast_in_dim3A_1 {strides = array<i32>} : memref<16x512xf32, #tpu.memory_space<vmem>>, vector<16xf32>,
    %swap3A_513 = arith.constant 4 : i32
    %swap3A_514 = arith.index_cast %swap3A_513 : i32 to index
    %swap3A_515 = arith.constant 0 : index
    %swap3A_516 = tpu.vector_load %arg5[%swap3A_514, %swap3A_515] {strides = array<i32>} : memref<16x512xf32, #tpu.memory_space<vmem>>, vector<16xf32>,
    tpu.vector_store %arg5[%swap3A_514, %swap3A_515], %broadcast_in_dim3A_1 {strides = array<i32>} : memref<16x512xf32, #tpu.memory_space<vmem>>, vector<16xf32>,
    %swap3A_517 = arith.constant 4 : i32
    %swap3A_518 = arith.index_cast %swap3A_517 : i32 to index
    %swap3A_519 = arith.constant 16 : index
    %swap3A_520 = tpu.vector_load %arg5[%swap3A_518, %swap3A_519] {strides = array<i32>} : memref<16x512xf32, #tpu.memory_space<vmem>>, vector<16xf32>,
    tpu.vector_store %arg5[%swap3A_518, %swap3A_519], %broadcast_in_dim3A_1 {strides = array<i32>} : memref<16x512xf32, #tpu.memory_space<vmem>>, vector<16xf32>,
    %swap3A_521 = arith.constant 4 : i32
    %swap3A_522 = arith.index_cast %swap3A_521 : i32 to index
    %swap3A_523 = arith.constant 32 : index
    %swap3A_524 = tpu.vector_load %arg5[%swap3A_522, %swap3A_523] {strides = array<i32>} : memref<16x512xf32, #tpu.memory_space<vmem>>, vector<16xf32>,
    tpu.vector_store %arg5[%swap3A_522, %swap3A_523], %broadcast_in_dim3A_1 {strides = array<i32>} : memref<16x512xf32, #tpu.memory_space<vmem>>, vector<16xf32>,
    %swap3A_525 = arith.constant 4 : i32
    %swap3A_526 = arith.index_cast %swap3A_525 : i32 to index
    %swap3A_527 = arith.constant 48 : index
    %swap3A_528 = tpu.vector_load %arg5[%swap3A_526, %swap3A_527] {strides = array<i32>} : memref<16x512xf32, #tpu.memory_space<vmem>>, vector<16xf32>,
    tpu.vector_store %arg5[%swap3A_526, %swap3A_527], %broadcast_in_dim3A_1 {strides = array<i32>} : memref<16x512xf32, #tpu.memory_space<vmem>>, vector<16xf32>,
    %swap3A_529 = arith.constant 4 : i32
    %swap3A_530 = arith.index_cast %swap3A_529 : i32 to index
    %swap3A_531 = arith.constant 64 : index
    %swap3A_532 = tpu.vector_load %arg5[%swap3A_530, %swap3A_531] {strides = array<i32>} : memref<16x512xf32, #tpu.memory_space<vmem>>, vector<16xf32>,
    tpu.vector_store %arg5[%swap3A_530, %swap3A_531], %broadcast_in_dim3A_1 {strides = array<i32>} : memref<16x512xf32, #tpu.memory_space<vmem>>, vector<16xf32>,
    %swap3A_533 = arith.constant 4 : i32
    %swap3A_534 = arith.index_cast %swap3A_533 : i32 to index
    %swap3A_535 = arith.constant 80 : index
    %swap3A_536 = tpu.vector_load %arg5[%swap3A_534, %swap3A_535] {strides = array<i32>} : memref<16x512xf32, #tpu.memory_space<vmem>>, vector<16xf32>,
    tpu.vector_store %arg5[%swap3A_534, %swap3A_535], %broadcast_in_dim3A_1 {strides = array<i32>} : memref<16x512xf32, #tpu.memory_space<vmem>>, vector<16xf32>,
    %swap3A_537 = arith.constant 4 : i32
    %swap3A_538 = arith.index_cast %swap3A_537 : i32 to index
    %swap3A_539 = arith.constant 96 : index
    %swap3A_540 = tpu.vector_load %arg5[%swap3A_538, %swap3A_539] {strides = array<i32>} : memref<16x512xf32, #tpu.memory_space<vmem>>, vector<16xf32>,
    tpu.vector_store %arg5[%swap3A_538, %swap3A_539], %broadcast_in_dim3A_1 {strides = array<i32>} : memref<16x512xf32, #tpu.memory_space<vmem>>, vector<16xf32>,
    %swap3A_541 = arith.constant 4 : i32
    %swap3A_542 = arith.index_cast %swap3A_541 : i32 to index
    %swap3A_543 = arith.constant 112 : index
    %swap3A_544 = tpu.vector_load %arg5[%swap3A_542, %swap3A_543] {strides = array<i32>} : memref<16x512xf32, #tpu.memory_space<vmem>>, vector<16xf32>,
    tpu.vector_store %arg5[%swap3A_542, %swap3A_543], %broadcast_in_dim3A_1 {strides = array<i32>} : memref<16x512xf32, #tpu.memory_space<vmem>>, vector<16xf32>,
    %swap3A_545 = arith.constant 4 : i32
    %swap3A_546 = arith.index_cast %swap3A_545 : i32 to index
    %swap3A_547 = arith.constant 128 : index
    %swap3A_548 = tpu.vector_load %arg5[%swap3A_546, %swap3A_547] {strides = array<i32>} : memref<16x512xf32, #tpu.memory_space<vmem>>, vector<16xf32>,
    tpu.vector_store %arg5[%swap3A_546, %swap3A_547], %broadcast_in_dim3A_1 {strides = array<i32>} : memref<16x512xf32, #tpu.memory_space<vmem>>, vector<16xf32>,
    %swap3A_549 = arith.constant 4 : i32
    %swap3A_550 = arith.index_cast %swap3A_549 : i32 to index
    %swap3A_551 = arith.constant 144 : index
    %swap3A_552 = tpu.vector_load %arg5[%swap3A_550, %swap3A_551] {strides = array<i32>} : memref<16x512xf32, #tpu.memory_space<vmem>>, vector<16xf32>,
    tpu.vector_store %arg5[%swap3A_550, %swap3A_551], %broadcast_in_dim3A_1 {strides = array<i32>} : memref<16x512xf32, #tpu.memory_space<vmem>>, vector<16xf32>,
    %swap3A_553 = arith.constant 4 : i32
    %swap3A_554 = arith.index_cast %swap3A_553 : i32 to index
    %swap3A_555 = arith.constant 160 : index
    %swap3A_556 = tpu.vector_load %arg5[%swap3A_554, %swap3A_555] {strides = array<i32>} : memref<16x512xf32, #tpu.memory_space<vmem>>, vector<16xf32>,
    tpu.vector_store %arg5[%swap3A_554, %swap3A_555], %broadcast_in_dim3A_1 {strides = array<i32>} : memref<16x512xf32, #tpu.memory_space<vmem>>, vector<16xf32>,
    %swap3A_557 = arith.constant 4 : i32
    %swap3A_558 = arith.index_cast %swap3A_557 : i32 to index
    %swap3A_559 = arith.constant 176 : index
    %swap3A_560 = tpu.vector_load %arg5[%swap3A_558, %swap3A_559] {strides = array<i32>} : memref<16x512xf32, #tpu.memory_space<vmem>>, vector<16xf32>,
    tpu.vector_store %arg5[%swap3A_558, %swap3A_559], %broadcast_in_dim3A_1 {strides = array<i32>} : memref<16x512xf32, #tpu.memory_space<vmem>>, vector<16xf32>,
    %swap3A_561 = arith.constant 4 : i32
    %swap3A_562 = arith.index_cast %swap3A_561 : i32 to index
    %swap3A_563 = arith.constant 192 : index
    %swap3A_564 = tpu.vector_load %arg5[%swap3A_562, %swap3A_563] {strides = array<i32>} : memref<16x512xf32, #tpu.memory_space<vmem>>, vector<16xf32>,
    tpu.vector_store %arg5[%swap3A_562, %swap3A_563], %broadcast_in_dim3A_1 {strides = array<i32>} : memref<16x512xf32, #tpu.memory_space<vmem>>, vector<16xf32>,
    %swap3A_565 = arith.constant 4 : i32
    %swap3A_566 = arith.index_cast %swap3A_565 : i32 to index
    %swap3A_567 = arith.constant 208 : index
    %swap3A_568 = tpu.vector_load %arg5[%swap3A_566, %swap3A_567] {strides = array<i32>} : memref<16x512xf32, #tpu.memory_space<vmem>>, vector<16xf32>,
    tpu.vector_store %arg5[%swap3A_566, %swap3A_567], %broadcast_in_dim3A_1 {strides = array<i32>} : memref<16x512xf32, #tpu.memory_space<vmem>>, vector<16xf32>,
    %swap3A_569 = arith.constant 4 : i32
    %swap3A_570 = arith.index_cast %swap3A_569 : i32 to index
    %swap3A_571 = arith.constant 224 : index
    %swap3A_572 = tpu.vector_load %arg5[%swap3A_570, %swap3A_571] {strides = array<i32>} : memref<16x512xf32, #tpu.memory_space<vmem>>, vector<16xf32>,
    tpu.vector_store %arg5[%swap3A_570, %swap3A_571], %broadcast_in_dim3A_1 {strides = array<i32>} : memref<16x512xf32, #tpu.memory_space<vmem>>, vector<16xf32>,
    %swap3A_573 = arith.constant 4 : i32
    %swap3A_574 = arith.index_cast %swap3A_573 : i32 to index
    %swap3A_575 = arith.constant 240 : index
    %swap3A_576 = tpu.vector_load %arg5[%swap3A_574, %swap3A_575] {strides = array<i32>} : memref<16x512xf32, #tpu.memory_space<vmem>>, vector<16xf32>,
    tpu.vector_store %arg5[%swap3A_574, %swap3A_575], %broadcast_in_dim3A_1 {strides = array<i32>} : memref<16x512xf32, #tpu.memory_space<vmem>>, vector<16xf32>,
    %swap3A_577 = arith.constant 4 : i32
    %swap3A_578 = arith.index_cast %swap3A_577 : i32 to index
    %swap3A_579 = arith.constant 256 : index
    %swap3A_580 = tpu.vector_load %arg5[%swap3A_578, %swap3A_579] {strides = array<i32>} : memref<16x512xf32, #tpu.memory_space<vmem>>, vector<16xf32>,
    tpu.vector_store %arg5[%swap3A_578, %swap3A_579], %broadcast_in_dim3A_1 {strides = array<i32>} : memref<16x512xf32, #tpu.memory_space<vmem>>, vector<16xf32>,
    %swap3A_581 = arith.constant 4 : i32
    %swap3A_582 = arith.index_cast %swap3A_581 : i32 to index
    %swap3A_583 = arith.constant 272 : index
    %swap3A_584 = tpu.vector_load %arg5[%swap3A_582, %swap3A_583] {strides = array<i32>} : memref<16x512xf32, #tpu.memory_space<vmem>>, vector<16xf32>,
    tpu.vector_store %arg5[%swap3A_582, %swap3A_583], %broadcast_in_dim3A_1 {strides = array<i32>} : memref<16x512xf32, #tpu.memory_space<vmem>>, vector<16xf32>,
    %swap3A_585 = arith.constant 4 : i32
    %swap3A_586 = arith.index_cast %swap3A_585 : i32 to index
    %swap3A_587 = arith.constant 288 : index
    %swap3A_588 = tpu.vector_load %arg5[%swap3A_586, %swap3A_587] {strides = array<i32>} : memref<16x512xf32, #tpu.memory_space<vmem>>, vector<16xf32>,
    tpu.vector_store %arg5[%swap3A_586, %swap3A_587], %broadcast_in_dim3A_1 {strides = array<i32>} : memref<16x512xf32, #tpu.memory_space<vmem>>, vector<16xf32>,
    %swap3A_589 = arith.constant 4 : i32
    %swap3A_590 = arith.index_cast %swap3A_589 : i32 to index
    %swap3A_591 = arith.constant 304 : index
    %swap3A_592 = tpu.vector_load %arg5[%swap3A_590, %swap3A_591] {strides = array<i32>} : memref<16x512xf32, #tpu.memory_space<vmem>>, vector<16xf32>,
    tpu.vector_store %arg5[%swap3A_590, %swap3A_591], %broadcast_in_dim3A_1 {strides = array<i32>} : memref<16x512xf32, #tpu.memory_space<vmem>>, vector<16xf32>,
    %swap3A_593 = arith.constant 4 : i32
    %swap3A_594 = arith.index_cast %swap3A_593 : i32 to index
    %swap3A_595 = arith.constant 320 : index
    %swap3A_596 = tpu.vector_load %arg5[%swap3A_594, %swap3A_595] {strides = array<i32>} : memref<16x512xf32, #tpu.memory_space<vmem>>, vector<16xf32>,
    tpu.vector_store %arg5[%swap3A_594, %swap3A_595], %broadcast_in_dim3A_1 {strides = array<i32>} : memref<16x512xf32, #tpu.memory_space<vmem>>, vector<16xf32>,
    %swap3A_597 = arith.constant 4 : i32
    %swap3A_598 = arith.index_cast %swap3A_597 : i32 to index
    %swap3A_599 = arith.constant 336 : index
    %swap3A_600 = tpu.vector_load %arg5[%swap3A_598, %swap3A_599] {strides = array<i32>} : memref<16x512xf32, #tpu.memory_space<vmem>>, vector<16xf32>,
    tpu.vector_store %arg5[%swap3A_598, %swap3A_599], %broadcast_in_dim3A_1 {strides = array<i32>} : memref<16x512xf32, #tpu.memory_space<vmem>>, vector<16xf32>,
    %swap3A_601 = arith.constant 4 : i32
    %swap3A_602 = arith.index_cast %swap3A_601 : i32 to index
    %swap3A_603 = arith.constant 352 : index
    %swap3A_604 = tpu.vector_load %arg5[%swap3A_602, %swap3A_603] {strides = array<i32>} : memref<16x512xf32, #tpu.memory_space<vmem>>, vector<16xf32>,
    tpu.vector_store %arg5[%swap3A_602, %swap3A_603], %broadcast_in_dim3A_1 {strides = array<i32>} : memref<16x512xf32, #tpu.memory_space<vmem>>, vector<16xf32>,
    %swap3A_605 = arith.constant 4 : i32
    %swap3A_606 = arith.index_cast %swap3A_605 : i32 to index
    %swap3A_607 = arith.constant 368 : index
    %swap3A_608 = tpu.vector_load %arg5[%swap3A_606, %swap3A_607] {strides = array<i32>} : memref<16x512xf32, #tpu.memory_space<vmem>>, vector<16xf32>,
    tpu.vector_store %arg5[%swap3A_606, %swap3A_607], %broadcast_in_dim3A_1 {strides = array<i32>} : memref<16x512xf32, #tpu.memory_space<vmem>>, vector<16xf32>,
    %swap3A_609 = arith.constant 4 : i32
    %swap3A_610 = arith.index_cast %swap3A_609 : i32 to index
    %swap3A_611 = arith.constant 384 : index
    %swap3A_612 = tpu.vector_load %arg5[%swap3A_610, %swap3A_611] {strides = array<i32>} : memref<16x512xf32, #tpu.memory_space<vmem>>, vector<16xf32>,
    tpu.vector_store %arg5[%swap3A_610, %swap3A_611], %broadcast_in_dim3A_1 {strides = array<i32>} : memref<16x512xf32, #tpu.memory_space<vmem>>, vector<16xf32>,
    %swap3A_613 = arith.constant 4 : i32
    %swap3A_614 = arith.index_cast %swap3A_613 : i32 to index
    %swap3A_615 = arith.constant 400 : index
    %swap3A_616 = tpu.vector_load %arg5[%swap3A_614, %swap3A_615] {strides = array<i32>} : memref<16x512xf32, #tpu.memory_space<vmem>>, vector<16xf32>,
    tpu.vector_store %arg5[%swap3A_614, %swap3A_615], %broadcast_in_dim3A_1 {strides = array<i32>} : memref<16x512xf32, #tpu.memory_space<vmem>>, vector<16xf32>,
    %swap3A_617 = arith.constant 4 : i32
    %swap3A_618 = arith.index_cast %swap3A_617 : i32 to index
    %swap3A_619 = arith.constant 416 : index
    %swap3A_620 = tpu.vector_load %arg5[%swap3A_618, %swap3A_619] {strides = array<i32>} : memref<16x512xf32, #tpu.memory_space<vmem>>, vector<16xf32>,
    tpu.vector_store %arg5[%swap3A_618, %swap3A_619], %broadcast_in_dim3A_1 {strides = array<i32>} : memref<16x512xf32, #tpu.memory_space<vmem>>, vector<16xf32>,
    %swap3A_621 = arith.constant 4 : i32
    %swap3A_622 = arith.index_cast %swap3A_621 : i32 to index
    %swap3A_623 = arith.constant 432 : index
    %swap3A_624 = tpu.vector_load %arg5[%swap3A_622, %swap3A_623] {strides = array<i32>} : memref<16x512xf32, #tpu.memory_space<vmem>>, vector<16xf32>,
    tpu.vector_store %arg5[%swap3A_622, %swap3A_623], %broadcast_in_dim3A_1 {strides = array<i32>} : memref<16x512xf32, #tpu.memory_space<vmem>>, vector<16xf32>,
    %swap3A_625 = arith.constant 4 : i32
    %swap3A_626 = arith.index_cast %swap3A_625 : i32 to index
    %swap3A_627 = arith.constant 448 : index
    %swap3A_628 = tpu.vector_load %arg5[%swap3A_626, %swap3A_627] {strides = array<i32>} : memref<16x512xf32, #tpu.memory_space<vmem>>, vector<16xf32>,
    tpu.vector_store %arg5[%swap3A_626, %swap3A_627], %broadcast_in_dim3A_1 {strides = array<i32>} : memref<16x512xf32, #tpu.memory_space<vmem>>, vector<16xf32>,
    %swap3A_629 = arith.constant 4 : i32
    %swap3A_630 = arith.index_cast %swap3A_629 : i32 to index
    %swap3A_631 = arith.constant 464 : index
    %swap3A_632 = tpu.vector_load %arg5[%swap3A_630, %swap3A_631] {strides = array<i32>} : memref<16x512xf32, #tpu.memory_space<vmem>>, vector<16xf32>,
    tpu.vector_store %arg5[%swap3A_630, %swap3A_631], %broadcast_in_dim3A_1 {strides = array<i32>} : memref<16x512xf32, #tpu.memory_space<vmem>>, vector<16xf32>,
    %swap3A_633 = arith.constant 4 : i32
    %swap3A_634 = arith.index_cast %swap3A_633 : i32 to index
    %swap3A_635 = arith.constant 480 : index
    %swap3A_636 = tpu.vector_load %arg5[%swap3A_634, %swap3A_635] {strides = array<i32>} : memref<16x512xf32, #tpu.memory_space<vmem>>, vector<16xf32>,
    tpu.vector_store %arg5[%swap3A_634, %swap3A_635], %broadcast_in_dim3A_1 {strides = array<i32>} : memref<16x512xf32, #tpu.memory_space<vmem>>, vector<16xf32>,
    %swap3A_637 = arith.constant 4 : i32
    %swap3A_638 = arith.index_cast %swap3A_637 : i32 to index
    %swap3A_639 = arith.constant 496 : index
    %swap3A_640 = tpu.vector_load %arg5[%swap3A_638, %swap3A_639] {strides = array<i32>} : memref<16x512xf32, #tpu.memory_space<vmem>>, vector<16xf32>,
    tpu.vector_store %arg5[%swap3A_638, %swap3A_639], %broadcast_in_dim3A_1 {strides = array<i32>} : memref<16x512xf32, #tpu.memory_space<vmem>>, vector<16xf32>,
    %swap3A_641 = arith.constant 5 : i32
    %swap3A_642 = arith.index_cast %swap3A_641 : i32 to index
    %swap3A_643 = arith.constant 0 : index
    %swap3A_644 = tpu.vector_load %arg5[%swap3A_642, %swap3A_643] {strides = array<i32>} : memref<16x512xf32, #tpu.memory_space<vmem>>, vector<16xf32>,
    tpu.vector_store %arg5[%swap3A_642, %swap3A_643], %broadcast_in_dim3A_1 {strides = array<i32>} : memref<16x512xf32, #tpu.memory_space<vmem>>, vector<16xf32>,
    %swap3A_645 = arith.constant 5 : i32
    %swap3A_646 = arith.index_cast %swap3A_645 : i32 to index
    %swap3A_647 = arith.constant 16 : index
    %swap3A_648 = tpu.vector_load %arg5[%swap3A_646, %swap3A_647] {strides = array<i32>} : memref<16x512xf32, #tpu.memory_space<vmem>>, vector<16xf32>,
    tpu.vector_store %arg5[%swap3A_646, %swap3A_647], %broadcast_in_dim3A_1 {strides = array<i32>} : memref<16x512xf32, #tpu.memory_space<vmem>>, vector<16xf32>,
    %swap3A_649 = arith.constant 5 : i32
    %swap3A_650 = arith.index_cast %swap3A_649 : i32 to index
    %swap3A_651 = arith.constant 32 : index
    %swap3A_652 = tpu.vector_load %arg5[%swap3A_650, %swap3A_651] {strides = array<i32>} : memref<16x512xf32, #tpu.memory_space<vmem>>, vector<16xf32>,
    tpu.vector_store %arg5[%swap3A_650, %swap3A_651], %broadcast_in_dim3A_1 {strides = array<i32>} : memref<16x512xf32, #tpu.memory_space<vmem>>, vector<16xf32>,
    %swap3A_653 = arith.constant 5 : i32
    %swap3A_654 = arith.index_cast %swap3A_653 : i32 to index
    %swap3A_655 = arith.constant 48 : index
    %swap3A_656 = tpu.vector_load %arg5[%swap3A_654, %swap3A_655] {strides = array<i32>} : memref<16x512xf32, #tpu.memory_space<vmem>>, vector<16xf32>,
    tpu.vector_store %arg5[%swap3A_654, %swap3A_655], %broadcast_in_dim3A_1 {strides = array<i32>} : memref<16x512xf32, #tpu.memory_space<vmem>>, vector<16xf32>,
    %swap3A_657 = arith.constant 5 : i32
    %swap3A_658 = arith.index_cast %swap3A_657 : i32 to index
    %swap3A_659 = arith.constant 64 : index
    %swap3A_660 = tpu.vector_load %arg5[%swap3A_658, %swap3A_659] {strides = array<i32>} : memref<16x512xf32, #tpu.memory_space<vmem>>, vector<16xf32>,
    tpu.vector_store %arg5[%swap3A_658, %swap3A_659], %broadcast_in_dim3A_1 {strides = array<i32>} : memref<16x512xf32, #tpu.memory_space<vmem>>, vector<16xf32>,
    %swap3A_661 = arith.constant 5 : i32
    %swap3A_662 = arith.index_cast %swap3A_661 : i32 to index
    %swap3A_663 = arith.constant 80 : index
    %swap3A_664 = tpu.vector_load %arg5[%swap3A_662, %swap3A_663] {strides = array<i32>} : memref<16x512xf32, #tpu.memory_space<vmem>>, vector<16xf32>,
    tpu.vector_store %arg5[%swap3A_662, %swap3A_663], %broadcast_in_dim3A_1 {strides = array<i32>} : memref<16x512xf32, #tpu.memory_space<vmem>>, vector<16xf32>,
    %swap3A_665 = arith.constant 5 : i32
    %swap3A_666 = arith.index_cast %swap3A_665 : i32 to index
    %swap3A_667 = arith.constant 96 : index
    %swap3A_668 = tpu.vector_load %arg5[%swap3A_666, %swap3A_667] {strides = array<i32>} : memref<16x512xf32, #tpu.memory_space<vmem>>, vector<16xf32>,
    tpu.vector_store %arg5[%swap3A_666, %swap3A_667], %broadcast_in_dim3A_1 {strides = array<i32>} : memref<16x512xf32, #tpu.memory_space<vmem>>, vector<16xf32>,
    %swap3A_669 = arith.constant 5 : i32
    %swap3A_670 = arith.index_cast %swap3A_669 : i32 to index
    %swap3A_671 = arith.constant 112 : index
    %swap3A_672 = tpu.vector_load %arg5[%swap3A_670, %swap3A_671] {strides = array<i32>} : memref<16x512xf32, #tpu.memory_space<vmem>>, vector<16xf32>,
    tpu.vector_store %arg5[%swap3A_670, %swap3A_671], %broadcast_in_dim3A_1 {strides = array<i32>} : memref<16x512xf32, #tpu.memory_space<vmem>>, vector<16xf32>,
    %swap3A_673 = arith.constant 5 : i32
    %swap3A_674 = arith.index_cast %swap3A_673 : i32 to index
    %swap3A_675 = arith.constant 128 : index
    %swap3A_676 = tpu.vector_load %arg5[%swap3A_674, %swap3A_675] {strides = array<i32>} : memref<16x512xf32, #tpu.memory_space<vmem>>, vector<16xf32>,
    tpu.vector_store %arg5[%swap3A_674, %swap3A_675], %broadcast_in_dim3A_1 {strides = array<i32>} : memref<16x512xf32, #tpu.memory_space<vmem>>, vector<16xf32>,
    %swap3A_677 = arith.constant 5 : i32
    %swap3A_678 = arith.index_cast %swap3A_677 : i32 to index
    %swap3A_679 = arith.constant 144 : index
    %swap3A_680 = tpu.vector_load %arg5[%swap3A_678, %swap3A_679] {strides = array<i32>} : memref<16x512xf32, #tpu.memory_space<vmem>>, vector<16xf32>,
    tpu.vector_store %arg5[%swap3A_678, %swap3A_679], %broadcast_in_dim3A_1 {strides = array<i32>} : memref<16x512xf32, #tpu.memory_space<vmem>>, vector<16xf32>,
    %swap3A_681 = arith.constant 5 : i32
    %swap3A_682 = arith.index_cast %swap3A_681 : i32 to index
    %swap3A_683 = arith.constant 160 : index
    %swap3A_684 = tpu.vector_load %arg5[%swap3A_682, %swap3A_683] {strides = array<i32>} : memref<16x512xf32, #tpu.memory_space<vmem>>, vector<16xf32>,
    tpu.vector_store %arg5[%swap3A_682, %swap3A_683], %broadcast_in_dim3A_1 {strides = array<i32>} : memref<16x512xf32, #tpu.memory_space<vmem>>, vector<16xf32>,
    %swap3A_685 = arith.constant 5 : i32
    %swap3A_686 = arith.index_cast %swap3A_685 : i32 to index
    %swap3A_687 = arith.constant 176 : index
    %swap3A_688 = tpu.vector_load %arg5[%swap3A_686, %swap3A_687] {strides = array<i32>} : memref<16x512xf32, #tpu.memory_space<vmem>>, vector<16xf32>,
    tpu.vector_store %arg5[%swap3A_686, %swap3A_687], %broadcast_in_dim3A_1 {strides = array<i32>} : memref<16x512xf32, #tpu.memory_space<vmem>>, vector<16xf32>,
    %swap3A_689 = arith.constant 5 : i32
    %swap3A_690 = arith.index_cast %swap3A_689 : i32 to index
    %swap3A_691 = arith.constant 192 : index
    %swap3A_692 = tpu.vector_load %arg5[%swap3A_690, %swap3A_691] {strides = array<i32>} : memref<16x512xf32, #tpu.memory_space<vmem>>, vector<16xf32>,
    tpu.vector_store %arg5[%swap3A_690, %swap3A_691], %broadcast_in_dim3A_1 {strides = array<i32>} : memref<16x512xf32, #tpu.memory_space<vmem>>, vector<16xf32>,
    %swap3A_693 = arith.constant 5 : i32
    %swap3A_694 = arith.index_cast %swap3A_693 : i32 to index
    %swap3A_695 = arith.constant 208 : index
    %swap3A_696 = tpu.vector_load %arg5[%swap3A_694, %swap3A_695] {strides = array<i32>} : memref<16x512xf32, #tpu.memory_space<vmem>>, vector<16xf32>,
    tpu.vector_store %arg5[%swap3A_694, %swap3A_695], %broadcast_in_dim3A_1 {strides = array<i32>} : memref<16x512xf32, #tpu.memory_space<vmem>>, vector<16xf32>,
    %swap3A_697 = arith.constant 5 : i32
    %swap3A_698 = arith.index_cast %swap3A_697 : i32 to index
    %swap3A_699 = arith.constant 224 : index
    %swap3A_700 = tpu.vector_load %arg5[%swap3A_698, %swap3A_699] {strides = array<i32>} : memref<16x512xf32, #tpu.memory_space<vmem>>, vector<16xf32>,
    tpu.vector_store %arg5[%swap3A_698, %swap3A_699], %broadcast_in_dim3A_1 {strides = array<i32>} : memref<16x512xf32, #tpu.memory_space<vmem>>, vector<16xf32>,
    %swap3A_701 = arith.constant 5 : i32
    %swap3A_702 = arith.index_cast %swap3A_701 : i32 to index
    %swap3A_703 = arith.constant 240 : index
    %swap3A_704 = tpu.vector_load %arg5[%swap3A_702, %swap3A_703] {strides = array<i32>} : memref<16x512xf32, #tpu.memory_space<vmem>>, vector<16xf32>,
    tpu.vector_store %arg5[%swap3A_702, %swap3A_703], %broadcast_in_dim3A_1 {strides = array<i32>} : memref<16x512xf32, #tpu.memory_space<vmem>>, vector<16xf32>,
    %swap3A_705 = arith.constant 5 : i32
    %swap3A_706 = arith.index_cast %swap3A_705 : i32 to index
    %swap3A_707 = arith.constant 256 : index
    %swap3A_708 = tpu.vector_load %arg5[%swap3A_706, %swap3A_707] {strides = array<i32>} : memref<16x512xf32, #tpu.memory_space<vmem>>, vector<16xf32>,
    tpu.vector_store %arg5[%swap3A_706, %swap3A_707], %broadcast_in_dim3A_1 {strides = array<i32>} : memref<16x512xf32, #tpu.memory_space<vmem>>, vector<16xf32>,
    %swap3A_709 = arith.constant 5 : i32
    %swap3A_710 = arith.index_cast %swap3A_709 : i32 to index
    %swap3A_711 = arith.constant 272 : index
    %swap3A_712 = tpu.vector_load %arg5[%swap3A_710, %swap3A_711] {strides = array<i32>} : memref<16x512xf32, #tpu.memory_space<vmem>>, vector<16xf32>,
    tpu.vector_store %arg5[%swap3A_710, %swap3A_711], %broadcast_in_dim3A_1 {strides = array<i32>} : memref<16x512xf32, #tpu.memory_space<vmem>>, vector<16xf32>,
    %swap3A_713 = arith.constant 5 : i32
    %swap3A_714 = arith.index_cast %swap3A_713 : i32 to index
    %swap3A_715 = arith.constant 288 : index
    %swap3A_716 = tpu.vector_load %arg5[%swap3A_714, %swap3A_715] {strides = array<i32>} : memref<16x512xf32, #tpu.memory_space<vmem>>, vector<16xf32>,
    tpu.vector_store %arg5[%swap3A_714, %swap3A_715], %broadcast_in_dim3A_1 {strides = array<i32>} : memref<16x512xf32, #tpu.memory_space<vmem>>, vector<16xf32>,
    %swap3A_717 = arith.constant 5 : i32
    %swap3A_718 = arith.index_cast %swap3A_717 : i32 to index
    %swap3A_719 = arith.constant 304 : index
    %swap3A_720 = tpu.vector_load %arg5[%swap3A_718, %swap3A_719] {strides = array<i32>} : memref<16x512xf32, #tpu.memory_space<vmem>>, vector<16xf32>,
    tpu.vector_store %arg5[%swap3A_718, %swap3A_719], %broadcast_in_dim3A_1 {strides = array<i32>} : memref<16x512xf32, #tpu.memory_space<vmem>>, vector<16xf32>,
    %swap3A_721 = arith.constant 5 : i32
    %swap3A_722 = arith.index_cast %swap3A_721 : i32 to index
    %swap3A_723 = arith.constant 320 : index
    %swap3A_724 = tpu.vector_load %arg5[%swap3A_722, %swap3A_723] {strides = array<i32>} : memref<16x512xf32, #tpu.memory_space<vmem>>, vector<16xf32>,
    tpu.vector_store %arg5[%swap3A_722, %swap3A_723], %broadcast_in_dim3A_1 {strides = array<i32>} : memref<16x512xf32, #tpu.memory_space<vmem>>, vector<16xf32>,
    %swap3A_725 = arith.constant 5 : i32
    %swap3A_726 = arith.index_cast %swap3A_725 : i32 to index
    %swap3A_727 = arith.constant 336 : index
    %swap3A_728 = tpu.vector_load %arg5[%swap3A_726, %swap3A_727] {strides = array<i32>} : memref<16x512xf32, #tpu.memory_space<vmem>>, vector<16xf32>,
    tpu.vector_store %arg5[%swap3A_726, %swap3A_727], %broadcast_in_dim3A_1 {strides = array<i32>} : memref<16x512xf32, #tpu.memory_space<vmem>>, vector<16xf32>,
    %swap3A_729 = arith.constant 5 : i32
    %swap3A_730 = arith.index_cast %swap3A_729 : i32 to index
    %swap3A_731 = arith.constant 352 : index
    %swap3A_732 = tpu.vector_load %arg5[%swap3A_730, %swap3A_731] {strides = array<i32>} : memref<16x512xf32, #tpu.memory_space<vmem>>, vector<16xf32>,
    tpu.vector_store %arg5[%swap3A_730, %swap3A_731], %broadcast_in_dim3A_1 {strides = array<i32>} : memref<16x512xf32, #tpu.memory_space<vmem>>, vector<16xf32>,
    %swap3A_733 = arith.constant 5 : i32
    %swap3A_734 = arith.index_cast %swap3A_733 : i32 to index
    %swap3A_735 = arith.constant 368 : index
    %swap3A_736 = tpu.vector_load %arg5[%swap3A_734, %swap3A_735] {strides = array<i32>} : memref<16x512xf32, #tpu.memory_space<vmem>>, vector<16xf32>,
    tpu.vector_store %arg5[%swap3A_734, %swap3A_735], %broadcast_in_dim3A_1 {strides = array<i32>} : memref<16x512xf32, #tpu.memory_space<vmem>>, vector<16xf32>,
    %swap3A_737 = arith.constant 5 : i32
    %swap3A_738 = arith.index_cast %swap3A_737 : i32 to index
    %swap3A_739 = arith.constant 384 : index
    %swap3A_740 = tpu.vector_load %arg5[%swap3A_738, %swap3A_739] {strides = array<i32>} : memref<16x512xf32, #tpu.memory_space<vmem>>, vector<16xf32>,
    tpu.vector_store %arg5[%swap3A_738, %swap3A_739], %broadcast_in_dim3A_1 {strides = array<i32>} : memref<16x512xf32, #tpu.memory_space<vmem>>, vector<16xf32>,
    %swap3A_741 = arith.constant 5 : i32
    %swap3A_742 = arith.index_cast %swap3A_741 : i32 to index
    %swap3A_743 = arith.constant 400 : index
    %swap3A_744 = tpu.vector_load %arg5[%swap3A_742, %swap3A_743] {strides = array<i32>} : memref<16x512xf32, #tpu.memory_space<vmem>>, vector<16xf32>,
    tpu.vector_store %arg5[%swap3A_742, %swap3A_743], %broadcast_in_dim3A_1 {strides = array<i32>} : memref<16x512xf32, #tpu.memory_space<vmem>>, vector<16xf32>,
    %swap3A_745 = arith.constant 5 : i32
    %swap3A_746 = arith.index_cast %swap3A_745 : i32 to index
    %swap3A_747 = arith.constant 416 : index
    %swap3A_748 = tpu.vector_load %arg5[%swap3A_746, %swap3A_747] {strides = array<i32>} : memref<16x512xf32, #tpu.memory_space<vmem>>, vector<16xf32>,
    tpu.vector_store %arg5[%swap3A_746, %swap3A_747], %broadcast_in_dim3A_1 {strides = array<i32>} : memref<16x512xf32, #tpu.memory_space<vmem>>, vector<16xf32>,
    %swap3A_749 = arith.constant 5 : i32
    %swap3A_750 = arith.index_cast %swap3A_749 : i32 to index
    %swap3A_751 = arith.constant 432 : index
    %swap3A_752 = tpu.vector_load %arg5[%swap3A_750, %swap3A_751] {strides = array<i32>} : memref<16x512xf32, #tpu.memory_space<vmem>>, vector<16xf32>,
    tpu.vector_store %arg5[%swap3A_750, %swap3A_751], %broadcast_in_dim3A_1 {strides = array<i32>} : memref<16x512xf32, #tpu.memory_space<vmem>>, vector<16xf32>,
    %swap3A_753 = arith.constant 5 : i32
    %swap3A_754 = arith.index_cast %swap3A_753 : i32 to index
    %swap3A_755 = arith.constant 448 : index
    %swap3A_756 = tpu.vector_load %arg5[%swap3A_754, %swap3A_755] {strides = array<i32>} : memref<16x512xf32, #tpu.memory_space<vmem>>, vector<16xf32>,
    tpu.vector_store %arg5[%swap3A_754, %swap3A_755], %broadcast_in_dim3A_1 {strides = array<i32>} : memref<16x512xf32, #tpu.memory_space<vmem>>, vector<16xf32>,
    %swap3A_757 = arith.constant 5 : i32
    %swap3A_758 = arith.index_cast %swap3A_757 : i32 to index
    %swap3A_759 = arith.constant 464 : index
    %swap3A_760 = tpu.vector_load %arg5[%swap3A_758, %swap3A_759] {strides = array<i32>} : memref<16x512xf32, #tpu.memory_space<vmem>>, vector<16xf32>,
    tpu.vector_store %arg5[%swap3A_758, %swap3A_759], %broadcast_in_dim3A_1 {strides = array<i32>} : memref<16x512xf32, #tpu.memory_space<vmem>>, vector<16xf32>,
    %swap3A_761 = arith.constant 5 : i32
    %swap3A_762 = arith.index_cast %swap3A_761 : i32 to index
    %swap3A_763 = arith.constant 480 : index
    %swap3A_764 = tpu.vector_load %arg5[%swap3A_762, %swap3A_763] {strides = array<i32>} : memref<16x512xf32, #tpu.memory_space<vmem>>, vector<16xf32>,
    tpu.vector_store %arg5[%swap3A_762, %swap3A_763], %broadcast_in_dim3A_1 {strides = array<i32>} : memref<16x512xf32, #tpu.memory_space<vmem>>, vector<16xf32>,
    %swap3A_765 = arith.constant 5 : i32
    %swap3A_766 = arith.index_cast %swap3A_765 : i32 to index
    %swap3A_767 = arith.constant 496 : index
    %swap3A_768 = tpu.vector_load %arg5[%swap3A_766, %swap3A_767] {strides = array<i32>} : memref<16x512xf32, #tpu.memory_space<vmem>>, vector<16xf32>,
    tpu.vector_store %arg5[%swap3A_766, %swap3A_767], %broadcast_in_dim3A_1 {strides = array<i32>} : memref<16x512xf32, #tpu.memory_space<vmem>>, vector<16xf32>,
    %swap3A_769 = arith.constant 6 : i32
    %swap3A_770 = arith.index_cast %swap3A_769 : i32 to index
    %swap3A_771 = arith.constant 0 : index
    %swap3A_772 = tpu.vector_load %arg5[%swap3A_770, %swap3A_771] {strides = array<i32>} : memref<16x512xf32, #tpu.memory_space<vmem>>, vector<16xf32>,
    tpu.vector_store %arg5[%swap3A_770, %swap3A_771], %broadcast_in_dim3A_1 {strides = array<i32>} : memref<16x512xf32, #tpu.memory_space<vmem>>, vector<16xf32>,
    %swap3A_773 = arith.constant 6 : i32
    %swap3A_774 = arith.index_cast %swap3A_773 : i32 to index
    %swap3A_775 = arith.constant 16 : index
    %swap3A_776 = tpu.vector_load %arg5[%swap3A_774, %swap3A_775] {strides = array<i32>} : memref<16x512xf32, #tpu.memory_space<vmem>>, vector<16xf32>,
    tpu.vector_store %arg5[%swap3A_774, %swap3A_775], %broadcast_in_dim3A_1 {strides = array<i32>} : memref<16x512xf32, #tpu.memory_space<vmem>>, vector<16xf32>,
    %swap3A_777 = arith.constant 6 : i32
    %swap3A_778 = arith.index_cast %swap3A_777 : i32 to index
    %swap3A_779 = arith.constant 32 : index
    %swap3A_780 = tpu.vector_load %arg5[%swap3A_778, %swap3A_779] {strides = array<i32>} : memref<16x512xf32, #tpu.memory_space<vmem>>, vector<16xf32>,
    tpu.vector_store %arg5[%swap3A_778, %swap3A_779], %broadcast_in_dim3A_1 {strides = array<i32>} : memref<16x512xf32, #tpu.memory_space<vmem>>, vector<16xf32>,
    %swap3A_781 = arith.constant 6 : i32
    %swap3A_782 = arith.index_cast %swap3A_781 : i32 to index
    %swap3A_783 = arith.constant 48 : index
    %swap3A_784 = tpu.vector_load %arg5[%swap3A_782, %swap3A_783] {strides = array<i32>} : memref<16x512xf32, #tpu.memory_space<vmem>>, vector<16xf32>,
    tpu.vector_store %arg5[%swap3A_782, %swap3A_783], %broadcast_in_dim3A_1 {strides = array<i32>} : memref<16x512xf32, #tpu.memory_space<vmem>>, vector<16xf32>,
    %swap3A_785 = arith.constant 6 : i32
    %swap3A_786 = arith.index_cast %swap3A_785 : i32 to index
    %swap3A_787 = arith.constant 64 : index
    %swap3A_788 = tpu.vector_load %arg5[%swap3A_786, %swap3A_787] {strides = array<i32>} : memref<16x512xf32, #tpu.memory_space<vmem>>, vector<16xf32>,
    tpu.vector_store %arg5[%swap3A_786, %swap3A_787], %broadcast_in_dim3A_1 {strides = array<i32>} : memref<16x512xf32, #tpu.memory_space<vmem>>, vector<16xf32>,
    %swap3A_789 = arith.constant 6 : i32
    %swap3A_790 = arith.index_cast %swap3A_789 : i32 to index
    %swap3A_791 = arith.constant 80 : index
    %swap3A_792 = tpu.vector_load %arg5[%swap3A_790, %swap3A_791] {strides = array<i32>} : memref<16x512xf32, #tpu.memory_space<vmem>>, vector<16xf32>,
    tpu.vector_store %arg5[%swap3A_790, %swap3A_791], %broadcast_in_dim3A_1 {strides = array<i32>} : memref<16x512xf32, #tpu.memory_space<vmem>>, vector<16xf32>,
    %swap3A_793 = arith.constant 6 : i32
    %swap3A_794 = arith.index_cast %swap3A_793 : i32 to index
    %swap3A_795 = arith.constant 96 : index
    %swap3A_796 = tpu.vector_load %arg5[%swap3A_794, %swap3A_795] {strides = array<i32>} : memref<16x512xf32, #tpu.memory_space<vmem>>, vector<16xf32>,
    tpu.vector_store %arg5[%swap3A_794, %swap3A_795], %broadcast_in_dim3A_1 {strides = array<i32>} : memref<16x512xf32, #tpu.memory_space<vmem>>, vector<16xf32>,
    %swap3A_797 = arith.constant 6 : i32
    %swap3A_798 = arith.index_cast %swap3A_797 : i32 to index
    %swap3A_799 = arith.constant 112 : index
    %swap3A_800 = tpu.vector_load %arg5[%swap3A_798, %swap3A_799] {strides = array<i32>} : memref<16x512xf32, #tpu.memory_space<vmem>>, vector<16xf32>,
    tpu.vector_store %arg5[%swap3A_798, %swap3A_799], %broadcast_in_dim3A_1 {strides = array<i32>} : memref<16x512xf32, #tpu.memory_space<vmem>>, vector<16xf32>,
    %swap3A_801 = arith.constant 6 : i32
    %swap3A_802 = arith.index_cast %swap3A_801 : i32 to index
    %swap3A_803 = arith.constant 128 : index
    %swap3A_804 = tpu.vector_load %arg5[%swap3A_802, %swap3A_803] {strides = array<i32>} : memref<16x512xf32, #tpu.memory_space<vmem>>, vector<16xf32>,
    tpu.vector_store %arg5[%swap3A_802, %swap3A_803], %broadcast_in_dim3A_1 {strides = array<i32>} : memref<16x512xf32, #tpu.memory_space<vmem>>, vector<16xf32>,
    %swap3A_805 = arith.constant 6 : i32
    %swap3A_806 = arith.index_cast %swap3A_805 : i32 to index
    %swap3A_807 = arith.constant 144 : index
    %swap3A_808 = tpu.vector_load %arg5[%swap3A_806, %swap3A_807] {strides = array<i32>} : memref<16x512xf32, #tpu.memory_space<vmem>>, vector<16xf32>,
    tpu.vector_store %arg5[%swap3A_806, %swap3A_807], %broadcast_in_dim3A_1 {strides = array<i32>} : memref<16x512xf32, #tpu.memory_space<vmem>>, vector<16xf32>,
    %swap3A_809 = arith.constant 6 : i32
    %swap3A_810 = arith.index_cast %swap3A_809 : i32 to index
    %swap3A_811 = arith.constant 160 : index
    %swap3A_812 = tpu.vector_load %arg5[%swap3A_810, %swap3A_811] {strides = array<i32>} : memref<16x512xf32, #tpu.memory_space<vmem>>, vector<16xf32>,
    tpu.vector_store %arg5[%swap3A_810, %swap3A_811], %broadcast_in_dim3A_1 {strides = array<i32>} : memref<16x512xf32, #tpu.memory_space<vmem>>, vector<16xf32>,
    %swap3A_813 = arith.constant 6 : i32
    %swap3A_814 = arith.index_cast %swap3A_813 : i32 to index
    %swap3A_815 = arith.constant 176 : index
    %swap3A_816 = tpu.vector_load %arg5[%swap3A_814, %swap3A_815] {strides = array<i32>} : memref<16x512xf32, #tpu.memory_space<vmem>>, vector<16xf32>,
    tpu.vector_store %arg5[%swap3A_814, %swap3A_815], %broadcast_in_dim3A_1 {strides = array<i32>} : memref<16x512xf32, #tpu.memory_space<vmem>>, vector<16xf32>,
    %swap3A_817 = arith.constant 6 : i32
    %swap3A_818 = arith.index_cast %swap3A_817 : i32 to index
    %swap3A_819 = arith.constant 192 : index
    %swap3A_820 = tpu.vector_load %arg5[%swap3A_818, %swap3A_819] {strides = array<i32>} : memref<16x512xf32, #tpu.memory_space<vmem>>, vector<16xf32>,
    tpu.vector_store %arg5[%swap3A_818, %swap3A_819], %broadcast_in_dim3A_1 {strides = array<i32>} : memref<16x512xf32, #tpu.memory_space<vmem>>, vector<16xf32>,
    %swap3A_821 = arith.constant 6 : i32
    %swap3A_822 = arith.index_cast %swap3A_821 : i32 to index
    %swap3A_823 = arith.constant 208 : index
    %swap3A_824 = tpu.vector_load %arg5[%swap3A_822, %swap3A_823] {strides = array<i32>} : memref<16x512xf32, #tpu.memory_space<vmem>>, vector<16xf32>,
    tpu.vector_store %arg5[%swap3A_822, %swap3A_823], %broadcast_in_dim3A_1 {strides = array<i32>} : memref<16x512xf32, #tpu.memory_space<vmem>>, vector<16xf32>,
    %swap3A_825 = arith.constant 6 : i32
    %swap3A_826 = arith.index_cast %swap3A_825 : i32 to index
    %swap3A_827 = arith.constant 224 : index
    %swap3A_828 = tpu.vector_load %arg5[%swap3A_826, %swap3A_827] {strides = array<i32>} : memref<16x512xf32, #tpu.memory_space<vmem>>, vector<16xf32>,
    tpu.vector_store %arg5[%swap3A_826, %swap3A_827], %broadcast_in_dim3A_1 {strides = array<i32>} : memref<16x512xf32, #tpu.memory_space<vmem>>, vector<16xf32>,
    %swap3A_829 = arith.constant 6 : i32
    %swap3A_830 = arith.index_cast %swap3A_829 : i32 to index
    %swap3A_831 = arith.constant 240 : index
    %swap3A_832 = tpu.vector_load %arg5[%swap3A_830, %swap3A_831] {strides = array<i32>} : memref<16x512xf32, #tpu.memory_space<vmem>>, vector<16xf32>,
    tpu.vector_store %arg5[%swap3A_830, %swap3A_831], %broadcast_in_dim3A_1 {strides = array<i32>} : memref<16x512xf32, #tpu.memory_space<vmem>>, vector<16xf32>,
    %swap3A_833 = arith.constant 6 : i32
    %swap3A_834 = arith.index_cast %swap3A_833 : i32 to index
    %swap3A_835 = arith.constant 256 : index
    %swap3A_836 = tpu.vector_load %arg5[%swap3A_834, %swap3A_835] {strides = array<i32>} : memref<16x512xf32, #tpu.memory_space<vmem>>, vector<16xf32>,
    tpu.vector_store %arg5[%swap3A_834, %swap3A_835], %broadcast_in_dim3A_1 {strides = array<i32>} : memref<16x512xf32, #tpu.memory_space<vmem>>, vector<16xf32>,
    %swap3A_837 = arith.constant 6 : i32
    %swap3A_838 = arith.index_cast %swap3A_837 : i32 to index
    %swap3A_839 = arith.constant 272 : index
    %swap3A_840 = tpu.vector_load %arg5[%swap3A_838, %swap3A_839] {strides = array<i32>} : memref<16x512xf32, #tpu.memory_space<vmem>>, vector<16xf32>,
    tpu.vector_store %arg5[%swap3A_838, %swap3A_839], %broadcast_in_dim3A_1 {strides = array<i32>} : memref<16x512xf32, #tpu.memory_space<vmem>>, vector<16xf32>,
    %swap3A_841 = arith.constant 6 : i32
    %swap3A_842 = arith.index_cast %swap3A_841 : i32 to index
    %swap3A_843 = arith.constant 288 : index
    %swap3A_844 = tpu.vector_load %arg5[%swap3A_842, %swap3A_843] {strides = array<i32>} : memref<16x512xf32, #tpu.memory_space<vmem>>, vector<16xf32>,
    tpu.vector_store %arg5[%swap3A_842, %swap3A_843], %broadcast_in_dim3A_1 {strides = array<i32>} : memref<16x512xf32, #tpu.memory_space<vmem>>, vector<16xf32>,
    %swap3A_845 = arith.constant 6 : i32
    %swap3A_846 = arith.index_cast %swap3A_845 : i32 to index
    %swap3A_847 = arith.constant 304 : index
    %swap3A_848 = tpu.vector_load %arg5[%swap3A_846, %swap3A_847] {strides = array<i32>} : memref<16x512xf32, #tpu.memory_space<vmem>>, vector<16xf32>,
    tpu.vector_store %arg5[%swap3A_846, %swap3A_847], %broadcast_in_dim3A_1 {strides = array<i32>} : memref<16x512xf32, #tpu.memory_space<vmem>>, vector<16xf32>,
    %swap3A_849 = arith.constant 6 : i32
    %swap3A_850 = arith.index_cast %swap3A_849 : i32 to index
    %swap3A_851 = arith.constant 320 : index
    %swap3A_852 = tpu.vector_load %arg5[%swap3A_850, %swap3A_851] {strides = array<i32>} : memref<16x512xf32, #tpu.memory_space<vmem>>, vector<16xf32>,
    tpu.vector_store %arg5[%swap3A_850, %swap3A_851], %broadcast_in_dim3A_1 {strides = array<i32>} : memref<16x512xf32, #tpu.memory_space<vmem>>, vector<16xf32>,
    %swap3A_853 = arith.constant 6 : i32
    %swap3A_854 = arith.index_cast %swap3A_853 : i32 to index
    %swap3A_855 = arith.constant 336 : index
    %swap3A_856 = tpu.vector_load %arg5[%swap3A_854, %swap3A_855] {strides = array<i32>} : memref<16x512xf32, #tpu.memory_space<vmem>>, vector<16xf32>,
    tpu.vector_store %arg5[%swap3A_854, %swap3A_855], %broadcast_in_dim3A_1 {strides = array<i32>} : memref<16x512xf32, #tpu.memory_space<vmem>>, vector<16xf32>,
    %swap3A_857 = arith.constant 6 : i32
    %swap3A_858 = arith.index_cast %swap3A_857 : i32 to index
    %swap3A_859 = arith.constant 352 : index
    %swap3A_860 = tpu.vector_load %arg5[%swap3A_858, %swap3A_859] {strides = array<i32>} : memref<16x512xf32, #tpu.memory_space<vmem>>, vector<16xf32>,
    tpu.vector_store %arg5[%swap3A_858, %swap3A_859], %broadcast_in_dim3A_1 {strides = array<i32>} : memref<16x512xf32, #tpu.memory_space<vmem>>, vector<16xf32>,
    %swap3A_861 = arith.constant 6 : i32
    %swap3A_862 = arith.index_cast %swap3A_861 : i32 to index
    %swap3A_863 = arith.constant 368 : index
    %swap3A_864 = tpu.vector_load %arg5[%swap3A_862, %swap3A_863] {strides = array<i32>} : memref<16x512xf32, #tpu.memory_space<vmem>>, vector<16xf32>,
    tpu.vector_store %arg5[%swap3A_862, %swap3A_863], %broadcast_in_dim3A_1 {strides = array<i32>} : memref<16x512xf32, #tpu.memory_space<vmem>>, vector<16xf32>,
    %swap3A_865 = arith.constant 6 : i32
    %swap3A_866 = arith.index_cast %swap3A_865 : i32 to index
    %swap3A_867 = arith.constant 384 : index
    %swap3A_868 = tpu.vector_load %arg5[%swap3A_866, %swap3A_867] {strides = array<i32>} : memref<16x512xf32, #tpu.memory_space<vmem>>, vector<16xf32>,
    tpu.vector_store %arg5[%swap3A_866, %swap3A_867], %broadcast_in_dim3A_1 {strides = array<i32>} : memref<16x512xf32, #tpu.memory_space<vmem>>, vector<16xf32>,
    %swap3A_869 = arith.constant 6 : i32
    %swap3A_870 = arith.index_cast %swap3A_869 : i32 to index
    %swap3A_871 = arith.constant 400 : index
    %swap3A_872 = tpu.vector_load %arg5[%swap3A_870, %swap3A_871] {strides = array<i32>} : memref<16x512xf32, #tpu.memory_space<vmem>>, vector<16xf32>,
    tpu.vector_store %arg5[%swap3A_870, %swap3A_871], %broadcast_in_dim3A_1 {strides = array<i32>} : memref<16x512xf32, #tpu.memory_space<vmem>>, vector<16xf32>,
    %swap3A_873 = arith.constant 6 : i32
    %swap3A_874 = arith.index_cast %swap3A_873 : i32 to index
    %swap3A_875 = arith.constant 416 : index
    %swap3A_876 = tpu.vector_load %arg5[%swap3A_874, %swap3A_875] {strides = array<i32>} : memref<16x512xf32, #tpu.memory_space<vmem>>, vector<16xf32>,
    tpu.vector_store %arg5[%swap3A_874, %swap3A_875], %broadcast_in_dim3A_1 {strides = array<i32>} : memref<16x512xf32, #tpu.memory_space<vmem>>, vector<16xf32>,
    %swap3A_877 = arith.constant 6 : i32
    %swap3A_878 = arith.index_cast %swap3A_877 : i32 to index
    %swap3A_879 = arith.constant 432 : index
    %swap3A_880 = tpu.vector_load %arg5[%swap3A_878, %swap3A_879] {strides = array<i32>} : memref<16x512xf32, #tpu.memory_space<vmem>>, vector<16xf32>,
    tpu.vector_store %arg5[%swap3A_878, %swap3A_879], %broadcast_in_dim3A_1 {strides = array<i32>} : memref<16x512xf32, #tpu.memory_space<vmem>>, vector<16xf32>,
    %swap3A_881 = arith.constant 6 : i32
    %swap3A_882 = arith.index_cast %swap3A_881 : i32 to index
    %swap3A_883 = arith.constant 448 : index
    %swap3A_884 = tpu.vector_load %arg5[%swap3A_882, %swap3A_883] {strides = array<i32>} : memref<16x512xf32, #tpu.memory_space<vmem>>, vector<16xf32>,
    tpu.vector_store %arg5[%swap3A_882, %swap3A_883], %broadcast_in_dim3A_1 {strides = array<i32>} : memref<16x512xf32, #tpu.memory_space<vmem>>, vector<16xf32>,
    %swap3A_885 = arith.constant 6 : i32
    %swap3A_886 = arith.index_cast %swap3A_885 : i32 to index
    %swap3A_887 = arith.constant 464 : index
    %swap3A_888 = tpu.vector_load %arg5[%swap3A_886, %swap3A_887] {strides = array<i32>} : memref<16x512xf32, #tpu.memory_space<vmem>>, vector<16xf32>,
    tpu.vector_store %arg5[%swap3A_886, %swap3A_887], %broadcast_in_dim3A_1 {strides = array<i32>} : memref<16x512xf32, #tpu.memory_space<vmem>>, vector<16xf32>,
    %swap3A_889 = arith.constant 6 : i32
    %swap3A_890 = arith.index_cast %swap3A_889 : i32 to index
    %swap3A_891 = arith.constant 480 : index
    %swap3A_892 = tpu.vector_load %arg5[%swap3A_890, %swap3A_891] {strides = array<i32>} : memref<16x512xf32, #tpu.memory_space<vmem>>, vector<16xf32>,
    tpu.vector_store %arg5[%swap3A_890, %swap3A_891], %broadcast_in_dim3A_1 {strides = array<i32>} : memref<16x512xf32, #tpu.memory_space<vmem>>, vector<16xf32>,
    %swap3A_893 = arith.constant 6 : i32
    %swap3A_894 = arith.index_cast %swap3A_893 : i32 to index
    %swap3A_895 = arith.constant 496 : index
    %swap3A_896 = tpu.vector_load %arg5[%swap3A_894, %swap3A_895] {strides = array<i32>} : memref<16x512xf32, #tpu.memory_space<vmem>>, vector<16xf32>,
    tpu.vector_store %arg5[%swap3A_894, %swap3A_895], %broadcast_in_dim3A_1 {strides = array<i32>} : memref<16x512xf32, #tpu.memory_space<vmem>>, vector<16xf32>,
    %swap3A_897 = arith.constant 7 : i32
    %swap3A_898 = arith.index_cast %swap3A_897 : i32 to index
    %swap3A_899 = arith.constant 0 : index
    %swap3A_900 = tpu.vector_load %arg5[%swap3A_898, %swap3A_899] {strides = array<i32>} : memref<16x512xf32, #tpu.memory_space<vmem>>, vector<16xf32>,
    tpu.vector_store %arg5[%swap3A_898, %swap3A_899], %broadcast_in_dim3A_1 {strides = array<i32>} : memref<16x512xf32, #tpu.memory_space<vmem>>, vector<16xf32>,
    %swap3A_901 = arith.constant 7 : i32
    %swap3A_902 = arith.index_cast %swap3A_901 : i32 to index
    %swap3A_903 = arith.constant 16 : index
    %swap3A_904 = tpu.vector_load %arg5[%swap3A_902, %swap3A_903] {strides = array<i32>} : memref<16x512xf32, #tpu.memory_space<vmem>>, vector<16xf32>,
    tpu.vector_store %arg5[%swap3A_902, %swap3A_903], %broadcast_in_dim3A_1 {strides = array<i32>} : memref<16x512xf32, #tpu.memory_space<vmem>>, vector<16xf32>,
    %swap3A_905 = arith.constant 7 : i32
    %swap3A_906 = arith.index_cast %swap3A_905 : i32 to index
    %swap3A_907 = arith.constant 32 : index
    %swap3A_908 = tpu.vector_load %arg5[%swap3A_906, %swap3A_907] {strides = array<i32>} : memref<16x512xf32, #tpu.memory_space<vmem>>, vector<16xf32>,
    tpu.vector_store %arg5[%swap3A_906, %swap3A_907], %broadcast_in_dim3A_1 {strides = array<i32>} : memref<16x512xf32, #tpu.memory_space<vmem>>, vector<16xf32>,
    %swap3A_909 = arith.constant 7 : i32
    %swap3A_910 = arith.index_cast %swap3A_909 : i32 to index
    %swap3A_911 = arith.constant 48 : index
    %swap3A_912 = tpu.vector_load %arg5[%swap3A_910, %swap3A_911] {strides = array<i32>} : memref<16x512xf32, #tpu.memory_space<vmem>>, vector<16xf32>,
    tpu.vector_store %arg5[%swap3A_910, %swap3A_911], %broadcast_in_dim3A_1 {strides = array<i32>} : memref<16x512xf32, #tpu.memory_space<vmem>>, vector<16xf32>,
    %swap3A_913 = arith.constant 7 : i32
    %swap3A_914 = arith.index_cast %swap3A_913 : i32 to index
    %swap3A_915 = arith.constant 64 : index
    %swap3A_916 = tpu.vector_load %arg5[%swap3A_914, %swap3A_915] {strides = array<i32>} : memref<16x512xf32, #tpu.memory_space<vmem>>, vector<16xf32>,
    tpu.vector_store %arg5[%swap3A_914, %swap3A_915], %broadcast_in_dim3A_1 {strides = array<i32>} : memref<16x512xf32, #tpu.memory_space<vmem>>, vector<16xf32>,
    %swap3A_917 = arith.constant 7 : i32
    %swap3A_918 = arith.index_cast %swap3A_917 : i32 to index
    %swap3A_919 = arith.constant 80 : index
    %swap3A_920 = tpu.vector_load %arg5[%swap3A_918, %swap3A_919] {strides = array<i32>} : memref<16x512xf32, #tpu.memory_space<vmem>>, vector<16xf32>,
    tpu.vector_store %arg5[%swap3A_918, %swap3A_919], %broadcast_in_dim3A_1 {strides = array<i32>} : memref<16x512xf32, #tpu.memory_space<vmem>>, vector<16xf32>,
    %swap3A_921 = arith.constant 7 : i32
    %swap3A_922 = arith.index_cast %swap3A_921 : i32 to index
    %swap3A_923 = arith.constant 96 : index
    %swap3A_924 = tpu.vector_load %arg5[%swap3A_922, %swap3A_923] {strides = array<i32>} : memref<16x512xf32, #tpu.memory_space<vmem>>, vector<16xf32>,
    tpu.vector_store %arg5[%swap3A_922, %swap3A_923], %broadcast_in_dim3A_1 {strides = array<i32>} : memref<16x512xf32, #tpu.memory_space<vmem>>, vector<16xf32>,
    %swap3A_925 = arith.constant 7 : i32
    %swap3A_926 = arith.index_cast %swap3A_925 : i32 to index
    %swap3A_927 = arith.constant 112 : index
    %swap3A_928 = tpu.vector_load %arg5[%swap3A_926, %swap3A_927] {strides = array<i32>} : memref<16x512xf32, #tpu.memory_space<vmem>>, vector<16xf32>,
    tpu.vector_store %arg5[%swap3A_926, %swap3A_927], %broadcast_in_dim3A_1 {strides = array<i32>} : memref<16x512xf32, #tpu.memory_space<vmem>>, vector<16xf32>,
    %swap3A_929 = arith.constant 7 : i32
    %swap3A_930 = arith.index_cast %swap3A_929 : i32 to index
    %swap3A_931 = arith.constant 128 : index
    %swap3A_932 = tpu.vector_load %arg5[%swap3A_930, %swap3A_931] {strides = array<i32>} : memref<16x512xf32, #tpu.memory_space<vmem>>, vector<16xf32>,
    tpu.vector_store %arg5[%swap3A_930, %swap3A_931], %broadcast_in_dim3A_1 {strides = array<i32>} : memref<16x512xf32, #tpu.memory_space<vmem>>, vector<16xf32>,
    %swap3A_933 = arith.constant 7 : i32
    %swap3A_934 = arith.index_cast %swap3A_933 : i32 to index
    %swap3A_935 = arith.constant 144 : index
    %swap3A_936 = tpu.vector_load %arg5[%swap3A_934, %swap3A_935] {strides = array<i32>} : memref<16x512xf32, #tpu.memory_space<vmem>>, vector<16xf32>,
    tpu.vector_store %arg5[%swap3A_934, %swap3A_935], %broadcast_in_dim3A_1 {strides = array<i32>} : memref<16x512xf32, #tpu.memory_space<vmem>>, vector<16xf32>,
    %swap3A_937 = arith.constant 7 : i32
    %swap3A_938 = arith.index_cast %swap3A_937 : i32 to index
    %swap3A_939 = arith.constant 160 : index
    %swap3A_940 = tpu.vector_load %arg5[%swap3A_938, %swap3A_939] {strides = array<i32>} : memref<16x512xf32, #tpu.memory_space<vmem>>, vector<16xf32>,
    tpu.vector_store %arg5[%swap3A_938, %swap3A_939], %broadcast_in_dim3A_1 {strides = array<i32>} : memref<16x512xf32, #tpu.memory_space<vmem>>, vector<16xf32>,
    %swap3A_941 = arith.constant 7 : i32
    %swap3A_942 = arith.index_cast %swap3A_941 : i32 to index
    %swap3A_943 = arith.constant 176 : index
    %swap3A_944 = tpu.vector_load %arg5[%swap3A_942, %swap3A_943] {strides = array<i32>} : memref<16x512xf32, #tpu.memory_space<vmem>>, vector<16xf32>,
    tpu.vector_store %arg5[%swap3A_942, %swap3A_943], %broadcast_in_dim3A_1 {strides = array<i32>} : memref<16x512xf32, #tpu.memory_space<vmem>>, vector<16xf32>,
    %swap3A_945 = arith.constant 7 : i32
    %swap3A_946 = arith.index_cast %swap3A_945 : i32 to index
    %swap3A_947 = arith.constant 192 : index
    %swap3A_948 = tpu.vector_load %arg5[%swap3A_946, %swap3A_947] {strides = array<i32>} : memref<16x512xf32, #tpu.memory_space<vmem>>, vector<16xf32>,
    tpu.vector_store %arg5[%swap3A_946, %swap3A_947], %broadcast_in_dim3A_1 {strides = array<i32>} : memref<16x512xf32, #tpu.memory_space<vmem>>, vector<16xf32>,
    %swap3A_949 = arith.constant 7 : i32
    %swap3A_950 = arith.index_cast %swap3A_949 : i32 to index
    %swap3A_951 = arith.constant 208 : index
    %swap3A_952 = tpu.vector_load %arg5[%swap3A_950, %swap3A_951] {strides = array<i32>} : memref<16x512xf32, #tpu.memory_space<vmem>>, vector<16xf32>,
    tpu.vector_store %arg5[%swap3A_950, %swap3A_951], %broadcast_in_dim3A_1 {strides = array<i32>} : memref<16x512xf32, #tpu.memory_space<vmem>>, vector<16xf32>,
    %swap3A_953 = arith.constant 7 : i32
    %swap3A_954 = arith.index_cast %swap3A_953 : i32 to index
    %swap3A_955 = arith.constant 224 : index
    %swap3A_956 = tpu.vector_load %arg5[%swap3A_954, %swap3A_955] {strides = array<i32>} : memref<16x512xf32, #tpu.memory_space<vmem>>, vector<16xf32>,
    tpu.vector_store %arg5[%swap3A_954, %swap3A_955], %broadcast_in_dim3A_1 {strides = array<i32>} : memref<16x512xf32, #tpu.memory_space<vmem>>, vector<16xf32>,
    %swap3A_957 = arith.constant 7 : i32
    %swap3A_958 = arith.index_cast %swap3A_957 : i32 to index
    %swap3A_959 = arith.constant 240 : index
    %swap3A_960 = tpu.vector_load %arg5[%swap3A_958, %swap3A_959] {strides = array<i32>} : memref<16x512xf32, #tpu.memory_space<vmem>>, vector<16xf32>,
    tpu.vector_store %arg5[%swap3A_958, %swap3A_959], %broadcast_in_dim3A_1 {strides = array<i32>} : memref<16x512xf32, #tpu.memory_space<vmem>>, vector<16xf32>,
    %swap3A_961 = arith.constant 7 : i32
    %swap3A_962 = arith.index_cast %swap3A_961 : i32 to index
    %swap3A_963 = arith.constant 256 : index
    %swap3A_964 = tpu.vector_load %arg5[%swap3A_962, %swap3A_963] {strides = array<i32>} : memref<16x512xf32, #tpu.memory_space<vmem>>, vector<16xf32>,
    tpu.vector_store %arg5[%swap3A_962, %swap3A_963], %broadcast_in_dim3A_1 {strides = array<i32>} : memref<16x512xf32, #tpu.memory_space<vmem>>, vector<16xf32>,
    %swap3A_965 = arith.constant 7 : i32
    %swap3A_966 = arith.index_cast %swap3A_965 : i32 to index
    %swap3A_967 = arith.constant 272 : index
    %swap3A_968 = tpu.vector_load %arg5[%swap3A_966, %swap3A_967] {strides = array<i32>} : memref<16x512xf32, #tpu.memory_space<vmem>>, vector<16xf32>,
    tpu.vector_store %arg5[%swap3A_966, %swap3A_967], %broadcast_in_dim3A_1 {strides = array<i32>} : memref<16x512xf32, #tpu.memory_space<vmem>>, vector<16xf32>,
    %swap3A_969 = arith.constant 7 : i32
    %swap3A_970 = arith.index_cast %swap3A_969 : i32 to index
    %swap3A_971 = arith.constant 288 : index
    %swap3A_972 = tpu.vector_load %arg5[%swap3A_970, %swap3A_971] {strides = array<i32>} : memref<16x512xf32, #tpu.memory_space<vmem>>, vector<16xf32>,
    tpu.vector_store %arg5[%swap3A_970, %swap3A_971], %broadcast_in_dim3A_1 {strides = array<i32>} : memref<16x512xf32, #tpu.memory_space<vmem>>, vector<16xf32>,
    %swap3A_973 = arith.constant 7 : i32
    %swap3A_974 = arith.index_cast %swap3A_973 : i32 to index
    %swap3A_975 = arith.constant 304 : index
    %swap3A_976 = tpu.vector_load %arg5[%swap3A_974, %swap3A_975] {strides = array<i32>} : memref<16x512xf32, #tpu.memory_space<vmem>>, vector<16xf32>,
    tpu.vector_store %arg5[%swap3A_974, %swap3A_975], %broadcast_in_dim3A_1 {strides = array<i32>} : memref<16x512xf32, #tpu.memory_space<vmem>>, vector<16xf32>,
    %swap3A_977 = arith.constant 7 : i32
    %swap3A_978 = arith.index_cast %swap3A_977 : i32 to index
    %swap3A_979 = arith.constant 320 : index
    %swap3A_980 = tpu.vector_load %arg5[%swap3A_978, %swap3A_979] {strides = array<i32>} : memref<16x512xf32, #tpu.memory_space<vmem>>, vector<16xf32>,
    tpu.vector_store %arg5[%swap3A_978, %swap3A_979], %broadcast_in_dim3A_1 {strides = array<i32>} : memref<16x512xf32, #tpu.memory_space<vmem>>, vector<16xf32>,
    %swap3A_981 = arith.constant 7 : i32
    %swap3A_982 = arith.index_cast %swap3A_981 : i32 to index
    %swap3A_983 = arith.constant 336 : index
    %swap3A_984 = tpu.vector_load %arg5[%swap3A_982, %swap3A_983] {strides = array<i32>} : memref<16x512xf32, #tpu.memory_space<vmem>>, vector<16xf32>,
    tpu.vector_store %arg5[%swap3A_982, %swap3A_983], %broadcast_in_dim3A_1 {strides = array<i32>} : memref<16x512xf32, #tpu.memory_space<vmem>>, vector<16xf32>,
    %swap3A_985 = arith.constant 7 : i32
    %swap3A_986 = arith.index_cast %swap3A_985 : i32 to index
    %swap3A_987 = arith.constant 352 : index
    %swap3A_988 = tpu.vector_load %arg5[%swap3A_986, %swap3A_987] {strides = array<i32>} : memref<16x512xf32, #tpu.memory_space<vmem>>, vector<16xf32>,
    tpu.vector_store %arg5[%swap3A_986, %swap3A_987], %broadcast_in_dim3A_1 {strides = array<i32>} : memref<16x512xf32, #tpu.memory_space<vmem>>, vector<16xf32>,
    %swap3A_989 = arith.constant 7 : i32
    %swap3A_990 = arith.index_cast %swap3A_989 : i32 to index
    %swap3A_991 = arith.constant 368 : index
    %swap3A_992 = tpu.vector_load %arg5[%swap3A_990, %swap3A_991] {strides = array<i32>} : memref<16x512xf32, #tpu.memory_space<vmem>>, vector<16xf32>,
    tpu.vector_store %arg5[%swap3A_990, %swap3A_991], %broadcast_in_dim3A_1 {strides = array<i32>} : memref<16x512xf32, #tpu.memory_space<vmem>>, vector<16xf32>,
    %swap3A_993 = arith.constant 7 : i32
    %swap3A_994 = arith.index_cast %swap3A_993 : i32 to index
    %swap3A_995 = arith.constant 384 : index
    %swap3A_996 = tpu.vector_load %arg5[%swap3A_994, %swap3A_995] {strides = array<i32>} : memref<16x512xf32, #tpu.memory_space<vmem>>, vector<16xf32>,
    tpu.vector_store %arg5[%swap3A_994, %swap3A_995], %broadcast_in_dim3A_1 {strides = array<i32>} : memref<16x512xf32, #tpu.memory_space<vmem>>, vector<16xf32>,
    %swap3A_997 = arith.constant 7 : i32
    %swap3A_998 = arith.index_cast %swap3A_997 : i32 to index
    %swap3A_999 = arith.constant 400 : index
    %swap3A_1000 = tpu.vector_load %arg5[%swap3A_998, %swap3A_999] {strides = array<i32>} : memref<16x512xf32, #tpu.memory_space<vmem>>, vector<16xf32>,
    tpu.vector_store %arg5[%swap3A_998, %swap3A_999], %broadcast_in_dim3A_1 {strides = array<i32>} : memref<16x512xf32, #tpu.memory_space<vmem>>, vector<16xf32>,
    %swap3A_1001 = arith.constant 7 : i32
    %swap3A_1002 = arith.index_cast %swap3A_1001 : i32 to index
    %swap3A_1003 = arith.constant 416 : index
    %swap3A_1004 = tpu.vector_load %arg5[%swap3A_1002, %swap3A_1003] {strides = array<i32>} : memref<16x512xf32, #tpu.memory_space<vmem>>, vector<16xf32>,
    tpu.vector_store %arg5[%swap3A_1002, %swap3A_1003], %broadcast_in_dim3A_1 {strides = array<i32>} : memref<16x512xf32, #tpu.memory_space<vmem>>, vector<16xf32>,
    %swap3A_1005 = arith.constant 7 : i32
    %swap3A_1006 = arith.index_cast %swap3A_1005 : i32 to index
    %swap3A_1007 = arith.constant 432 : index
    %swap3A_1008 = tpu.vector_load %arg5[%swap3A_1006, %swap3A_1007] {strides = array<i32>} : memref<16x512xf32, #tpu.memory_space<vmem>>, vector<16xf32>,
    tpu.vector_store %arg5[%swap3A_1006, %swap3A_1007], %broadcast_in_dim3A_1 {strides = array<i32>} : memref<16x512xf32, #tpu.memory_space<vmem>>, vector<16xf32>,
    %swap3A_1009 = arith.constant 7 : i32
    %swap3A_1010 = arith.index_cast %swap3A_1009 : i32 to index
    %swap3A_1011 = arith.constant 448 : index
    %swap3A_1012 = tpu.vector_load %arg5[%swap3A_1010, %swap3A_1011] {strides = array<i32>} : memref<16x512xf32, #tpu.memory_space<vmem>>, vector<16xf32>,
    tpu.vector_store %arg5[%swap3A_1010, %swap3A_1011], %broadcast_in_dim3A_1 {strides = array<i32>} : memref<16x512xf32, #tpu.memory_space<vmem>>, vector<16xf32>,
    %swap3A_1013 = arith.constant 7 : i32
    %swap3A_1014 = arith.index_cast %swap3A_1013 : i32 to index
    %swap3A_1015 = arith.constant 464 : index
    %swap3A_1016 = tpu.vector_load %arg5[%swap3A_1014, %swap3A_1015] {strides = array<i32>} : memref<16x512xf32, #tpu.memory_space<vmem>>, vector<16xf32>,
    tpu.vector_store %arg5[%swap3A_1014, %swap3A_1015], %broadcast_in_dim3A_1 {strides = array<i32>} : memref<16x512xf32, #tpu.memory_space<vmem>>, vector<16xf32>,
    %swap3A_1017 = arith.constant 7 : i32
    %swap3A_1018 = arith.index_cast %swap3A_1017 : i32 to index
    %swap3A_1019 = arith.constant 480 : index
    %swap3A_1020 = tpu.vector_load %arg5[%swap3A_1018, %swap3A_1019] {strides = array<i32>} : memref<16x512xf32, #tpu.memory_space<vmem>>, vector<16xf32>,
    tpu.vector_store %arg5[%swap3A_1018, %swap3A_1019], %broadcast_in_dim3A_1 {strides = array<i32>} : memref<16x512xf32, #tpu.memory_space<vmem>>, vector<16xf32>,
    %swap3A_1021 = arith.constant 7 : i32
    %swap3A_1022 = arith.index_cast %swap3A_1021 : i32 to index
    %swap3A_1023 = arith.constant 496 : index
    %swap3A_1024 = tpu.vector_load %arg5[%swap3A_1022, %swap3A_1023] {strides = array<i32>} : memref<16x512xf32, #tpu.memory_space<vmem>>, vector<16xf32>,
    tpu.vector_store %arg5[%swap3A_1022, %swap3A_1023], %broadcast_in_dim3A_1 {strides = array<i32>} : memref<16x512xf32, #tpu.memory_space<vmem>>, vector<16xf32>,
    %swap3A_1025 = arith.constant 8 : i32
    %swap3A_1026 = arith.index_cast %swap3A_1025 : i32 to index
    %swap3A_1027 = arith.constant 0 : index
    %swap3A_1028 = tpu.vector_load %arg5[%swap3A_1026, %swap3A_1027] {strides = array<i32>} : memref<16x512xf32, #tpu.memory_space<vmem>>, vector<16xf32>,
    tpu.vector_store %arg5[%swap3A_1026, %swap3A_1027], %broadcast_in_dim3A_1 {strides = array<i32>} : memref<16x512xf32, #tpu.memory_space<vmem>>, vector<16xf32>,
    %swap3A_1029 = arith.constant 8 : i32
    %swap3A_1030 = arith.index_cast %swap3A_1029 : i32 to index
    %swap3A_1031 = arith.constant 16 : index
    %swap3A_1032 = tpu.vector_load %arg5[%swap3A_1030, %swap3A_1031] {strides = array<i32>} : memref<16x512xf32, #tpu.memory_space<vmem>>, vector<16xf32>,
    tpu.vector_store %arg5[%swap3A_1030, %swap3A_1031], %broadcast_in_dim3A_1 {strides = array<i32>} : memref<16x512xf32, #tpu.memory_space<vmem>>, vector<16xf32>,
    %swap3A_1033 = arith.constant 8 : i32
    %swap3A_1034 = arith.index_cast %swap3A_1033 : i32 to index
    %swap3A_1035 = arith.constant 32 : index
    %swap3A_1036 = tpu.vector_load %arg5[%swap3A_1034, %swap3A_1035] {strides = array<i32>} : memref<16x512xf32, #tpu.memory_space<vmem>>, vector<16xf32>,
    tpu.vector_store %arg5[%swap3A_1034, %swap3A_1035], %broadcast_in_dim3A_1 {strides = array<i32>} : memref<16x512xf32, #tpu.memory_space<vmem>>, vector<16xf32>,
    %swap3A_1037 = arith.constant 8 : i32
    %swap3A_1038 = arith.index_cast %swap3A_1037 : i32 to index
    %swap3A_1039 = arith.constant 48 : index
    %swap3A_1040 = tpu.vector_load %arg5[%swap3A_1038, %swap3A_1039] {strides = array<i32>} : memref<16x512xf32, #tpu.memory_space<vmem>>, vector<16xf32>,
    tpu.vector_store %arg5[%swap3A_1038, %swap3A_1039], %broadcast_in_dim3A_1 {strides = array<i32>} : memref<16x512xf32, #tpu.memory_space<vmem>>, vector<16xf32>,
    %swap3A_1041 = arith.constant 8 : i32
    %swap3A_1042 = arith.index_cast %swap3A_1041 : i32 to index
    %swap3A_1043 = arith.constant 64 : index
    %swap3A_1044 = tpu.vector_load %arg5[%swap3A_1042, %swap3A_1043] {strides = array<i32>} : memref<16x512xf32, #tpu.memory_space<vmem>>, vector<16xf32>,
    tpu.vector_store %arg5[%swap3A_1042, %swap3A_1043], %broadcast_in_dim3A_1 {strides = array<i32>} : memref<16x512xf32, #tpu.memory_space<vmem>>, vector<16xf32>,
    %swap3A_1045 = arith.constant 8 : i32
    %swap3A_1046 = arith.index_cast %swap3A_1045 : i32 to index
    %swap3A_1047 = arith.constant 80 : index
    %swap3A_1048 = tpu.vector_load %arg5[%swap3A_1046, %swap3A_1047] {strides = array<i32>} : memref<16x512xf32, #tpu.memory_space<vmem>>, vector<16xf32>,
    tpu.vector_store %arg5[%swap3A_1046, %swap3A_1047], %broadcast_in_dim3A_1 {strides = array<i32>} : memref<16x512xf32, #tpu.memory_space<vmem>>, vector<16xf32>,
    %swap3A_1049 = arith.constant 8 : i32
    %swap3A_1050 = arith.index_cast %swap3A_1049 : i32 to index
    %swap3A_1051 = arith.constant 96 : index
    %swap3A_1052 = tpu.vector_load %arg5[%swap3A_1050, %swap3A_1051] {strides = array<i32>} : memref<16x512xf32, #tpu.memory_space<vmem>>, vector<16xf32>,
    tpu.vector_store %arg5[%swap3A_1050, %swap3A_1051], %broadcast_in_dim3A_1 {strides = array<i32>} : memref<16x512xf32, #tpu.memory_space<vmem>>, vector<16xf32>,
    %swap3A_1053 = arith.constant 8 : i32
    %swap3A_1054 = arith.index_cast %swap3A_1053 : i32 to index
    %swap3A_1055 = arith.constant 112 : index
    %swap3A_1056 = tpu.vector_load %arg5[%swap3A_1054, %swap3A_1055] {strides = array<i32>} : memref<16x512xf32, #tpu.memory_space<vmem>>, vector<16xf32>,
    tpu.vector_store %arg5[%swap3A_1054, %swap3A_1055], %broadcast_in_dim3A_1 {strides = array<i32>} : memref<16x512xf32, #tpu.memory_space<vmem>>, vector<16xf32>,
    %swap3A_1057 = arith.constant 8 : i32
    %swap3A_1058 = arith.index_cast %swap3A_1057 : i32 to index
    %swap3A_1059 = arith.constant 128 : index
    %swap3A_1060 = tpu.vector_load %arg5[%swap3A_1058, %swap3A_1059] {strides = array<i32>} : memref<16x512xf32, #tpu.memory_space<vmem>>, vector<16xf32>,
    tpu.vector_store %arg5[%swap3A_1058, %swap3A_1059], %broadcast_in_dim3A_1 {strides = array<i32>} : memref<16x512xf32, #tpu.memory_space<vmem>>, vector<16xf32>,
    %swap3A_1061 = arith.constant 8 : i32
    %swap3A_1062 = arith.index_cast %swap3A_1061 : i32 to index
    %swap3A_1063 = arith.constant 144 : index
    %swap3A_1064 = tpu.vector_load %arg5[%swap3A_1062, %swap3A_1063] {strides = array<i32>} : memref<16x512xf32, #tpu.memory_space<vmem>>, vector<16xf32>,
    tpu.vector_store %arg5[%swap3A_1062, %swap3A_1063], %broadcast_in_dim3A_1 {strides = array<i32>} : memref<16x512xf32, #tpu.memory_space<vmem>>, vector<16xf32>,
    %swap3A_1065 = arith.constant 8 : i32
    %swap3A_1066 = arith.index_cast %swap3A_1065 : i32 to index
    %swap3A_1067 = arith.constant 160 : index
    %swap3A_1068 = tpu.vector_load %arg5[%swap3A_1066, %swap3A_1067] {strides = array<i32>} : memref<16x512xf32, #tpu.memory_space<vmem>>, vector<16xf32>,
    tpu.vector_store %arg5[%swap3A_1066, %swap3A_1067], %broadcast_in_dim3A_1 {strides = array<i32>} : memref<16x512xf32, #tpu.memory_space<vmem>>, vector<16xf32>,
    %swap3A_1069 = arith.constant 8 : i32
    %swap3A_1070 = arith.index_cast %swap3A_1069 : i32 to index
    %swap3A_1071 = arith.constant 176 : index
    %swap3A_1072 = tpu.vector_load %arg5[%swap3A_1070, %swap3A_1071] {strides = array<i32>} : memref<16x512xf32, #tpu.memory_space<vmem>>, vector<16xf32>,
    tpu.vector_store %arg5[%swap3A_1070, %swap3A_1071], %broadcast_in_dim3A_1 {strides = array<i32>} : memref<16x512xf32, #tpu.memory_space<vmem>>, vector<16xf32>,
    %swap3A_1073 = arith.constant 8 : i32
    %swap3A_1074 = arith.index_cast %swap3A_1073 : i32 to index
    %swap3A_1075 = arith.constant 192 : index
    %swap3A_1076 = tpu.vector_load %arg5[%swap3A_1074, %swap3A_1075] {strides = array<i32>} : memref<16x512xf32, #tpu.memory_space<vmem>>, vector<16xf32>,
    tpu.vector_store %arg5[%swap3A_1074, %swap3A_1075], %broadcast_in_dim3A_1 {strides = array<i32>} : memref<16x512xf32, #tpu.memory_space<vmem>>, vector<16xf32>,
    %swap3A_1077 = arith.constant 8 : i32
    %swap3A_1078 = arith.index_cast %swap3A_1077 : i32 to index
    %swap3A_1079 = arith.constant 208 : index
    %swap3A_1080 = tpu.vector_load %arg5[%swap3A_1078, %swap3A_1079] {strides = array<i32>} : memref<16x512xf32, #tpu.memory_space<vmem>>, vector<16xf32>,
    tpu.vector_store %arg5[%swap3A_1078, %swap3A_1079], %broadcast_in_dim3A_1 {strides = array<i32>} : memref<16x512xf32, #tpu.memory_space<vmem>>, vector<16xf32>,
    %swap3A_1081 = arith.constant 8 : i32
    %swap3A_1082 = arith.index_cast %swap3A_1081 : i32 to index
    %swap3A_1083 = arith.constant 224 : index
    %swap3A_1084 = tpu.vector_load %arg5[%swap3A_1082, %swap3A_1083] {strides = array<i32>} : memref<16x512xf32, #tpu.memory_space<vmem>>, vector<16xf32>,
    tpu.vector_store %arg5[%swap3A_1082, %swap3A_1083], %broadcast_in_dim3A_1 {strides = array<i32>} : memref<16x512xf32, #tpu.memory_space<vmem>>, vector<16xf32>,
    %swap3A_1085 = arith.constant 8 : i32
    %swap3A_1086 = arith.index_cast %swap3A_1085 : i32 to index
    %swap3A_1087 = arith.constant 240 : index
    %swap3A_1088 = tpu.vector_load %arg5[%swap3A_1086, %swap3A_1087] {strides = array<i32>} : memref<16x512xf32, #tpu.memory_space<vmem>>, vector<16xf32>,
    tpu.vector_store %arg5[%swap3A_1086, %swap3A_1087], %broadcast_in_dim3A_1 {strides = array<i32>} : memref<16x512xf32, #tpu.memory_space<vmem>>, vector<16xf32>,
    %swap3A_1089 = arith.constant 8 : i32
    %swap3A_1090 = arith.index_cast %swap3A_1089 : i32 to index
    %swap3A_1091 = arith.constant 256 : index
    %swap3A_1092 = tpu.vector_load %arg5[%swap3A_1090, %swap3A_1091] {strides = array<i32>} : memref<16x512xf32, #tpu.memory_space<vmem>>, vector<16xf32>,
    tpu.vector_store %arg5[%swap3A_1090, %swap3A_1091], %broadcast_in_dim3A_1 {strides = array<i32>} : memref<16x512xf32, #tpu.memory_space<vmem>>, vector<16xf32>,
    %swap3A_1093 = arith.constant 8 : i32
    %swap3A_1094 = arith.index_cast %swap3A_1093 : i32 to index
    %swap3A_1095 = arith.constant 272 : index
    %swap3A_1096 = tpu.vector_load %arg5[%swap3A_1094, %swap3A_1095] {strides = array<i32>} : memref<16x512xf32, #tpu.memory_space<vmem>>, vector<16xf32>,
    tpu.vector_store %arg5[%swap3A_1094, %swap3A_1095], %broadcast_in_dim3A_1 {strides = array<i32>} : memref<16x512xf32, #tpu.memory_space<vmem>>, vector<16xf32>,
    %swap3A_1097 = arith.constant 8 : i32
    %swap3A_1098 = arith.index_cast %swap3A_1097 : i32 to index
    %swap3A_1099 = arith.constant 288 : index
    %swap3A_1100 = tpu.vector_load %arg5[%swap3A_1098, %swap3A_1099] {strides = array<i32>} : memref<16x512xf32, #tpu.memory_space<vmem>>, vector<16xf32>,
    tpu.vector_store %arg5[%swap3A_1098, %swap3A_1099], %broadcast_in_dim3A_1 {strides = array<i32>} : memref<16x512xf32, #tpu.memory_space<vmem>>, vector<16xf32>,
    %swap3A_1101 = arith.constant 8 : i32
    %swap3A_1102 = arith.index_cast %swap3A_1101 : i32 to index
    %swap3A_1103 = arith.constant 304 : index
    %swap3A_1104 = tpu.vector_load %arg5[%swap3A_1102, %swap3A_1103] {strides = array<i32>} : memref<16x512xf32, #tpu.memory_space<vmem>>, vector<16xf32>,
    tpu.vector_store %arg5[%swap3A_1102, %swap3A_1103], %broadcast_in_dim3A_1 {strides = array<i32>} : memref<16x512xf32, #tpu.memory_space<vmem>>, vector<16xf32>,
    %swap3A_1105 = arith.constant 8 : i32
    %swap3A_1106 = arith.index_cast %swap3A_1105 : i32 to index
    %swap3A_1107 = arith.constant 320 : index
    %swap3A_1108 = tpu.vector_load %arg5[%swap3A_1106, %swap3A_1107] {strides = array<i32>} : memref<16x512xf32, #tpu.memory_space<vmem>>, vector<16xf32>,
    tpu.vector_store %arg5[%swap3A_1106, %swap3A_1107], %broadcast_in_dim3A_1 {strides = array<i32>} : memref<16x512xf32, #tpu.memory_space<vmem>>, vector<16xf32>,
    %swap3A_1109 = arith.constant 8 : i32
    %swap3A_1110 = arith.index_cast %swap3A_1109 : i32 to index
    %swap3A_1111 = arith.constant 336 : index
    %swap3A_1112 = tpu.vector_load %arg5[%swap3A_1110, %swap3A_1111] {strides = array<i32>} : memref<16x512xf32, #tpu.memory_space<vmem>>, vector<16xf32>,
    tpu.vector_store %arg5[%swap3A_1110, %swap3A_1111], %broadcast_in_dim3A_1 {strides = array<i32>} : memref<16x512xf32, #tpu.memory_space<vmem>>, vector<16xf32>,
    %swap3A_1113 = arith.constant 8 : i32
    %swap3A_1114 = arith.index_cast %swap3A_1113 : i32 to index
    %swap3A_1115 = arith.constant 352 : index
    %swap3A_1116 = tpu.vector_load %arg5[%swap3A_1114, %swap3A_1115] {strides = array<i32>} : memref<16x512xf32, #tpu.memory_space<vmem>>, vector<16xf32>,
    tpu.vector_store %arg5[%swap3A_1114, %swap3A_1115], %broadcast_in_dim3A_1 {strides = array<i32>} : memref<16x512xf32, #tpu.memory_space<vmem>>, vector<16xf32>,
    %swap3A_1117 = arith.constant 8 : i32
    %swap3A_1118 = arith.index_cast %swap3A_1117 : i32 to index
    %swap3A_1119 = arith.constant 368 : index
    %swap3A_1120 = tpu.vector_load %arg5[%swap3A_1118, %swap3A_1119] {strides = array<i32>} : memref<16x512xf32, #tpu.memory_space<vmem>>, vector<16xf32>,
    tpu.vector_store %arg5[%swap3A_1118, %swap3A_1119], %broadcast_in_dim3A_1 {strides = array<i32>} : memref<16x512xf32, #tpu.memory_space<vmem>>, vector<16xf32>,
    %swap3A_1121 = arith.constant 8 : i32
    %swap3A_1122 = arith.index_cast %swap3A_1121 : i32 to index
    %swap3A_1123 = arith.constant 384 : index
    %swap3A_1124 = tpu.vector_load %arg5[%swap3A_1122, %swap3A_1123] {strides = array<i32>} : memref<16x512xf32, #tpu.memory_space<vmem>>, vector<16xf32>,
    tpu.vector_store %arg5[%swap3A_1122, %swap3A_1123], %broadcast_in_dim3A_1 {strides = array<i32>} : memref<16x512xf32, #tpu.memory_space<vmem>>, vector<16xf32>,
    %swap3A_1125 = arith.constant 8 : i32
    %swap3A_1126 = arith.index_cast %swap3A_1125 : i32 to index
    %swap3A_1127 = arith.constant 400 : index
    %swap3A_1128 = tpu.vector_load %arg5[%swap3A_1126, %swap3A_1127] {strides = array<i32>} : memref<16x512xf32, #tpu.memory_space<vmem>>, vector<16xf32>,
    tpu.vector_store %arg5[%swap3A_1126, %swap3A_1127], %broadcast_in_dim3A_1 {strides = array<i32>} : memref<16x512xf32, #tpu.memory_space<vmem>>, vector<16xf32>,
    %swap3A_1129 = arith.constant 8 : i32
    %swap3A_1130 = arith.index_cast %swap3A_1129 : i32 to index
    %swap3A_1131 = arith.constant 416 : index
    %swap3A_1132 = tpu.vector_load %arg5[%swap3A_1130, %swap3A_1131] {strides = array<i32>} : memref<16x512xf32, #tpu.memory_space<vmem>>, vector<16xf32>,
    tpu.vector_store %arg5[%swap3A_1130, %swap3A_1131], %broadcast_in_dim3A_1 {strides = array<i32>} : memref<16x512xf32, #tpu.memory_space<vmem>>, vector<16xf32>,
    %swap3A_1133 = arith.constant 8 : i32
    %swap3A_1134 = arith.index_cast %swap3A_1133 : i32 to index
    %swap3A_1135 = arith.constant 432 : index
    %swap3A_1136 = tpu.vector_load %arg5[%swap3A_1134, %swap3A_1135] {strides = array<i32>} : memref<16x512xf32, #tpu.memory_space<vmem>>, vector<16xf32>,
    tpu.vector_store %arg5[%swap3A_1134, %swap3A_1135], %broadcast_in_dim3A_1 {strides = array<i32>} : memref<16x512xf32, #tpu.memory_space<vmem>>, vector<16xf32>,
    %swap3A_1137 = arith.constant 8 : i32
    %swap3A_1138 = arith.index_cast %swap3A_1137 : i32 to index
    %swap3A_1139 = arith.constant 448 : index
    %swap3A_1140 = tpu.vector_load %arg5[%swap3A_1138, %swap3A_1139] {strides = array<i32>} : memref<16x512xf32, #tpu.memory_space<vmem>>, vector<16xf32>,
    tpu.vector_store %arg5[%swap3A_1138, %swap3A_1139], %broadcast_in_dim3A_1 {strides = array<i32>} : memref<16x512xf32, #tpu.memory_space<vmem>>, vector<16xf32>,
    %swap3A_1141 = arith.constant 8 : i32
    %swap3A_1142 = arith.index_cast %swap3A_1141 : i32 to index
    %swap3A_1143 = arith.constant 464 : index
    %swap3A_1144 = tpu.vector_load %arg5[%swap3A_1142, %swap3A_1143] {strides = array<i32>} : memref<16x512xf32, #tpu.memory_space<vmem>>, vector<16xf32>,
    tpu.vector_store %arg5[%swap3A_1142, %swap3A_1143], %broadcast_in_dim3A_1 {strides = array<i32>} : memref<16x512xf32, #tpu.memory_space<vmem>>, vector<16xf32>,
    %swap3A_1145 = arith.constant 8 : i32
    %swap3A_1146 = arith.index_cast %swap3A_1145 : i32 to index
    %swap3A_1147 = arith.constant 480 : index
    %swap3A_1148 = tpu.vector_load %arg5[%swap3A_1146, %swap3A_1147] {strides = array<i32>} : memref<16x512xf32, #tpu.memory_space<vmem>>, vector<16xf32>,
    tpu.vector_store %arg5[%swap3A_1146, %swap3A_1147], %broadcast_in_dim3A_1 {strides = array<i32>} : memref<16x512xf32, #tpu.memory_space<vmem>>, vector<16xf32>,
    %swap3A_1149 = arith.constant 8 : i32
    %swap3A_1150 = arith.index_cast %swap3A_1149 : i32 to index
    %swap3A_1151 = arith.constant 496 : index
    %swap3A_1152 = tpu.vector_load %arg5[%swap3A_1150, %swap3A_1151] {strides = array<i32>} : memref<16x512xf32, #tpu.memory_space<vmem>>, vector<16xf32>,
    tpu.vector_store %arg5[%swap3A_1150, %swap3A_1151], %broadcast_in_dim3A_1 {strides = array<i32>} : memref<16x512xf32, #tpu.memory_space<vmem>>, vector<16xf32>,
    %swap3A_1153 = arith.constant 9 : i32
    %swap3A_1154 = arith.index_cast %swap3A_1153 : i32 to index
    %swap3A_1155 = arith.constant 0 : index
    %swap3A_1156 = tpu.vector_load %arg5[%swap3A_1154, %swap3A_1155] {strides = array<i32>} : memref<16x512xf32, #tpu.memory_space<vmem>>, vector<16xf32>,
    tpu.vector_store %arg5[%swap3A_1154, %swap3A_1155], %broadcast_in_dim3A_1 {strides = array<i32>} : memref<16x512xf32, #tpu.memory_space<vmem>>, vector<16xf32>,
    %swap3A_1157 = arith.constant 9 : i32
    %swap3A_1158 = arith.index_cast %swap3A_1157 : i32 to index
    %swap3A_1159 = arith.constant 16 : index
    %swap3A_1160 = tpu.vector_load %arg5[%swap3A_1158, %swap3A_1159] {strides = array<i32>} : memref<16x512xf32, #tpu.memory_space<vmem>>, vector<16xf32>,
    tpu.vector_store %arg5[%swap3A_1158, %swap3A_1159], %broadcast_in_dim3A_1 {strides = array<i32>} : memref<16x512xf32, #tpu.memory_space<vmem>>, vector<16xf32>,
    %swap3A_1161 = arith.constant 9 : i32
    %swap3A_1162 = arith.index_cast %swap3A_1161 : i32 to index
    %swap3A_1163 = arith.constant 32 : index
    %swap3A_1164 = tpu.vector_load %arg5[%swap3A_1162, %swap3A_1163] {strides = array<i32>} : memref<16x512xf32, #tpu.memory_space<vmem>>, vector<16xf32>,
    tpu.vector_store %arg5[%swap3A_1162, %swap3A_1163], %broadcast_in_dim3A_1 {strides = array<i32>} : memref<16x512xf32, #tpu.memory_space<vmem>>, vector<16xf32>,
    %swap3A_1165 = arith.constant 9 : i32
    %swap3A_1166 = arith.index_cast %swap3A_1165 : i32 to index
    %swap3A_1167 = arith.constant 48 : index
    %swap3A_1168 = tpu.vector_load %arg5[%swap3A_1166, %swap3A_1167] {strides = array<i32>} : memref<16x512xf32, #tpu.memory_space<vmem>>, vector<16xf32>,
    tpu.vector_store %arg5[%swap3A_1166, %swap3A_1167], %broadcast_in_dim3A_1 {strides = array<i32>} : memref<16x512xf32, #tpu.memory_space<vmem>>, vector<16xf32>,
    %swap3A_1169 = arith.constant 9 : i32
    %swap3A_1170 = arith.index_cast %swap3A_1169 : i32 to index
    %swap3A_1171 = arith.constant 64 : index
    %swap3A_1172 = tpu.vector_load %arg5[%swap3A_1170, %swap3A_1171] {strides = array<i32>} : memref<16x512xf32, #tpu.memory_space<vmem>>, vector<16xf32>,
    tpu.vector_store %arg5[%swap3A_1170, %swap3A_1171], %broadcast_in_dim3A_1 {strides = array<i32>} : memref<16x512xf32, #tpu.memory_space<vmem>>, vector<16xf32>,
    %swap3A_1173 = arith.constant 9 : i32
    %swap3A_1174 = arith.index_cast %swap3A_1173 : i32 to index
    %swap3A_1175 = arith.constant 80 : index
    %swap3A_1176 = tpu.vector_load %arg5[%swap3A_1174, %swap3A_1175] {strides = array<i32>} : memref<16x512xf32, #tpu.memory_space<vmem>>, vector<16xf32>,
    tpu.vector_store %arg5[%swap3A_1174, %swap3A_1175], %broadcast_in_dim3A_1 {strides = array<i32>} : memref<16x512xf32, #tpu.memory_space<vmem>>, vector<16xf32>,
    %swap3A_1177 = arith.constant 9 : i32
    %swap3A_1178 = arith.index_cast %swap3A_1177 : i32 to index
    %swap3A_1179 = arith.constant 96 : index
    %swap3A_1180 = tpu.vector_load %arg5[%swap3A_1178, %swap3A_1179] {strides = array<i32>} : memref<16x512xf32, #tpu.memory_space<vmem>>, vector<16xf32>,
    tpu.vector_store %arg5[%swap3A_1178, %swap3A_1179], %broadcast_in_dim3A_1 {strides = array<i32>} : memref<16x512xf32, #tpu.memory_space<vmem>>, vector<16xf32>,
    %swap3A_1181 = arith.constant 9 : i32
    %swap3A_1182 = arith.index_cast %swap3A_1181 : i32 to index
    %swap3A_1183 = arith.constant 112 : index
    %swap3A_1184 = tpu.vector_load %arg5[%swap3A_1182, %swap3A_1183] {strides = array<i32>} : memref<16x512xf32, #tpu.memory_space<vmem>>, vector<16xf32>,
    tpu.vector_store %arg5[%swap3A_1182, %swap3A_1183], %broadcast_in_dim3A_1 {strides = array<i32>} : memref<16x512xf32, #tpu.memory_space<vmem>>, vector<16xf32>,
    %swap3A_1185 = arith.constant 9 : i32
    %swap3A_1186 = arith.index_cast %swap3A_1185 : i32 to index
    %swap3A_1187 = arith.constant 128 : index
    %swap3A_1188 = tpu.vector_load %arg5[%swap3A_1186, %swap3A_1187] {strides = array<i32>} : memref<16x512xf32, #tpu.memory_space<vmem>>, vector<16xf32>,
    tpu.vector_store %arg5[%swap3A_1186, %swap3A_1187], %broadcast_in_dim3A_1 {strides = array<i32>} : memref<16x512xf32, #tpu.memory_space<vmem>>, vector<16xf32>,
    %swap3A_1189 = arith.constant 9 : i32
    %swap3A_1190 = arith.index_cast %swap3A_1189 : i32 to index
    %swap3A_1191 = arith.constant 144 : index
    %swap3A_1192 = tpu.vector_load %arg5[%swap3A_1190, %swap3A_1191] {strides = array<i32>} : memref<16x512xf32, #tpu.memory_space<vmem>>, vector<16xf32>,
    tpu.vector_store %arg5[%swap3A_1190, %swap3A_1191], %broadcast_in_dim3A_1 {strides = array<i32>} : memref<16x512xf32, #tpu.memory_space<vmem>>, vector<16xf32>,
    %swap3A_1193 = arith.constant 9 : i32
    %swap3A_1194 = arith.index_cast %swap3A_1193 : i32 to index
    %swap3A_1195 = arith.constant 160 : index
    %swap3A_1196 = tpu.vector_load %arg5[%swap3A_1194, %swap3A_1195] {strides = array<i32>} : memref<16x512xf32, #tpu.memory_space<vmem>>, vector<16xf32>,
    tpu.vector_store %arg5[%swap3A_1194, %swap3A_1195], %broadcast_in_dim3A_1 {strides = array<i32>} : memref<16x512xf32, #tpu.memory_space<vmem>>, vector<16xf32>,
    %swap3A_1197 = arith.constant 9 : i32
    %swap3A_1198 = arith.index_cast %swap3A_1197 : i32 to index
    %swap3A_1199 = arith.constant 176 : index
    %swap3A_1200 = tpu.vector_load %arg5[%swap3A_1198, %swap3A_1199] {strides = array<i32>} : memref<16x512xf32, #tpu.memory_space<vmem>>, vector<16xf32>,
    tpu.vector_store %arg5[%swap3A_1198, %swap3A_1199], %broadcast_in_dim3A_1 {strides = array<i32>} : memref<16x512xf32, #tpu.memory_space<vmem>>, vector<16xf32>,
    %swap3A_1201 = arith.constant 9 : i32
    %swap3A_1202 = arith.index_cast %swap3A_1201 : i32 to index
    %swap3A_1203 = arith.constant 192 : index
    %swap3A_1204 = tpu.vector_load %arg5[%swap3A_1202, %swap3A_1203] {strides = array<i32>} : memref<16x512xf32, #tpu.memory_space<vmem>>, vector<16xf32>,
    tpu.vector_store %arg5[%swap3A_1202, %swap3A_1203], %broadcast_in_dim3A_1 {strides = array<i32>} : memref<16x512xf32, #tpu.memory_space<vmem>>, vector<16xf32>,
    %swap3A_1205 = arith.constant 9 : i32
    %swap3A_1206 = arith.index_cast %swap3A_1205 : i32 to index
    %swap3A_1207 = arith.constant 208 : index
    %swap3A_1208 = tpu.vector_load %arg5[%swap3A_1206, %swap3A_1207] {strides = array<i32>} : memref<16x512xf32, #tpu.memory_space<vmem>>, vector<16xf32>,
    tpu.vector_store %arg5[%swap3A_1206, %swap3A_1207], %broadcast_in_dim3A_1 {strides = array<i32>} : memref<16x512xf32, #tpu.memory_space<vmem>>, vector<16xf32>,
    %swap3A_1209 = arith.constant 9 : i32
    %swap3A_1210 = arith.index_cast %swap3A_1209 : i32 to index
    %swap3A_1211 = arith.constant 224 : index
    %swap3A_1212 = tpu.vector_load %arg5[%swap3A_1210, %swap3A_1211] {strides = array<i32>} : memref<16x512xf32, #tpu.memory_space<vmem>>, vector<16xf32>,
    tpu.vector_store %arg5[%swap3A_1210, %swap3A_1211], %broadcast_in_dim3A_1 {strides = array<i32>} : memref<16x512xf32, #tpu.memory_space<vmem>>, vector<16xf32>,
    %swap3A_1213 = arith.constant 9 : i32
    %swap3A_1214 = arith.index_cast %swap3A_1213 : i32 to index
    %swap3A_1215 = arith.constant 240 : index
    %swap3A_1216 = tpu.vector_load %arg5[%swap3A_1214, %swap3A_1215] {strides = array<i32>} : memref<16x512xf32, #tpu.memory_space<vmem>>, vector<16xf32>,
    tpu.vector_store %arg5[%swap3A_1214, %swap3A_1215], %broadcast_in_dim3A_1 {strides = array<i32>} : memref<16x512xf32, #tpu.memory_space<vmem>>, vector<16xf32>,
    %swap3A_1217 = arith.constant 9 : i32
    %swap3A_1218 = arith.index_cast %swap3A_1217 : i32 to index
    %swap3A_1219 = arith.constant 256 : index
    %swap3A_1220 = tpu.vector_load %arg5[%swap3A_1218, %swap3A_1219] {strides = array<i32>} : memref<16x512xf32, #tpu.memory_space<vmem>>, vector<16xf32>,
    tpu.vector_store %arg5[%swap3A_1218, %swap3A_1219], %broadcast_in_dim3A_1 {strides = array<i32>} : memref<16x512xf32, #tpu.memory_space<vmem>>, vector<16xf32>,
    %swap3A_1221 = arith.constant 9 : i32
    %swap3A_1222 = arith.index_cast %swap3A_1221 : i32 to index
    %swap3A_1223 = arith.constant 272 : index
    %swap3A_1224 = tpu.vector_load %arg5[%swap3A_1222, %swap3A_1223] {strides = array<i32>} : memref<16x512xf32, #tpu.memory_space<vmem>>, vector<16xf32>,
    tpu.vector_store %arg5[%swap3A_1222, %swap3A_1223], %broadcast_in_dim3A_1 {strides = array<i32>} : memref<16x512xf32, #tpu.memory_space<vmem>>, vector<16xf32>,
    %swap3A_1225 = arith.constant 9 : i32
    %swap3A_1226 = arith.index_cast %swap3A_1225 : i32 to index
    %swap3A_1227 = arith.constant 288 : index
    %swap3A_1228 = tpu.vector_load %arg5[%swap3A_1226, %swap3A_1227] {strides = array<i32>} : memref<16x512xf32, #tpu.memory_space<vmem>>, vector<16xf32>,
    tpu.vector_store %arg5[%swap3A_1226, %swap3A_1227], %broadcast_in_dim3A_1 {strides = array<i32>} : memref<16x512xf32, #tpu.memory_space<vmem>>, vector<16xf32>,
    %swap3A_1229 = arith.constant 9 : i32
    %swap3A_1230 = arith.index_cast %swap3A_1229 : i32 to index
    %swap3A_1231 = arith.constant 304 : index
    %swap3A_1232 = tpu.vector_load %arg5[%swap3A_1230, %swap3A_1231] {strides = array<i32>} : memref<16x512xf32, #tpu.memory_space<vmem>>, vector<16xf32>,
    tpu.vector_store %arg5[%swap3A_1230, %swap3A_1231], %broadcast_in_dim3A_1 {strides = array<i32>} : memref<16x512xf32, #tpu.memory_space<vmem>>, vector<16xf32>,
    %swap3A_1233 = arith.constant 9 : i32
    %swap3A_1234 = arith.index_cast %swap3A_1233 : i32 to index
    %swap3A_1235 = arith.constant 320 : index
    %swap3A_1236 = tpu.vector_load %arg5[%swap3A_1234, %swap3A_1235] {strides = array<i32>} : memref<16x512xf32, #tpu.memory_space<vmem>>, vector<16xf32>,
    tpu.vector_store %arg5[%swap3A_1234, %swap3A_1235], %broadcast_in_dim3A_1 {strides = array<i32>} : memref<16x512xf32, #tpu.memory_space<vmem>>, vector<16xf32>,
    %swap3A_1237 = arith.constant 9 : i32
    %swap3A_1238 = arith.index_cast %swap3A_1237 : i32 to index
    %swap3A_1239 = arith.constant 336 : index
    %swap3A_1240 = tpu.vector_load %arg5[%swap3A_1238, %swap3A_1239] {strides = array<i32>} : memref<16x512xf32, #tpu.memory_space<vmem>>, vector<16xf32>,
    tpu.vector_store %arg5[%swap3A_1238, %swap3A_1239], %broadcast_in_dim3A_1 {strides = array<i32>} : memref<16x512xf32, #tpu.memory_space<vmem>>, vector<16xf32>,
    %swap3A_1241 = arith.constant 9 : i32
    %swap3A_1242 = arith.index_cast %swap3A_1241 : i32 to index
    %swap3A_1243 = arith.constant 352 : index
    %swap3A_1244 = tpu.vector_load %arg5[%swap3A_1242, %swap3A_1243] {strides = array<i32>} : memref<16x512xf32, #tpu.memory_space<vmem>>, vector<16xf32>,
    tpu.vector_store %arg5[%swap3A_1242, %swap3A_1243], %broadcast_in_dim3A_1 {strides = array<i32>} : memref<16x512xf32, #tpu.memory_space<vmem>>, vector<16xf32>,
    %swap3A_1245 = arith.constant 9 : i32
    %swap3A_1246 = arith.index_cast %swap3A_1245 : i32 to index
    %swap3A_1247 = arith.constant 368 : index
    %swap3A_1248 = tpu.vector_load %arg5[%swap3A_1246, %swap3A_1247] {strides = array<i32>} : memref<16x512xf32, #tpu.memory_space<vmem>>, vector<16xf32>,
    tpu.vector_store %arg5[%swap3A_1246, %swap3A_1247], %broadcast_in_dim3A_1 {strides = array<i32>} : memref<16x512xf32, #tpu.memory_space<vmem>>, vector<16xf32>,
    %swap3A_1249 = arith.constant 9 : i32
    %swap3A_1250 = arith.index_cast %swap3A_1249 : i32 to index
    %swap3A_1251 = arith.constant 384 : index
    %swap3A_1252 = tpu.vector_load %arg5[%swap3A_1250, %swap3A_1251] {strides = array<i32>} : memref<16x512xf32, #tpu.memory_space<vmem>>, vector<16xf32>,
    tpu.vector_store %arg5[%swap3A_1250, %swap3A_1251], %broadcast_in_dim3A_1 {strides = array<i32>} : memref<16x512xf32, #tpu.memory_space<vmem>>, vector<16xf32>,
    %swap3A_1253 = arith.constant 9 : i32
    %swap3A_1254 = arith.index_cast %swap3A_1253 : i32 to index
    %swap3A_1255 = arith.constant 400 : index
    %swap3A_1256 = tpu.vector_load %arg5[%swap3A_1254, %swap3A_1255] {strides = array<i32>} : memref<16x512xf32, #tpu.memory_space<vmem>>, vector<16xf32>,
    tpu.vector_store %arg5[%swap3A_1254, %swap3A_1255], %broadcast_in_dim3A_1 {strides = array<i32>} : memref<16x512xf32, #tpu.memory_space<vmem>>, vector<16xf32>,
    %swap3A_1257 = arith.constant 9 : i32
    %swap3A_1258 = arith.index_cast %swap3A_1257 : i32 to index
    %swap3A_1259 = arith.constant 416 : index
    %swap3A_1260 = tpu.vector_load %arg5[%swap3A_1258, %swap3A_1259] {strides = array<i32>} : memref<16x512xf32, #tpu.memory_space<vmem>>, vector<16xf32>,
    tpu.vector_store %arg5[%swap3A_1258, %swap3A_1259], %broadcast_in_dim3A_1 {strides = array<i32>} : memref<16x512xf32, #tpu.memory_space<vmem>>, vector<16xf32>,
    %swap3A_1261 = arith.constant 9 : i32
    %swap3A_1262 = arith.index_cast %swap3A_1261 : i32 to index
    %swap3A_1263 = arith.constant 432 : index
    %swap3A_1264 = tpu.vector_load %arg5[%swap3A_1262, %swap3A_1263] {strides = array<i32>} : memref<16x512xf32, #tpu.memory_space<vmem>>, vector<16xf32>,
    tpu.vector_store %arg5[%swap3A_1262, %swap3A_1263], %broadcast_in_dim3A_1 {strides = array<i32>} : memref<16x512xf32, #tpu.memory_space<vmem>>, vector<16xf32>,
    %swap3A_1265 = arith.constant 9 : i32
    %swap3A_1266 = arith.index_cast %swap3A_1265 : i32 to index
    %swap3A_1267 = arith.constant 448 : index
    %swap3A_1268 = tpu.vector_load %arg5[%swap3A_1266, %swap3A_1267] {strides = array<i32>} : memref<16x512xf32, #tpu.memory_space<vmem>>, vector<16xf32>,
    tpu.vector_store %arg5[%swap3A_1266, %swap3A_1267], %broadcast_in_dim3A_1 {strides = array<i32>} : memref<16x512xf32, #tpu.memory_space<vmem>>, vector<16xf32>,
    %swap3A_1269 = arith.constant 9 : i32
    %swap3A_1270 = arith.index_cast %swap3A_1269 : i32 to index
    %swap3A_1271 = arith.constant 464 : index
    %swap3A_1272 = tpu.vector_load %arg5[%swap3A_1270, %swap3A_1271] {strides = array<i32>} : memref<16x512xf32, #tpu.memory_space<vmem>>, vector<16xf32>,
    tpu.vector_store %arg5[%swap3A_1270, %swap3A_1271], %broadcast_in_dim3A_1 {strides = array<i32>} : memref<16x512xf32, #tpu.memory_space<vmem>>, vector<16xf32>,
    %swap3A_1273 = arith.constant 9 : i32
    %swap3A_1274 = arith.index_cast %swap3A_1273 : i32 to index
    %swap3A_1275 = arith.constant 480 : index
    %swap3A_1276 = tpu.vector_load %arg5[%swap3A_1274, %swap3A_1275] {strides = array<i32>} : memref<16x512xf32, #tpu.memory_space<vmem>>, vector<16xf32>,
    tpu.vector_store %arg5[%swap3A_1274, %swap3A_1275], %broadcast_in_dim3A_1 {strides = array<i32>} : memref<16x512xf32, #tpu.memory_space<vmem>>, vector<16xf32>,
    %swap3A_1277 = arith.constant 9 : i32
    %swap3A_1278 = arith.index_cast %swap3A_1277 : i32 to index
    %swap3A_1279 = arith.constant 496 : index
    %swap3A_1280 = tpu.vector_load %arg5[%swap3A_1278, %swap3A_1279] {strides = array<i32>} : memref<16x512xf32, #tpu.memory_space<vmem>>, vector<16xf32>,
    tpu.vector_store %arg5[%swap3A_1278, %swap3A_1279], %broadcast_in_dim3A_1 {strides = array<i32>} : memref<16x512xf32, #tpu.memory_space<vmem>>, vector<16xf32>,
    %swap3A_1281 = arith.constant 10 : i32
    %swap3A_1282 = arith.index_cast %swap3A_1281 : i32 to index
    %swap3A_1283 = arith.constant 0 : index
    %swap3A_1284 = tpu.vector_load %arg5[%swap3A_1282, %swap3A_1283] {strides = array<i32>} : memref<16x512xf32, #tpu.memory_space<vmem>>, vector<16xf32>,
    tpu.vector_store %arg5[%swap3A_1282, %swap3A_1283], %broadcast_in_dim3A_1 {strides = array<i32>} : memref<16x512xf32, #tpu.memory_space<vmem>>, vector<16xf32>,
    %swap3A_1285 = arith.constant 10 : i32
    %swap3A_1286 = arith.index_cast %swap3A_1285 : i32 to index
    %swap3A_1287 = arith.constant 16 : index
    %swap3A_1288 = tpu.vector_load %arg5[%swap3A_1286, %swap3A_1287] {strides = array<i32>} : memref<16x512xf32, #tpu.memory_space<vmem>>, vector<16xf32>,
    tpu.vector_store %arg5[%swap3A_1286, %swap3A_1287], %broadcast_in_dim3A_1 {strides = array<i32>} : memref<16x512xf32, #tpu.memory_space<vmem>>, vector<16xf32>,
    %swap3A_1289 = arith.constant 10 : i32
    %swap3A_1290 = arith.index_cast %swap3A_1289 : i32 to index
    %swap3A_1291 = arith.constant 32 : index
    %swap3A_1292 = tpu.vector_load %arg5[%swap3A_1290, %swap3A_1291] {strides = array<i32>} : memref<16x512xf32, #tpu.memory_space<vmem>>, vector<16xf32>,
    tpu.vector_store %arg5[%swap3A_1290, %swap3A_1291], %broadcast_in_dim3A_1 {strides = array<i32>} : memref<16x512xf32, #tpu.memory_space<vmem>>, vector<16xf32>,
    %swap3A_1293 = arith.constant 10 : i32
    %swap3A_1294 = arith.index_cast %swap3A_1293 : i32 to index
    %swap3A_1295 = arith.constant 48 : index
    %swap3A_1296 = tpu.vector_load %arg5[%swap3A_1294, %swap3A_1295] {strides = array<i32>} : memref<16x512xf32, #tpu.memory_space<vmem>>, vector<16xf32>,
    tpu.vector_store %arg5[%swap3A_1294, %swap3A_1295], %broadcast_in_dim3A_1 {strides = array<i32>} : memref<16x512xf32, #tpu.memory_space<vmem>>, vector<16xf32>,
    %swap3A_1297 = arith.constant 10 : i32
    %swap3A_1298 = arith.index_cast %swap3A_1297 : i32 to index
    %swap3A_1299 = arith.constant 64 : index
    %swap3A_1300 = tpu.vector_load %arg5[%swap3A_1298, %swap3A_1299] {strides = array<i32>} : memref<16x512xf32, #tpu.memory_space<vmem>>, vector<16xf32>,
    tpu.vector_store %arg5[%swap3A_1298, %swap3A_1299], %broadcast_in_dim3A_1 {strides = array<i32>} : memref<16x512xf32, #tpu.memory_space<vmem>>, vector<16xf32>,
    %swap3A_1301 = arith.constant 10 : i32
    %swap3A_1302 = arith.index_cast %swap3A_1301 : i32 to index
    %swap3A_1303 = arith.constant 80 : index
    %swap3A_1304 = tpu.vector_load %arg5[%swap3A_1302, %swap3A_1303] {strides = array<i32>} : memref<16x512xf32, #tpu.memory_space<vmem>>, vector<16xf32>,
    tpu.vector_store %arg5[%swap3A_1302, %swap3A_1303], %broadcast_in_dim3A_1 {strides = array<i32>} : memref<16x512xf32, #tpu.memory_space<vmem>>, vector<16xf32>,
    %swap3A_1305 = arith.constant 10 : i32
    %swap3A_1306 = arith.index_cast %swap3A_1305 : i32 to index
    %swap3A_1307 = arith.constant 96 : index
    %swap3A_1308 = tpu.vector_load %arg5[%swap3A_1306, %swap3A_1307] {strides = array<i32>} : memref<16x512xf32, #tpu.memory_space<vmem>>, vector<16xf32>,
    tpu.vector_store %arg5[%swap3A_1306, %swap3A_1307], %broadcast_in_dim3A_1 {strides = array<i32>} : memref<16x512xf32, #tpu.memory_space<vmem>>, vector<16xf32>,
    %swap3A_1309 = arith.constant 10 : i32
    %swap3A_1310 = arith.index_cast %swap3A_1309 : i32 to index
    %swap3A_1311 = arith.constant 112 : index
    %swap3A_1312 = tpu.vector_load %arg5[%swap3A_1310, %swap3A_1311] {strides = array<i32>} : memref<16x512xf32, #tpu.memory_space<vmem>>, vector<16xf32>,
    tpu.vector_store %arg5[%swap3A_1310, %swap3A_1311], %broadcast_in_dim3A_1 {strides = array<i32>} : memref<16x512xf32, #tpu.memory_space<vmem>>, vector<16xf32>,
    %swap3A_1313 = arith.constant 10 : i32
    %swap3A_1314 = arith.index_cast %swap3A_1313 : i32 to index
    %swap3A_1315 = arith.constant 128 : index
    %swap3A_1316 = tpu.vector_load %arg5[%swap3A_1314, %swap3A_1315] {strides = array<i32>} : memref<16x512xf32, #tpu.memory_space<vmem>>, vector<16xf32>,
    tpu.vector_store %arg5[%swap3A_1314, %swap3A_1315], %broadcast_in_dim3A_1 {strides = array<i32>} : memref<16x512xf32, #tpu.memory_space<vmem>>, vector<16xf32>,
    %swap3A_1317 = arith.constant 10 : i32
    %swap3A_1318 = arith.index_cast %swap3A_1317 : i32 to index
    %swap3A_1319 = arith.constant 144 : index
    %swap3A_1320 = tpu.vector_load %arg5[%swap3A_1318, %swap3A_1319] {strides = array<i32>} : memref<16x512xf32, #tpu.memory_space<vmem>>, vector<16xf32>,
    tpu.vector_store %arg5[%swap3A_1318, %swap3A_1319], %broadcast_in_dim3A_1 {strides = array<i32>} : memref<16x512xf32, #tpu.memory_space<vmem>>, vector<16xf32>,
    %swap3A_1321 = arith.constant 10 : i32
    %swap3A_1322 = arith.index_cast %swap3A_1321 : i32 to index
    %swap3A_1323 = arith.constant 160 : index
    %swap3A_1324 = tpu.vector_load %arg5[%swap3A_1322, %swap3A_1323] {strides = array<i32>} : memref<16x512xf32, #tpu.memory_space<vmem>>, vector<16xf32>,
    tpu.vector_store %arg5[%swap3A_1322, %swap3A_1323], %broadcast_in_dim3A_1 {strides = array<i32>} : memref<16x512xf32, #tpu.memory_space<vmem>>, vector<16xf32>,
    %swap3A_1325 = arith.constant 10 : i32
    %swap3A_1326 = arith.index_cast %swap3A_1325 : i32 to index
    %swap3A_1327 = arith.constant 176 : index
    %swap3A_1328 = tpu.vector_load %arg5[%swap3A_1326, %swap3A_1327] {strides = array<i32>} : memref<16x512xf32, #tpu.memory_space<vmem>>, vector<16xf32>,
    tpu.vector_store %arg5[%swap3A_1326, %swap3A_1327], %broadcast_in_dim3A_1 {strides = array<i32>} : memref<16x512xf32, #tpu.memory_space<vmem>>, vector<16xf32>,
    %swap3A_1329 = arith.constant 10 : i32
    %swap3A_1330 = arith.index_cast %swap3A_1329 : i32 to index
    %swap3A_1331 = arith.constant 192 : index
    %swap3A_1332 = tpu.vector_load %arg5[%swap3A_1330, %swap3A_1331] {strides = array<i32>} : memref<16x512xf32, #tpu.memory_space<vmem>>, vector<16xf32>,
    tpu.vector_store %arg5[%swap3A_1330, %swap3A_1331], %broadcast_in_dim3A_1 {strides = array<i32>} : memref<16x512xf32, #tpu.memory_space<vmem>>, vector<16xf32>,
    %swap3A_1333 = arith.constant 10 : i32
    %swap3A_1334 = arith.index_cast %swap3A_1333 : i32 to index
    %swap3A_1335 = arith.constant 208 : index
    %swap3A_1336 = tpu.vector_load %arg5[%swap3A_1334, %swap3A_1335] {strides = array<i32>} : memref<16x512xf32, #tpu.memory_space<vmem>>, vector<16xf32>,
    tpu.vector_store %arg5[%swap3A_1334, %swap3A_1335], %broadcast_in_dim3A_1 {strides = array<i32>} : memref<16x512xf32, #tpu.memory_space<vmem>>, vector<16xf32>,
    %swap3A_1337 = arith.constant 10 : i32
    %swap3A_1338 = arith.index_cast %swap3A_1337 : i32 to index
    %swap3A_1339 = arith.constant 224 : index
    %swap3A_1340 = tpu.vector_load %arg5[%swap3A_1338, %swap3A_1339] {strides = array<i32>} : memref<16x512xf32, #tpu.memory_space<vmem>>, vector<16xf32>,
    tpu.vector_store %arg5[%swap3A_1338, %swap3A_1339], %broadcast_in_dim3A_1 {strides = array<i32>} : memref<16x512xf32, #tpu.memory_space<vmem>>, vector<16xf32>,
    %swap3A_1341 = arith.constant 10 : i32
    %swap3A_1342 = arith.index_cast %swap3A_1341 : i32 to index
    %swap3A_1343 = arith.constant 240 : index
    %swap3A_1344 = tpu.vector_load %arg5[%swap3A_1342, %swap3A_1343] {strides = array<i32>} : memref<16x512xf32, #tpu.memory_space<vmem>>, vector<16xf32>,
    tpu.vector_store %arg5[%swap3A_1342, %swap3A_1343], %broadcast_in_dim3A_1 {strides = array<i32>} : memref<16x512xf32, #tpu.memory_space<vmem>>, vector<16xf32>,
    %swap3A_1345 = arith.constant 10 : i32
    %swap3A_1346 = arith.index_cast %swap3A_1345 : i32 to index
    %swap3A_1347 = arith.constant 256 : index
    %swap3A_1348 = tpu.vector_load %arg5[%swap3A_1346, %swap3A_1347] {strides = array<i32>} : memref<16x512xf32, #tpu.memory_space<vmem>>, vector<16xf32>,
    tpu.vector_store %arg5[%swap3A_1346, %swap3A_1347], %broadcast_in_dim3A_1 {strides = array<i32>} : memref<16x512xf32, #tpu.memory_space<vmem>>, vector<16xf32>,
    %swap3A_1349 = arith.constant 10 : i32
    %swap3A_1350 = arith.index_cast %swap3A_1349 : i32 to index
    %swap3A_1351 = arith.constant 272 : index
    %swap3A_1352 = tpu.vector_load %arg5[%swap3A_1350, %swap3A_1351] {strides = array<i32>} : memref<16x512xf32, #tpu.memory_space<vmem>>, vector<16xf32>,
    tpu.vector_store %arg5[%swap3A_1350, %swap3A_1351], %broadcast_in_dim3A_1 {strides = array<i32>} : memref<16x512xf32, #tpu.memory_space<vmem>>, vector<16xf32>,
    %swap3A_1353 = arith.constant 10 : i32
    %swap3A_1354 = arith.index_cast %swap3A_1353 : i32 to index
    %swap3A_1355 = arith.constant 288 : index
    %swap3A_1356 = tpu.vector_load %arg5[%swap3A_1354, %swap3A_1355] {strides = array<i32>} : memref<16x512xf32, #tpu.memory_space<vmem>>, vector<16xf32>,
    tpu.vector_store %arg5[%swap3A_1354, %swap3A_1355], %broadcast_in_dim3A_1 {strides = array<i32>} : memref<16x512xf32, #tpu.memory_space<vmem>>, vector<16xf32>,
    %swap3A_1357 = arith.constant 10 : i32
    %swap3A_1358 = arith.index_cast %swap3A_1357 : i32 to index
    %swap3A_1359 = arith.constant 304 : index
    %swap3A_1360 = tpu.vector_load %arg5[%swap3A_1358, %swap3A_1359] {strides = array<i32>} : memref<16x512xf32, #tpu.memory_space<vmem>>, vector<16xf32>,
    tpu.vector_store %arg5[%swap3A_1358, %swap3A_1359], %broadcast_in_dim3A_1 {strides = array<i32>} : memref<16x512xf32, #tpu.memory_space<vmem>>, vector<16xf32>,
    %swap3A_1361 = arith.constant 10 : i32
    %swap3A_1362 = arith.index_cast %swap3A_1361 : i32 to index
    %swap3A_1363 = arith.constant 320 : index
    %swap3A_1364 = tpu.vector_load %arg5[%swap3A_1362, %swap3A_1363] {strides = array<i32>} : memref<16x512xf32, #tpu.memory_space<vmem>>, vector<16xf32>,
    tpu.vector_store %arg5[%swap3A_1362, %swap3A_1363], %broadcast_in_dim3A_1 {strides = array<i32>} : memref<16x512xf32, #tpu.memory_space<vmem>>, vector<16xf32>,
    %swap3A_1365 = arith.constant 10 : i32
    %swap3A_1366 = arith.index_cast %swap3A_1365 : i32 to index
    %swap3A_1367 = arith.constant 336 : index
    %swap3A_1368 = tpu.vector_load %arg5[%swap3A_1366, %swap3A_1367] {strides = array<i32>} : memref<16x512xf32, #tpu.memory_space<vmem>>, vector<16xf32>,
    tpu.vector_store %arg5[%swap3A_1366, %swap3A_1367], %broadcast_in_dim3A_1 {strides = array<i32>} : memref<16x512xf32, #tpu.memory_space<vmem>>, vector<16xf32>,
    %swap3A_1369 = arith.constant 10 : i32
    %swap3A_1370 = arith.index_cast %swap3A_1369 : i32 to index
    %swap3A_1371 = arith.constant 352 : index
    %swap3A_1372 = tpu.vector_load %arg5[%swap3A_1370, %swap3A_1371] {strides = array<i32>} : memref<16x512xf32, #tpu.memory_space<vmem>>, vector<16xf32>,
    tpu.vector_store %arg5[%swap3A_1370, %swap3A_1371], %broadcast_in_dim3A_1 {strides = array<i32>} : memref<16x512xf32, #tpu.memory_space<vmem>>, vector<16xf32>,
    %swap3A_1373 = arith.constant 10 : i32
    %swap3A_1374 = arith.index_cast %swap3A_1373 : i32 to index
    %swap3A_1375 = arith.constant 368 : index
    %swap3A_1376 = tpu.vector_load %arg5[%swap3A_1374, %swap3A_1375] {strides = array<i32>} : memref<16x512xf32, #tpu.memory_space<vmem>>, vector<16xf32>,
    tpu.vector_store %arg5[%swap3A_1374, %swap3A_1375], %broadcast_in_dim3A_1 {strides = array<i32>} : memref<16x512xf32, #tpu.memory_space<vmem>>, vector<16xf32>,
    %swap3A_1377 = arith.constant 10 : i32
    %swap3A_1378 = arith.index_cast %swap3A_1377 : i32 to index
    %swap3A_1379 = arith.constant 384 : index
    %swap3A_1380 = tpu.vector_load %arg5[%swap3A_1378, %swap3A_1379] {strides = array<i32>} : memref<16x512xf32, #tpu.memory_space<vmem>>, vector<16xf32>,
    tpu.vector_store %arg5[%swap3A_1378, %swap3A_1379], %broadcast_in_dim3A_1 {strides = array<i32>} : memref<16x512xf32, #tpu.memory_space<vmem>>, vector<16xf32>,
    %swap3A_1381 = arith.constant 10 : i32
    %swap3A_1382 = arith.index_cast %swap3A_1381 : i32 to index
    %swap3A_1383 = arith.constant 400 : index
    %swap3A_1384 = tpu.vector_load %arg5[%swap3A_1382, %swap3A_1383] {strides = array<i32>} : memref<16x512xf32, #tpu.memory_space<vmem>>, vector<16xf32>,
    tpu.vector_store %arg5[%swap3A_1382, %swap3A_1383], %broadcast_in_dim3A_1 {strides = array<i32>} : memref<16x512xf32, #tpu.memory_space<vmem>>, vector<16xf32>,
    %swap3A_1385 = arith.constant 10 : i32
    %swap3A_1386 = arith.index_cast %swap3A_1385 : i32 to index
    %swap3A_1387 = arith.constant 416 : index
    %swap3A_1388 = tpu.vector_load %arg5[%swap3A_1386, %swap3A_1387] {strides = array<i32>} : memref<16x512xf32, #tpu.memory_space<vmem>>, vector<16xf32>,
    tpu.vector_store %arg5[%swap3A_1386, %swap3A_1387], %broadcast_in_dim3A_1 {strides = array<i32>} : memref<16x512xf32, #tpu.memory_space<vmem>>, vector<16xf32>,
    %swap3A_1389 = arith.constant 10 : i32
    %swap3A_1390 = arith.index_cast %swap3A_1389 : i32 to index
    %swap3A_1391 = arith.constant 432 : index
    %swap3A_1392 = tpu.vector_load %arg5[%swap3A_1390, %swap3A_1391] {strides = array<i32>} : memref<16x512xf32, #tpu.memory_space<vmem>>, vector<16xf32>,
    tpu.vector_store %arg5[%swap3A_1390, %swap3A_1391], %broadcast_in_dim3A_1 {strides = array<i32>} : memref<16x512xf32, #tpu.memory_space<vmem>>, vector<16xf32>,
    %swap3A_1393 = arith.constant 10 : i32
    %swap3A_1394 = arith.index_cast %swap3A_1393 : i32 to index
    %swap3A_1395 = arith.constant 448 : index
    %swap3A_1396 = tpu.vector_load %arg5[%swap3A_1394, %swap3A_1395] {strides = array<i32>} : memref<16x512xf32, #tpu.memory_space<vmem>>, vector<16xf32>,
    tpu.vector_store %arg5[%swap3A_1394, %swap3A_1395], %broadcast_in_dim3A_1 {strides = array<i32>} : memref<16x512xf32, #tpu.memory_space<vmem>>, vector<16xf32>,
    %swap3A_1397 = arith.constant 10 : i32
    %swap3A_1398 = arith.index_cast %swap3A_1397 : i32 to index
    %swap3A_1399 = arith.constant 464 : index
    %swap3A_1400 = tpu.vector_load %arg5[%swap3A_1398, %swap3A_1399] {strides = array<i32>} : memref<16x512xf32, #tpu.memory_space<vmem>>, vector<16xf32>,
    tpu.vector_store %arg5[%swap3A_1398, %swap3A_1399], %broadcast_in_dim3A_1 {strides = array<i32>} : memref<16x512xf32, #tpu.memory_space<vmem>>, vector<16xf32>,
    %swap3A_1401 = arith.constant 10 : i32
    %swap3A_1402 = arith.index_cast %swap3A_1401 : i32 to index
    %swap3A_1403 = arith.constant 480 : index
    %swap3A_1404 = tpu.vector_load %arg5[%swap3A_1402, %swap3A_1403] {strides = array<i32>} : memref<16x512xf32, #tpu.memory_space<vmem>>, vector<16xf32>,
    tpu.vector_store %arg5[%swap3A_1402, %swap3A_1403], %broadcast_in_dim3A_1 {strides = array<i32>} : memref<16x512xf32, #tpu.memory_space<vmem>>, vector<16xf32>,
    %swap3A_1405 = arith.constant 10 : i32
    %swap3A_1406 = arith.index_cast %swap3A_1405 : i32 to index
    %swap3A_1407 = arith.constant 496 : index
    %swap3A_1408 = tpu.vector_load %arg5[%swap3A_1406, %swap3A_1407] {strides = array<i32>} : memref<16x512xf32, #tpu.memory_space<vmem>>, vector<16xf32>,
    tpu.vector_store %arg5[%swap3A_1406, %swap3A_1407], %broadcast_in_dim3A_1 {strides = array<i32>} : memref<16x512xf32, #tpu.memory_space<vmem>>, vector<16xf32>,
    %swap3A_1409 = arith.constant 11 : i32
    %swap3A_1410 = arith.index_cast %swap3A_1409 : i32 to index
    %swap3A_1411 = arith.constant 0 : index
    %swap3A_1412 = tpu.vector_load %arg5[%swap3A_1410, %swap3A_1411] {strides = array<i32>} : memref<16x512xf32, #tpu.memory_space<vmem>>, vector<16xf32>,
    tpu.vector_store %arg5[%swap3A_1410, %swap3A_1411], %broadcast_in_dim3A_1 {strides = array<i32>} : memref<16x512xf32, #tpu.memory_space<vmem>>, vector<16xf32>,
    %swap3A_1413 = arith.constant 11 : i32
    %swap3A_1414 = arith.index_cast %swap3A_1413 : i32 to index
    %swap3A_1415 = arith.constant 16 : index
    %swap3A_1416 = tpu.vector_load %arg5[%swap3A_1414, %swap3A_1415] {strides = array<i32>} : memref<16x512xf32, #tpu.memory_space<vmem>>, vector<16xf32>,
    tpu.vector_store %arg5[%swap3A_1414, %swap3A_1415], %broadcast_in_dim3A_1 {strides = array<i32>} : memref<16x512xf32, #tpu.memory_space<vmem>>, vector<16xf32>,
    %swap3A_1417 = arith.constant 11 : i32
    %swap3A_1418 = arith.index_cast %swap3A_1417 : i32 to index
    %swap3A_1419 = arith.constant 32 : index
    %swap3A_1420 = tpu.vector_load %arg5[%swap3A_1418, %swap3A_1419] {strides = array<i32>} : memref<16x512xf32, #tpu.memory_space<vmem>>, vector<16xf32>,
    tpu.vector_store %arg5[%swap3A_1418, %swap3A_1419], %broadcast_in_dim3A_1 {strides = array<i32>} : memref<16x512xf32, #tpu.memory_space<vmem>>, vector<16xf32>,
    %swap3A_1421 = arith.constant 11 : i32
    %swap3A_1422 = arith.index_cast %swap3A_1421 : i32 to index
    %swap3A_1423 = arith.constant 48 : index
    %swap3A_1424 = tpu.vector_load %arg5[%swap3A_1422, %swap3A_1423] {strides = array<i32>} : memref<16x512xf32, #tpu.memory_space<vmem>>, vector<16xf32>,
    tpu.vector_store %arg5[%swap3A_1422, %swap3A_1423], %broadcast_in_dim3A_1 {strides = array<i32>} : memref<16x512xf32, #tpu.memory_space<vmem>>, vector<16xf32>,
    %swap3A_1425 = arith.constant 11 : i32
    %swap3A_1426 = arith.index_cast %swap3A_1425 : i32 to index
    %swap3A_1427 = arith.constant 64 : index
    %swap3A_1428 = tpu.vector_load %arg5[%swap3A_1426, %swap3A_1427] {strides = array<i32>} : memref<16x512xf32, #tpu.memory_space<vmem>>, vector<16xf32>,
    tpu.vector_store %arg5[%swap3A_1426, %swap3A_1427], %broadcast_in_dim3A_1 {strides = array<i32>} : memref<16x512xf32, #tpu.memory_space<vmem>>, vector<16xf32>,
    %swap3A_1429 = arith.constant 11 : i32
    %swap3A_1430 = arith.index_cast %swap3A_1429 : i32 to index
    %swap3A_1431 = arith.constant 80 : index
    %swap3A_1432 = tpu.vector_load %arg5[%swap3A_1430, %swap3A_1431] {strides = array<i32>} : memref<16x512xf32, #tpu.memory_space<vmem>>, vector<16xf32>,
    tpu.vector_store %arg5[%swap3A_1430, %swap3A_1431], %broadcast_in_dim3A_1 {strides = array<i32>} : memref<16x512xf32, #tpu.memory_space<vmem>>, vector<16xf32>,
    %swap3A_1433 = arith.constant 11 : i32
    %swap3A_1434 = arith.index_cast %swap3A_1433 : i32 to index
    %swap3A_1435 = arith.constant 96 : index
    %swap3A_1436 = tpu.vector_load %arg5[%swap3A_1434, %swap3A_1435] {strides = array<i32>} : memref<16x512xf32, #tpu.memory_space<vmem>>, vector<16xf32>,
    tpu.vector_store %arg5[%swap3A_1434, %swap3A_1435], %broadcast_in_dim3A_1 {strides = array<i32>} : memref<16x512xf32, #tpu.memory_space<vmem>>, vector<16xf32>,
    %swap3A_1437 = arith.constant 11 : i32
    %swap3A_1438 = arith.index_cast %swap3A_1437 : i32 to index
    %swap3A_1439 = arith.constant 112 : index
    %swap3A_1440 = tpu.vector_load %arg5[%swap3A_1438, %swap3A_1439] {strides = array<i32>} : memref<16x512xf32, #tpu.memory_space<vmem>>, vector<16xf32>,
    tpu.vector_store %arg5[%swap3A_1438, %swap3A_1439], %broadcast_in_dim3A_1 {strides = array<i32>} : memref<16x512xf32, #tpu.memory_space<vmem>>, vector<16xf32>,
    %swap3A_1441 = arith.constant 11 : i32
    %swap3A_1442 = arith.index_cast %swap3A_1441 : i32 to index
    %swap3A_1443 = arith.constant 128 : index
    %swap3A_1444 = tpu.vector_load %arg5[%swap3A_1442, %swap3A_1443] {strides = array<i32>} : memref<16x512xf32, #tpu.memory_space<vmem>>, vector<16xf32>,
    tpu.vector_store %arg5[%swap3A_1442, %swap3A_1443], %broadcast_in_dim3A_1 {strides = array<i32>} : memref<16x512xf32, #tpu.memory_space<vmem>>, vector<16xf32>,
    %swap3A_1445 = arith.constant 11 : i32
    %swap3A_1446 = arith.index_cast %swap3A_1445 : i32 to index
    %swap3A_1447 = arith.constant 144 : index
    %swap3A_1448 = tpu.vector_load %arg5[%swap3A_1446, %swap3A_1447] {strides = array<i32>} : memref<16x512xf32, #tpu.memory_space<vmem>>, vector<16xf32>,
    tpu.vector_store %arg5[%swap3A_1446, %swap3A_1447], %broadcast_in_dim3A_1 {strides = array<i32>} : memref<16x512xf32, #tpu.memory_space<vmem>>, vector<16xf32>,
    %swap3A_1449 = arith.constant 11 : i32
    %swap3A_1450 = arith.index_cast %swap3A_1449 : i32 to index
    %swap3A_1451 = arith.constant 160 : index
    %swap3A_1452 = tpu.vector_load %arg5[%swap3A_1450, %swap3A_1451] {strides = array<i32>} : memref<16x512xf32, #tpu.memory_space<vmem>>, vector<16xf32>,
    tpu.vector_store %arg5[%swap3A_1450, %swap3A_1451], %broadcast_in_dim3A_1 {strides = array<i32>} : memref<16x512xf32, #tpu.memory_space<vmem>>, vector<16xf32>,
    %swap3A_1453 = arith.constant 11 : i32
    %swap3A_1454 = arith.index_cast %swap3A_1453 : i32 to index
    %swap3A_1455 = arith.constant 176 : index
    %swap3A_1456 = tpu.vector_load %arg5[%swap3A_1454, %swap3A_1455] {strides = array<i32>} : memref<16x512xf32, #tpu.memory_space<vmem>>, vector<16xf32>,
    tpu.vector_store %arg5[%swap3A_1454, %swap3A_1455], %broadcast_in_dim3A_1 {strides = array<i32>} : memref<16x512xf32, #tpu.memory_space<vmem>>, vector<16xf32>,
    %swap3A_1457 = arith.constant 11 : i32
    %swap3A_1458 = arith.index_cast %swap3A_1457 : i32 to index
    %swap3A_1459 = arith.constant 192 : index
    %swap3A_1460 = tpu.vector_load %arg5[%swap3A_1458, %swap3A_1459] {strides = array<i32>} : memref<16x512xf32, #tpu.memory_space<vmem>>, vector<16xf32>,
    tpu.vector_store %arg5[%swap3A_1458, %swap3A_1459], %broadcast_in_dim3A_1 {strides = array<i32>} : memref<16x512xf32, #tpu.memory_space<vmem>>, vector<16xf32>,
    %swap3A_1461 = arith.constant 11 : i32
    %swap3A_1462 = arith.index_cast %swap3A_1461 : i32 to index
    %swap3A_1463 = arith.constant 208 : index
    %swap3A_1464 = tpu.vector_load %arg5[%swap3A_1462, %swap3A_1463] {strides = array<i32>} : memref<16x512xf32, #tpu.memory_space<vmem>>, vector<16xf32>,
    tpu.vector_store %arg5[%swap3A_1462, %swap3A_1463], %broadcast_in_dim3A_1 {strides = array<i32>} : memref<16x512xf32, #tpu.memory_space<vmem>>, vector<16xf32>,
    %swap3A_1465 = arith.constant 11 : i32
    %swap3A_1466 = arith.index_cast %swap3A_1465 : i32 to index
    %swap3A_1467 = arith.constant 224 : index
    %swap3A_1468 = tpu.vector_load %arg5[%swap3A_1466, %swap3A_1467] {strides = array<i32>} : memref<16x512xf32, #tpu.memory_space<vmem>>, vector<16xf32>,
    tpu.vector_store %arg5[%swap3A_1466, %swap3A_1467], %broadcast_in_dim3A_1 {strides = array<i32>} : memref<16x512xf32, #tpu.memory_space<vmem>>, vector<16xf32>,
    %swap3A_1469 = arith.constant 11 : i32
    %swap3A_1470 = arith.index_cast %swap3A_1469 : i32 to index
    %swap3A_1471 = arith.constant 240 : index
    %swap3A_1472 = tpu.vector_load %arg5[%swap3A_1470, %swap3A_1471] {strides = array<i32>} : memref<16x512xf32, #tpu.memory_space<vmem>>, vector<16xf32>,
    tpu.vector_store %arg5[%swap3A_1470, %swap3A_1471], %broadcast_in_dim3A_1 {strides = array<i32>} : memref<16x512xf32, #tpu.memory_space<vmem>>, vector<16xf32>,
    %swap3A_1473 = arith.constant 11 : i32
    %swap3A_1474 = arith.index_cast %swap3A_1473 : i32 to index
    %swap3A_1475 = arith.constant 256 : index
    %swap3A_1476 = tpu.vector_load %arg5[%swap3A_1474, %swap3A_1475] {strides = array<i32>} : memref<16x512xf32, #tpu.memory_space<vmem>>, vector<16xf32>,
    tpu.vector_store %arg5[%swap3A_1474, %swap3A_1475], %broadcast_in_dim3A_1 {strides = array<i32>} : memref<16x512xf32, #tpu.memory_space<vmem>>, vector<16xf32>,
    %swap3A_1477 = arith.constant 11 : i32
    %swap3A_1478 = arith.index_cast %swap3A_1477 : i32 to index
    %swap3A_1479 = arith.constant 272 : index
    %swap3A_1480 = tpu.vector_load %arg5[%swap3A_1478, %swap3A_1479] {strides = array<i32>} : memref<16x512xf32, #tpu.memory_space<vmem>>, vector<16xf32>,
    tpu.vector_store %arg5[%swap3A_1478, %swap3A_1479], %broadcast_in_dim3A_1 {strides = array<i32>} : memref<16x512xf32, #tpu.memory_space<vmem>>, vector<16xf32>,
    %swap3A_1481 = arith.constant 11 : i32
    %swap3A_1482 = arith.index_cast %swap3A_1481 : i32 to index
    %swap3A_1483 = arith.constant 288 : index
    %swap3A_1484 = tpu.vector_load %arg5[%swap3A_1482, %swap3A_1483] {strides = array<i32>} : memref<16x512xf32, #tpu.memory_space<vmem>>, vector<16xf32>,
    tpu.vector_store %arg5[%swap3A_1482, %swap3A_1483], %broadcast_in_dim3A_1 {strides = array<i32>} : memref<16x512xf32, #tpu.memory_space<vmem>>, vector<16xf32>,
    %swap3A_1485 = arith.constant 11 : i32
    %swap3A_1486 = arith.index_cast %swap3A_1485 : i32 to index
    %swap3A_1487 = arith.constant 304 : index
    %swap3A_1488 = tpu.vector_load %arg5[%swap3A_1486, %swap3A_1487] {strides = array<i32>} : memref<16x512xf32, #tpu.memory_space<vmem>>, vector<16xf32>,
    tpu.vector_store %arg5[%swap3A_1486, %swap3A_1487], %broadcast_in_dim3A_1 {strides = array<i32>} : memref<16x512xf32, #tpu.memory_space<vmem>>, vector<16xf32>,
    %swap3A_1489 = arith.constant 11 : i32
    %swap3A_1490 = arith.index_cast %swap3A_1489 : i32 to index
    %swap3A_1491 = arith.constant 320 : index
    %swap3A_1492 = tpu.vector_load %arg5[%swap3A_1490, %swap3A_1491] {strides = array<i32>} : memref<16x512xf32, #tpu.memory_space<vmem>>, vector<16xf32>,
    tpu.vector_store %arg5[%swap3A_1490, %swap3A_1491], %broadcast_in_dim3A_1 {strides = array<i32>} : memref<16x512xf32, #tpu.memory_space<vmem>>, vector<16xf32>,
    %swap3A_1493 = arith.constant 11 : i32
    %swap3A_1494 = arith.index_cast %swap3A_1493 : i32 to index
    %swap3A_1495 = arith.constant 336 : index
    %swap3A_1496 = tpu.vector_load %arg5[%swap3A_1494, %swap3A_1495] {strides = array<i32>} : memref<16x512xf32, #tpu.memory_space<vmem>>, vector<16xf32>,
    tpu.vector_store %arg5[%swap3A_1494, %swap3A_1495], %broadcast_in_dim3A_1 {strides = array<i32>} : memref<16x512xf32, #tpu.memory_space<vmem>>, vector<16xf32>,
    %swap3A_1497 = arith.constant 11 : i32
    %swap3A_1498 = arith.index_cast %swap3A_1497 : i32 to index
    %swap3A_1499 = arith.constant 352 : index
    %swap3A_1500 = tpu.vector_load %arg5[%swap3A_1498, %swap3A_1499] {strides = array<i32>} : memref<16x512xf32, #tpu.memory_space<vmem>>, vector<16xf32>,
    tpu.vector_store %arg5[%swap3A_1498, %swap3A_1499], %broadcast_in_dim3A_1 {strides = array<i32>} : memref<16x512xf32, #tpu.memory_space<vmem>>, vector<16xf32>,
    %swap3A_1501 = arith.constant 11 : i32
    %swap3A_1502 = arith.index_cast %swap3A_1501 : i32 to index
    %swap3A_1503 = arith.constant 368 : index
    %swap3A_1504 = tpu.vector_load %arg5[%swap3A_1502, %swap3A_1503] {strides = array<i32>} : memref<16x512xf32, #tpu.memory_space<vmem>>, vector<16xf32>,
    tpu.vector_store %arg5[%swap3A_1502, %swap3A_1503], %broadcast_in_dim3A_1 {strides = array<i32>} : memref<16x512xf32, #tpu.memory_space<vmem>>, vector<16xf32>,
    %swap3A_1505 = arith.constant 11 : i32
    %swap3A_1506 = arith.index_cast %swap3A_1505 : i32 to index
    %swap3A_1507 = arith.constant 384 : index
    %swap3A_1508 = tpu.vector_load %arg5[%swap3A_1506, %swap3A_1507] {strides = array<i32>} : memref<16x512xf32, #tpu.memory_space<vmem>>, vector<16xf32>,
    tpu.vector_store %arg5[%swap3A_1506, %swap3A_1507], %broadcast_in_dim3A_1 {strides = array<i32>} : memref<16x512xf32, #tpu.memory_space<vmem>>, vector<16xf32>,
    %swap3A_1509 = arith.constant 11 : i32
    %swap3A_1510 = arith.index_cast %swap3A_1509 : i32 to index
    %swap3A_1511 = arith.constant 400 : index
    %swap3A_1512 = tpu.vector_load %arg5[%swap3A_1510, %swap3A_1511] {strides = array<i32>} : memref<16x512xf32, #tpu.memory_space<vmem>>, vector<16xf32>,
    tpu.vector_store %arg5[%swap3A_1510, %swap3A_1511], %broadcast_in_dim3A_1 {strides = array<i32>} : memref<16x512xf32, #tpu.memory_space<vmem>>, vector<16xf32>,
    %swap3A_1513 = arith.constant 11 : i32
    %swap3A_1514 = arith.index_cast %swap3A_1513 : i32 to index
    %swap3A_1515 = arith.constant 416 : index
    %swap3A_1516 = tpu.vector_load %arg5[%swap3A_1514, %swap3A_1515] {strides = array<i32>} : memref<16x512xf32, #tpu.memory_space<vmem>>, vector<16xf32>,
    tpu.vector_store %arg5[%swap3A_1514, %swap3A_1515], %broadcast_in_dim3A_1 {strides = array<i32>} : memref<16x512xf32, #tpu.memory_space<vmem>>, vector<16xf32>,
    %swap3A_1517 = arith.constant 11 : i32
    %swap3A_1518 = arith.index_cast %swap3A_1517 : i32 to index
    %swap3A_1519 = arith.constant 432 : index
    %swap3A_1520 = tpu.vector_load %arg5[%swap3A_1518, %swap3A_1519] {strides = array<i32>} : memref<16x512xf32, #tpu.memory_space<vmem>>, vector<16xf32>,
    tpu.vector_store %arg5[%swap3A_1518, %swap3A_1519], %broadcast_in_dim3A_1 {strides = array<i32>} : memref<16x512xf32, #tpu.memory_space<vmem>>, vector<16xf32>,
    %swap3A_1521 = arith.constant 11 : i32
    %swap3A_1522 = arith.index_cast %swap3A_1521 : i32 to index
    %swap3A_1523 = arith.constant 448 : index
    %swap3A_1524 = tpu.vector_load %arg5[%swap3A_1522, %swap3A_1523] {strides = array<i32>} : memref<16x512xf32, #tpu.memory_space<vmem>>, vector<16xf32>,
    tpu.vector_store %arg5[%swap3A_1522, %swap3A_1523], %broadcast_in_dim3A_1 {strides = array<i32>} : memref<16x512xf32, #tpu.memory_space<vmem>>, vector<16xf32>,
    %swap3A_1525 = arith.constant 11 : i32
    %swap3A_1526 = arith.index_cast %swap3A_1525 : i32 to index
    %swap3A_1527 = arith.constant 464 : index
    %swap3A_1528 = tpu.vector_load %arg5[%swap3A_1526, %swap3A_1527] {strides = array<i32>} : memref<16x512xf32, #tpu.memory_space<vmem>>, vector<16xf32>,
    tpu.vector_store %arg5[%swap3A_1526, %swap3A_1527], %broadcast_in_dim3A_1 {strides = array<i32>} : memref<16x512xf32, #tpu.memory_space<vmem>>, vector<16xf32>,
    %swap3A_1529 = arith.constant 11 : i32
    %swap3A_1530 = arith.index_cast %swap3A_1529 : i32 to index
    %swap3A_1531 = arith.constant 480 : index
    %swap3A_1532 = tpu.vector_load %arg5[%swap3A_1530, %swap3A_1531] {strides = array<i32>} : memref<16x512xf32, #tpu.memory_space<vmem>>, vector<16xf32>,
    tpu.vector_store %arg5[%swap3A_1530, %swap3A_1531], %broadcast_in_dim3A_1 {strides = array<i32>} : memref<16x512xf32, #tpu.memory_space<vmem>>, vector<16xf32>,
    %swap3A_1533 = arith.constant 11 : i32
    %swap3A_1534 = arith.index_cast %swap3A_1533 : i32 to index
    %swap3A_1535 = arith.constant 496 : index
    %swap3A_1536 = tpu.vector_load %arg5[%swap3A_1534, %swap3A_1535] {strides = array<i32>} : memref<16x512xf32, #tpu.memory_space<vmem>>, vector<16xf32>,
    tpu.vector_store %arg5[%swap3A_1534, %swap3A_1535], %broadcast_in_dim3A_1 {strides = array<i32>} : memref<16x512xf32, #tpu.memory_space<vmem>>, vector<16xf32>,
    %swap3A_1537 = arith.constant 12 : i32
    %swap3A_1538 = arith.index_cast %swap3A_1537 : i32 to index
    %swap3A_1539 = arith.constant 0 : index
    %swap3A_1540 = tpu.vector_load %arg5[%swap3A_1538, %swap3A_1539] {strides = array<i32>} : memref<16x512xf32, #tpu.memory_space<vmem>>, vector<16xf32>,
    tpu.vector_store %arg5[%swap3A_1538, %swap3A_1539], %broadcast_in_dim3A_1 {strides = array<i32>} : memref<16x512xf32, #tpu.memory_space<vmem>>, vector<16xf32>,
    %swap3A_1541 = arith.constant 12 : i32
    %swap3A_1542 = arith.index_cast %swap3A_1541 : i32 to index
    %swap3A_1543 = arith.constant 16 : index
    %swap3A_1544 = tpu.vector_load %arg5[%swap3A_1542, %swap3A_1543] {strides = array<i32>} : memref<16x512xf32, #tpu.memory_space<vmem>>, vector<16xf32>,
    tpu.vector_store %arg5[%swap3A_1542, %swap3A_1543], %broadcast_in_dim3A_1 {strides = array<i32>} : memref<16x512xf32, #tpu.memory_space<vmem>>, vector<16xf32>,
    %swap3A_1545 = arith.constant 12 : i32
    %swap3A_1546 = arith.index_cast %swap3A_1545 : i32 to index
    %swap3A_1547 = arith.constant 32 : index
    %swap3A_1548 = tpu.vector_load %arg5[%swap3A_1546, %swap3A_1547] {strides = array<i32>} : memref<16x512xf32, #tpu.memory_space<vmem>>, vector<16xf32>,
    tpu.vector_store %arg5[%swap3A_1546, %swap3A_1547], %broadcast_in_dim3A_1 {strides = array<i32>} : memref<16x512xf32, #tpu.memory_space<vmem>>, vector<16xf32>,
    %swap3A_1549 = arith.constant 12 : i32
    %swap3A_1550 = arith.index_cast %swap3A_1549 : i32 to index
    %swap3A_1551 = arith.constant 48 : index
    %swap3A_1552 = tpu.vector_load %arg5[%swap3A_1550, %swap3A_1551] {strides = array<i32>} : memref<16x512xf32, #tpu.memory_space<vmem>>, vector<16xf32>,
    tpu.vector_store %arg5[%swap3A_1550, %swap3A_1551], %broadcast_in_dim3A_1 {strides = array<i32>} : memref<16x512xf32, #tpu.memory_space<vmem>>, vector<16xf32>,
    %swap3A_1553 = arith.constant 12 : i32
    %swap3A_1554 = arith.index_cast %swap3A_1553 : i32 to index
    %swap3A_1555 = arith.constant 64 : index
    %swap3A_1556 = tpu.vector_load %arg5[%swap3A_1554, %swap3A_1555] {strides = array<i32>} : memref<16x512xf32, #tpu.memory_space<vmem>>, vector<16xf32>,
    tpu.vector_store %arg5[%swap3A_1554, %swap3A_1555], %broadcast_in_dim3A_1 {strides = array<i32>} : memref<16x512xf32, #tpu.memory_space<vmem>>, vector<16xf32>,
    %swap3A_1557 = arith.constant 12 : i32
    %swap3A_1558 = arith.index_cast %swap3A_1557 : i32 to index
    %swap3A_1559 = arith.constant 80 : index
    %swap3A_1560 = tpu.vector_load %arg5[%swap3A_1558, %swap3A_1559] {strides = array<i32>} : memref<16x512xf32, #tpu.memory_space<vmem>>, vector<16xf32>,
    tpu.vector_store %arg5[%swap3A_1558, %swap3A_1559], %broadcast_in_dim3A_1 {strides = array<i32>} : memref<16x512xf32, #tpu.memory_space<vmem>>, vector<16xf32>,
    %swap3A_1561 = arith.constant 12 : i32
    %swap3A_1562 = arith.index_cast %swap3A_1561 : i32 to index
    %swap3A_1563 = arith.constant 96 : index
    %swap3A_1564 = tpu.vector_load %arg5[%swap3A_1562, %swap3A_1563] {strides = array<i32>} : memref<16x512xf32, #tpu.memory_space<vmem>>, vector<16xf32>,
    tpu.vector_store %arg5[%swap3A_1562, %swap3A_1563], %broadcast_in_dim3A_1 {strides = array<i32>} : memref<16x512xf32, #tpu.memory_space<vmem>>, vector<16xf32>,
    %swap3A_1565 = arith.constant 12 : i32
    %swap3A_1566 = arith.index_cast %swap3A_1565 : i32 to index
    %swap3A_1567 = arith.constant 112 : index
    %swap3A_1568 = tpu.vector_load %arg5[%swap3A_1566, %swap3A_1567] {strides = array<i32>} : memref<16x512xf32, #tpu.memory_space<vmem>>, vector<16xf32>,
    tpu.vector_store %arg5[%swap3A_1566, %swap3A_1567], %broadcast_in_dim3A_1 {strides = array<i32>} : memref<16x512xf32, #tpu.memory_space<vmem>>, vector<16xf32>,
    %swap3A_1569 = arith.constant 12 : i32
    %swap3A_1570 = arith.index_cast %swap3A_1569 : i32 to index
    %swap3A_1571 = arith.constant 128 : index
    %swap3A_1572 = tpu.vector_load %arg5[%swap3A_1570, %swap3A_1571] {strides = array<i32>} : memref<16x512xf32, #tpu.memory_space<vmem>>, vector<16xf32>,
    tpu.vector_store %arg5[%swap3A_1570, %swap3A_1571], %broadcast_in_dim3A_1 {strides = array<i32>} : memref<16x512xf32, #tpu.memory_space<vmem>>, vector<16xf32>,
    %swap3A_1573 = arith.constant 12 : i32
    %swap3A_1574 = arith.index_cast %swap3A_1573 : i32 to index
    %swap3A_1575 = arith.constant 144 : index
    %swap3A_1576 = tpu.vector_load %arg5[%swap3A_1574, %swap3A_1575] {strides = array<i32>} : memref<16x512xf32, #tpu.memory_space<vmem>>, vector<16xf32>,
    tpu.vector_store %arg5[%swap3A_1574, %swap3A_1575], %broadcast_in_dim3A_1 {strides = array<i32>} : memref<16x512xf32, #tpu.memory_space<vmem>>, vector<16xf32>,
    %swap3A_1577 = arith.constant 12 : i32
    %swap3A_1578 = arith.index_cast %swap3A_1577 : i32 to index
    %swap3A_1579 = arith.constant 160 : index
    %swap3A_1580 = tpu.vector_load %arg5[%swap3A_1578, %swap3A_1579] {strides = array<i32>} : memref<16x512xf32, #tpu.memory_space<vmem>>, vector<16xf32>,
    tpu.vector_store %arg5[%swap3A_1578, %swap3A_1579], %broadcast_in_dim3A_1 {strides = array<i32>} : memref<16x512xf32, #tpu.memory_space<vmem>>, vector<16xf32>,
    %swap3A_1581 = arith.constant 12 : i32
    %swap3A_1582 = arith.index_cast %swap3A_1581 : i32 to index
    %swap3A_1583 = arith.constant 176 : index
    %swap3A_1584 = tpu.vector_load %arg5[%swap3A_1582, %swap3A_1583] {strides = array<i32>} : memref<16x512xf32, #tpu.memory_space<vmem>>, vector<16xf32>,
    tpu.vector_store %arg5[%swap3A_1582, %swap3A_1583], %broadcast_in_dim3A_1 {strides = array<i32>} : memref<16x512xf32, #tpu.memory_space<vmem>>, vector<16xf32>,
    %swap3A_1585 = arith.constant 12 : i32
    %swap3A_1586 = arith.index_cast %swap3A_1585 : i32 to index
    %swap3A_1587 = arith.constant 192 : index
    %swap3A_1588 = tpu.vector_load %arg5[%swap3A_1586, %swap3A_1587] {strides = array<i32>} : memref<16x512xf32, #tpu.memory_space<vmem>>, vector<16xf32>,
    tpu.vector_store %arg5[%swap3A_1586, %swap3A_1587], %broadcast_in_dim3A_1 {strides = array<i32>} : memref<16x512xf32, #tpu.memory_space<vmem>>, vector<16xf32>,
    %swap3A_1589 = arith.constant 12 : i32
    %swap3A_1590 = arith.index_cast %swap3A_1589 : i32 to index
    %swap3A_1591 = arith.constant 208 : index
    %swap3A_1592 = tpu.vector_load %arg5[%swap3A_1590, %swap3A_1591] {strides = array<i32>} : memref<16x512xf32, #tpu.memory_space<vmem>>, vector<16xf32>,
    tpu.vector_store %arg5[%swap3A_1590, %swap3A_1591], %broadcast_in_dim3A_1 {strides = array<i32>} : memref<16x512xf32, #tpu.memory_space<vmem>>, vector<16xf32>,
    %swap3A_1593 = arith.constant 12 : i32
    %swap3A_1594 = arith.index_cast %swap3A_1593 : i32 to index
    %swap3A_1595 = arith.constant 224 : index
    %swap3A_1596 = tpu.vector_load %arg5[%swap3A_1594, %swap3A_1595] {strides = array<i32>} : memref<16x512xf32, #tpu.memory_space<vmem>>, vector<16xf32>,
    tpu.vector_store %arg5[%swap3A_1594, %swap3A_1595], %broadcast_in_dim3A_1 {strides = array<i32>} : memref<16x512xf32, #tpu.memory_space<vmem>>, vector<16xf32>,
    %swap3A_1597 = arith.constant 12 : i32
    %swap3A_1598 = arith.index_cast %swap3A_1597 : i32 to index
    %swap3A_1599 = arith.constant 240 : index
    %swap3A_1600 = tpu.vector_load %arg5[%swap3A_1598, %swap3A_1599] {strides = array<i32>} : memref<16x512xf32, #tpu.memory_space<vmem>>, vector<16xf32>,
    tpu.vector_store %arg5[%swap3A_1598, %swap3A_1599], %broadcast_in_dim3A_1 {strides = array<i32>} : memref<16x512xf32, #tpu.memory_space<vmem>>, vector<16xf32>,
    %swap3A_1601 = arith.constant 12 : i32
    %swap3A_1602 = arith.index_cast %swap3A_1601 : i32 to index
    %swap3A_1603 = arith.constant 256 : index
    %swap3A_1604 = tpu.vector_load %arg5[%swap3A_1602, %swap3A_1603] {strides = array<i32>} : memref<16x512xf32, #tpu.memory_space<vmem>>, vector<16xf32>,
    tpu.vector_store %arg5[%swap3A_1602, %swap3A_1603], %broadcast_in_dim3A_1 {strides = array<i32>} : memref<16x512xf32, #tpu.memory_space<vmem>>, vector<16xf32>,
    %swap3A_1605 = arith.constant 12 : i32
    %swap3A_1606 = arith.index_cast %swap3A_1605 : i32 to index
    %swap3A_1607 = arith.constant 272 : index
    %swap3A_1608 = tpu.vector_load %arg5[%swap3A_1606, %swap3A_1607] {strides = array<i32>} : memref<16x512xf32, #tpu.memory_space<vmem>>, vector<16xf32>,
    tpu.vector_store %arg5[%swap3A_1606, %swap3A_1607], %broadcast_in_dim3A_1 {strides = array<i32>} : memref<16x512xf32, #tpu.memory_space<vmem>>, vector<16xf32>,
    %swap3A_1609 = arith.constant 12 : i32
    %swap3A_1610 = arith.index_cast %swap3A_1609 : i32 to index
    %swap3A_1611 = arith.constant 288 : index
    %swap3A_1612 = tpu.vector_load %arg5[%swap3A_1610, %swap3A_1611] {strides = array<i32>} : memref<16x512xf32, #tpu.memory_space<vmem>>, vector<16xf32>,
    tpu.vector_store %arg5[%swap3A_1610, %swap3A_1611], %broadcast_in_dim3A_1 {strides = array<i32>} : memref<16x512xf32, #tpu.memory_space<vmem>>, vector<16xf32>,
    %swap3A_1613 = arith.constant 12 : i32
    %swap3A_1614 = arith.index_cast %swap3A_1613 : i32 to index
    %swap3A_1615 = arith.constant 304 : index
    %swap3A_1616 = tpu.vector_load %arg5[%swap3A_1614, %swap3A_1615] {strides = array<i32>} : memref<16x512xf32, #tpu.memory_space<vmem>>, vector<16xf32>,
    tpu.vector_store %arg5[%swap3A_1614, %swap3A_1615], %broadcast_in_dim3A_1 {strides = array<i32>} : memref<16x512xf32, #tpu.memory_space<vmem>>, vector<16xf32>,
    %swap3A_1617 = arith.constant 12 : i32
    %swap3A_1618 = arith.index_cast %swap3A_1617 : i32 to index
    %swap3A_1619 = arith.constant 320 : index
    %swap3A_1620 = tpu.vector_load %arg5[%swap3A_1618, %swap3A_1619] {strides = array<i32>} : memref<16x512xf32, #tpu.memory_space<vmem>>, vector<16xf32>,
    tpu.vector_store %arg5[%swap3A_1618, %swap3A_1619], %broadcast_in_dim3A_1 {strides = array<i32>} : memref<16x512xf32, #tpu.memory_space<vmem>>, vector<16xf32>,
    %swap3A_1621 = arith.constant 12 : i32
    %swap3A_1622 = arith.index_cast %swap3A_1621 : i32 to index
    %swap3A_1623 = arith.constant 336 : index
    %swap3A_1624 = tpu.vector_load %arg5[%swap3A_1622, %swap3A_1623] {strides = array<i32>} : memref<16x512xf32, #tpu.memory_space<vmem>>, vector<16xf32>,
    tpu.vector_store %arg5[%swap3A_1622, %swap3A_1623], %broadcast_in_dim3A_1 {strides = array<i32>} : memref<16x512xf32, #tpu.memory_space<vmem>>, vector<16xf32>,
    %swap3A_1625 = arith.constant 12 : i32
    %swap3A_1626 = arith.index_cast %swap3A_1625 : i32 to index
    %swap3A_1627 = arith.constant 352 : index
    %swap3A_1628 = tpu.vector_load %arg5[%swap3A_1626, %swap3A_1627] {strides = array<i32>} : memref<16x512xf32, #tpu.memory_space<vmem>>, vector<16xf32>,
    tpu.vector_store %arg5[%swap3A_1626, %swap3A_1627], %broadcast_in_dim3A_1 {strides = array<i32>} : memref<16x512xf32, #tpu.memory_space<vmem>>, vector<16xf32>,
    %swap3A_1629 = arith.constant 12 : i32
    %swap3A_1630 = arith.index_cast %swap3A_1629 : i32 to index
    %swap3A_1631 = arith.constant 368 : index
    %swap3A_1632 = tpu.vector_load %arg5[%swap3A_1630, %swap3A_1631] {strides = array<i32>} : memref<16x512xf32, #tpu.memory_space<vmem>>, vector<16xf32>,
    tpu.vector_store %arg5[%swap3A_1630, %swap3A_1631], %broadcast_in_dim3A_1 {strides = array<i32>} : memref<16x512xf32, #tpu.memory_space<vmem>>, vector<16xf32>,
    %swap3A_1633 = arith.constant 12 : i32
    %swap3A_1634 = arith.index_cast %swap3A_1633 : i32 to index
    %swap3A_1635 = arith.constant 384 : index
    %swap3A_1636 = tpu.vector_load %arg5[%swap3A_1634, %swap3A_1635] {strides = array<i32>} : memref<16x512xf32, #tpu.memory_space<vmem>>, vector<16xf32>,
    tpu.vector_store %arg5[%swap3A_1634, %swap3A_1635], %broadcast_in_dim3A_1 {strides = array<i32>} : memref<16x512xf32, #tpu.memory_space<vmem>>, vector<16xf32>,
    %swap3A_1637 = arith.constant 12 : i32
    %swap3A_1638 = arith.index_cast %swap3A_1637 : i32 to index
    %swap3A_1639 = arith.constant 400 : index
    %swap3A_1640 = tpu.vector_load %arg5[%swap3A_1638, %swap3A_1639] {strides = array<i32>} : memref<16x512xf32, #tpu.memory_space<vmem>>, vector<16xf32>,
    tpu.vector_store %arg5[%swap3A_1638, %swap3A_1639], %broadcast_in_dim3A_1 {strides = array<i32>} : memref<16x512xf32, #tpu.memory_space<vmem>>, vector<16xf32>,
    %swap3A_1641 = arith.constant 12 : i32
    %swap3A_1642 = arith.index_cast %swap3A_1641 : i32 to index
    %swap3A_1643 = arith.constant 416 : index
    %swap3A_1644 = tpu.vector_load %arg5[%swap3A_1642, %swap3A_1643] {strides = array<i32>} : memref<16x512xf32, #tpu.memory_space<vmem>>, vector<16xf32>,
    tpu.vector_store %arg5[%swap3A_1642, %swap3A_1643], %broadcast_in_dim3A_1 {strides = array<i32>} : memref<16x512xf32, #tpu.memory_space<vmem>>, vector<16xf32>,
    %swap3A_1645 = arith.constant 12 : i32
    %swap3A_1646 = arith.index_cast %swap3A_1645 : i32 to index
    %swap3A_1647 = arith.constant 432 : index
    %swap3A_1648 = tpu.vector_load %arg5[%swap3A_1646, %swap3A_1647] {strides = array<i32>} : memref<16x512xf32, #tpu.memory_space<vmem>>, vector<16xf32>,
    tpu.vector_store %arg5[%swap3A_1646, %swap3A_1647], %broadcast_in_dim3A_1 {strides = array<i32>} : memref<16x512xf32, #tpu.memory_space<vmem>>, vector<16xf32>,
    %swap3A_1649 = arith.constant 12 : i32
    %swap3A_1650 = arith.index_cast %swap3A_1649 : i32 to index
    %swap3A_1651 = arith.constant 448 : index
    %swap3A_1652 = tpu.vector_load %arg5[%swap3A_1650, %swap3A_1651] {strides = array<i32>} : memref<16x512xf32, #tpu.memory_space<vmem>>, vector<16xf32>,
    tpu.vector_store %arg5[%swap3A_1650, %swap3A_1651], %broadcast_in_dim3A_1 {strides = array<i32>} : memref<16x512xf32, #tpu.memory_space<vmem>>, vector<16xf32>,
    %swap3A_1653 = arith.constant 12 : i32
    %swap3A_1654 = arith.index_cast %swap3A_1653 : i32 to index
    %swap3A_1655 = arith.constant 464 : index
    %swap3A_1656 = tpu.vector_load %arg5[%swap3A_1654, %swap3A_1655] {strides = array<i32>} : memref<16x512xf32, #tpu.memory_space<vmem>>, vector<16xf32>,
    tpu.vector_store %arg5[%swap3A_1654, %swap3A_1655], %broadcast_in_dim3A_1 {strides = array<i32>} : memref<16x512xf32, #tpu.memory_space<vmem>>, vector<16xf32>,
    %swap3A_1657 = arith.constant 12 : i32
    %swap3A_1658 = arith.index_cast %swap3A_1657 : i32 to index
    %swap3A_1659 = arith.constant 480 : index
    %swap3A_1660 = tpu.vector_load %arg5[%swap3A_1658, %swap3A_1659] {strides = array<i32>} : memref<16x512xf32, #tpu.memory_space<vmem>>, vector<16xf32>,
    tpu.vector_store %arg5[%swap3A_1658, %swap3A_1659], %broadcast_in_dim3A_1 {strides = array<i32>} : memref<16x512xf32, #tpu.memory_space<vmem>>, vector<16xf32>,
    %swap3A_1661 = arith.constant 12 : i32
    %swap3A_1662 = arith.index_cast %swap3A_1661 : i32 to index
    %swap3A_1663 = arith.constant 496 : index
    %swap3A_1664 = tpu.vector_load %arg5[%swap3A_1662, %swap3A_1663] {strides = array<i32>} : memref<16x512xf32, #tpu.memory_space<vmem>>, vector<16xf32>,
    tpu.vector_store %arg5[%swap3A_1662, %swap3A_1663], %broadcast_in_dim3A_1 {strides = array<i32>} : memref<16x512xf32, #tpu.memory_space<vmem>>, vector<16xf32>,
    %swap3A_1665 = arith.constant 13 : i32
    %swap3A_1666 = arith.index_cast %swap3A_1665 : i32 to index
    %swap3A_1667 = arith.constant 0 : index
    %swap3A_1668 = tpu.vector_load %arg5[%swap3A_1666, %swap3A_1667] {strides = array<i32>} : memref<16x512xf32, #tpu.memory_space<vmem>>, vector<16xf32>,
    tpu.vector_store %arg5[%swap3A_1666, %swap3A_1667], %broadcast_in_dim3A_1 {strides = array<i32>} : memref<16x512xf32, #tpu.memory_space<vmem>>, vector<16xf32>,
    %swap3A_1669 = arith.constant 13 : i32
    %swap3A_1670 = arith.index_cast %swap3A_1669 : i32 to index
    %swap3A_1671 = arith.constant 16 : index
    %swap3A_1672 = tpu.vector_load %arg5[%swap3A_1670, %swap3A_1671] {strides = array<i32>} : memref<16x512xf32, #tpu.memory_space<vmem>>, vector<16xf32>,
    tpu.vector_store %arg5[%swap3A_1670, %swap3A_1671], %broadcast_in_dim3A_1 {strides = array<i32>} : memref<16x512xf32, #tpu.memory_space<vmem>>, vector<16xf32>,
    %swap3A_1673 = arith.constant 13 : i32
    %swap3A_1674 = arith.index_cast %swap3A_1673 : i32 to index
    %swap3A_1675 = arith.constant 32 : index
    %swap3A_1676 = tpu.vector_load %arg5[%swap3A_1674, %swap3A_1675] {strides = array<i32>} : memref<16x512xf32, #tpu.memory_space<vmem>>, vector<16xf32>,
    tpu.vector_store %arg5[%swap3A_1674, %swap3A_1675], %broadcast_in_dim3A_1 {strides = array<i32>} : memref<16x512xf32, #tpu.memory_space<vmem>>, vector<16xf32>,
    %swap3A_1677 = arith.constant 13 : i32
    %swap3A_1678 = arith.index_cast %swap3A_1677 : i32 to index
    %swap3A_1679 = arith.constant 48 : index
    %swap3A_1680 = tpu.vector_load %arg5[%swap3A_1678, %swap3A_1679] {strides = array<i32>} : memref<16x512xf32, #tpu.memory_space<vmem>>, vector<16xf32>,
    tpu.vector_store %arg5[%swap3A_1678, %swap3A_1679], %broadcast_in_dim3A_1 {strides = array<i32>} : memref<16x512xf32, #tpu.memory_space<vmem>>, vector<16xf32>,
    %swap3A_1681 = arith.constant 13 : i32
    %swap3A_1682 = arith.index_cast %swap3A_1681 : i32 to index
    %swap3A_1683 = arith.constant 64 : index
    %swap3A_1684 = tpu.vector_load %arg5[%swap3A_1682, %swap3A_1683] {strides = array<i32>} : memref<16x512xf32, #tpu.memory_space<vmem>>, vector<16xf32>,
    tpu.vector_store %arg5[%swap3A_1682, %swap3A_1683], %broadcast_in_dim3A_1 {strides = array<i32>} : memref<16x512xf32, #tpu.memory_space<vmem>>, vector<16xf32>,
    %swap3A_1685 = arith.constant 13 : i32
    %swap3A_1686 = arith.index_cast %swap3A_1685 : i32 to index
    %swap3A_1687 = arith.constant 80 : index
    %swap3A_1688 = tpu.vector_load %arg5[%swap3A_1686, %swap3A_1687] {strides = array<i32>} : memref<16x512xf32, #tpu.memory_space<vmem>>, vector<16xf32>,
    tpu.vector_store %arg5[%swap3A_1686, %swap3A_1687], %broadcast_in_dim3A_1 {strides = array<i32>} : memref<16x512xf32, #tpu.memory_space<vmem>>, vector<16xf32>,
    %swap3A_1689 = arith.constant 13 : i32
    %swap3A_1690 = arith.index_cast %swap3A_1689 : i32 to index
    %swap3A_1691 = arith.constant 96 : index
    %swap3A_1692 = tpu.vector_load %arg5[%swap3A_1690, %swap3A_1691] {strides = array<i32>} : memref<16x512xf32, #tpu.memory_space<vmem>>, vector<16xf32>,
    tpu.vector_store %arg5[%swap3A_1690, %swap3A_1691], %broadcast_in_dim3A_1 {strides = array<i32>} : memref<16x512xf32, #tpu.memory_space<vmem>>, vector<16xf32>,
    %swap3A_1693 = arith.constant 13 : i32
    %swap3A_1694 = arith.index_cast %swap3A_1693 : i32 to index
    %swap3A_1695 = arith.constant 112 : index
    %swap3A_1696 = tpu.vector_load %arg5[%swap3A_1694, %swap3A_1695] {strides = array<i32>} : memref<16x512xf32, #tpu.memory_space<vmem>>, vector<16xf32>,
    tpu.vector_store %arg5[%swap3A_1694, %swap3A_1695], %broadcast_in_dim3A_1 {strides = array<i32>} : memref<16x512xf32, #tpu.memory_space<vmem>>, vector<16xf32>,
    %swap3A_1697 = arith.constant 13 : i32
    %swap3A_1698 = arith.index_cast %swap3A_1697 : i32 to index
    %swap3A_1699 = arith.constant 128 : index
    %swap3A_1700 = tpu.vector_load %arg5[%swap3A_1698, %swap3A_1699] {strides = array<i32>} : memref<16x512xf32, #tpu.memory_space<vmem>>, vector<16xf32>,
    tpu.vector_store %arg5[%swap3A_1698, %swap3A_1699], %broadcast_in_dim3A_1 {strides = array<i32>} : memref<16x512xf32, #tpu.memory_space<vmem>>, vector<16xf32>,
    %swap3A_1701 = arith.constant 13 : i32
    %swap3A_1702 = arith.index_cast %swap3A_1701 : i32 to index
    %swap3A_1703 = arith.constant 144 : index
    %swap3A_1704 = tpu.vector_load %arg5[%swap3A_1702, %swap3A_1703] {strides = array<i32>} : memref<16x512xf32, #tpu.memory_space<vmem>>, vector<16xf32>,
    tpu.vector_store %arg5[%swap3A_1702, %swap3A_1703], %broadcast_in_dim3A_1 {strides = array<i32>} : memref<16x512xf32, #tpu.memory_space<vmem>>, vector<16xf32>,
    %swap3A_1705 = arith.constant 13 : i32
    %swap3A_1706 = arith.index_cast %swap3A_1705 : i32 to index
    %swap3A_1707 = arith.constant 160 : index
    %swap3A_1708 = tpu.vector_load %arg5[%swap3A_1706, %swap3A_1707] {strides = array<i32>} : memref<16x512xf32, #tpu.memory_space<vmem>>, vector<16xf32>,
    tpu.vector_store %arg5[%swap3A_1706, %swap3A_1707], %broadcast_in_dim3A_1 {strides = array<i32>} : memref<16x512xf32, #tpu.memory_space<vmem>>, vector<16xf32>,
    %swap3A_1709 = arith.constant 13 : i32
    %swap3A_1710 = arith.index_cast %swap3A_1709 : i32 to index
    %swap3A_1711 = arith.constant 176 : index
    %swap3A_1712 = tpu.vector_load %arg5[%swap3A_1710, %swap3A_1711] {strides = array<i32>} : memref<16x512xf32, #tpu.memory_space<vmem>>, vector<16xf32>,
    tpu.vector_store %arg5[%swap3A_1710, %swap3A_1711], %broadcast_in_dim3A_1 {strides = array<i32>} : memref<16x512xf32, #tpu.memory_space<vmem>>, vector<16xf32>,
    %swap3A_1713 = arith.constant 13 : i32
    %swap3A_1714 = arith.index_cast %swap3A_1713 : i32 to index
    %swap3A_1715 = arith.constant 192 : index
    %swap3A_1716 = tpu.vector_load %arg5[%swap3A_1714, %swap3A_1715] {strides = array<i32>} : memref<16x512xf32, #tpu.memory_space<vmem>>, vector<16xf32>,
    tpu.vector_store %arg5[%swap3A_1714, %swap3A_1715], %broadcast_in_dim3A_1 {strides = array<i32>} : memref<16x512xf32, #tpu.memory_space<vmem>>, vector<16xf32>,
    %swap3A_1717 = arith.constant 13 : i32
    %swap3A_1718 = arith.index_cast %swap3A_1717 : i32 to index
    %swap3A_1719 = arith.constant 208 : index
    %swap3A_1720 = tpu.vector_load %arg5[%swap3A_1718, %swap3A_1719] {strides = array<i32>} : memref<16x512xf32, #tpu.memory_space<vmem>>, vector<16xf32>,
    tpu.vector_store %arg5[%swap3A_1718, %swap3A_1719], %broadcast_in_dim3A_1 {strides = array<i32>} : memref<16x512xf32, #tpu.memory_space<vmem>>, vector<16xf32>,
    %swap3A_1721 = arith.constant 13 : i32
    %swap3A_1722 = arith.index_cast %swap3A_1721 : i32 to index
    %swap3A_1723 = arith.constant 224 : index
    %swap3A_1724 = tpu.vector_load %arg5[%swap3A_1722, %swap3A_1723] {strides = array<i32>} : memref<16x512xf32, #tpu.memory_space<vmem>>, vector<16xf32>,
    tpu.vector_store %arg5[%swap3A_1722, %swap3A_1723], %broadcast_in_dim3A_1 {strides = array<i32>} : memref<16x512xf32, #tpu.memory_space<vmem>>, vector<16xf32>,
    %swap3A_1725 = arith.constant 13 : i32
    %swap3A_1726 = arith.index_cast %swap3A_1725 : i32 to index
    %swap3A_1727 = arith.constant 240 : index
    %swap3A_1728 = tpu.vector_load %arg5[%swap3A_1726, %swap3A_1727] {strides = array<i32>} : memref<16x512xf32, #tpu.memory_space<vmem>>, vector<16xf32>,
    tpu.vector_store %arg5[%swap3A_1726, %swap3A_1727], %broadcast_in_dim3A_1 {strides = array<i32>} : memref<16x512xf32, #tpu.memory_space<vmem>>, vector<16xf32>,
    %swap3A_1729 = arith.constant 13 : i32
    %swap3A_1730 = arith.index_cast %swap3A_1729 : i32 to index
    %swap3A_1731 = arith.constant 256 : index
    %swap3A_1732 = tpu.vector_load %arg5[%swap3A_1730, %swap3A_1731] {strides = array<i32>} : memref<16x512xf32, #tpu.memory_space<vmem>>, vector<16xf32>,
    tpu.vector_store %arg5[%swap3A_1730, %swap3A_1731], %broadcast_in_dim3A_1 {strides = array<i32>} : memref<16x512xf32, #tpu.memory_space<vmem>>, vector<16xf32>,
    %swap3A_1733 = arith.constant 13 : i32
    %swap3A_1734 = arith.index_cast %swap3A_1733 : i32 to index
    %swap3A_1735 = arith.constant 272 : index
    %swap3A_1736 = tpu.vector_load %arg5[%swap3A_1734, %swap3A_1735] {strides = array<i32>} : memref<16x512xf32, #tpu.memory_space<vmem>>, vector<16xf32>,
    tpu.vector_store %arg5[%swap3A_1734, %swap3A_1735], %broadcast_in_dim3A_1 {strides = array<i32>} : memref<16x512xf32, #tpu.memory_space<vmem>>, vector<16xf32>,
    %swap3A_1737 = arith.constant 13 : i32
    %swap3A_1738 = arith.index_cast %swap3A_1737 : i32 to index
    %swap3A_1739 = arith.constant 288 : index
    %swap3A_1740 = tpu.vector_load %arg5[%swap3A_1738, %swap3A_1739] {strides = array<i32>} : memref<16x512xf32, #tpu.memory_space<vmem>>, vector<16xf32>,
    tpu.vector_store %arg5[%swap3A_1738, %swap3A_1739], %broadcast_in_dim3A_1 {strides = array<i32>} : memref<16x512xf32, #tpu.memory_space<vmem>>, vector<16xf32>,
    %swap3A_1741 = arith.constant 13 : i32
    %swap3A_1742 = arith.index_cast %swap3A_1741 : i32 to index
    %swap3A_1743 = arith.constant 304 : index
    %swap3A_1744 = tpu.vector_load %arg5[%swap3A_1742, %swap3A_1743] {strides = array<i32>} : memref<16x512xf32, #tpu.memory_space<vmem>>, vector<16xf32>,
    tpu.vector_store %arg5[%swap3A_1742, %swap3A_1743], %broadcast_in_dim3A_1 {strides = array<i32>} : memref<16x512xf32, #tpu.memory_space<vmem>>, vector<16xf32>,
    %swap3A_1745 = arith.constant 13 : i32
    %swap3A_1746 = arith.index_cast %swap3A_1745 : i32 to index
    %swap3A_1747 = arith.constant 320 : index
    %swap3A_1748 = tpu.vector_load %arg5[%swap3A_1746, %swap3A_1747] {strides = array<i32>} : memref<16x512xf32, #tpu.memory_space<vmem>>, vector<16xf32>,
    tpu.vector_store %arg5[%swap3A_1746, %swap3A_1747], %broadcast_in_dim3A_1 {strides = array<i32>} : memref<16x512xf32, #tpu.memory_space<vmem>>, vector<16xf32>,
    %swap3A_1749 = arith.constant 13 : i32
    %swap3A_1750 = arith.index_cast %swap3A_1749 : i32 to index
    %swap3A_1751 = arith.constant 336 : index
    %swap3A_1752 = tpu.vector_load %arg5[%swap3A_1750, %swap3A_1751] {strides = array<i32>} : memref<16x512xf32, #tpu.memory_space<vmem>>, vector<16xf32>,
    tpu.vector_store %arg5[%swap3A_1750, %swap3A_1751], %broadcast_in_dim3A_1 {strides = array<i32>} : memref<16x512xf32, #tpu.memory_space<vmem>>, vector<16xf32>,
    %swap3A_1753 = arith.constant 13 : i32
    %swap3A_1754 = arith.index_cast %swap3A_1753 : i32 to index
    %swap3A_1755 = arith.constant 352 : index
    %swap3A_1756 = tpu.vector_load %arg5[%swap3A_1754, %swap3A_1755] {strides = array<i32>} : memref<16x512xf32, #tpu.memory_space<vmem>>, vector<16xf32>,
    tpu.vector_store %arg5[%swap3A_1754, %swap3A_1755], %broadcast_in_dim3A_1 {strides = array<i32>} : memref<16x512xf32, #tpu.memory_space<vmem>>, vector<16xf32>,
    %swap3A_1757 = arith.constant 13 : i32
    %swap3A_1758 = arith.index_cast %swap3A_1757 : i32 to index
    %swap3A_1759 = arith.constant 368 : index
    %swap3A_1760 = tpu.vector_load %arg5[%swap3A_1758, %swap3A_1759] {strides = array<i32>} : memref<16x512xf32, #tpu.memory_space<vmem>>, vector<16xf32>,
    tpu.vector_store %arg5[%swap3A_1758, %swap3A_1759], %broadcast_in_dim3A_1 {strides = array<i32>} : memref<16x512xf32, #tpu.memory_space<vmem>>, vector<16xf32>,
    %swap3A_1761 = arith.constant 13 : i32
    %swap3A_1762 = arith.index_cast %swap3A_1761 : i32 to index
    %swap3A_1763 = arith.constant 384 : index
    %swap3A_1764 = tpu.vector_load %arg5[%swap3A_1762, %swap3A_1763] {strides = array<i32>} : memref<16x512xf32, #tpu.memory_space<vmem>>, vector<16xf32>,
    tpu.vector_store %arg5[%swap3A_1762, %swap3A_1763], %broadcast_in_dim3A_1 {strides = array<i32>} : memref<16x512xf32, #tpu.memory_space<vmem>>, vector<16xf32>,
    %swap3A_1765 = arith.constant 13 : i32
    %swap3A_1766 = arith.index_cast %swap3A_1765 : i32 to index
    %swap3A_1767 = arith.constant 400 : index
    %swap3A_1768 = tpu.vector_load %arg5[%swap3A_1766, %swap3A_1767] {strides = array<i32>} : memref<16x512xf32, #tpu.memory_space<vmem>>, vector<16xf32>,
    tpu.vector_store %arg5[%swap3A_1766, %swap3A_1767], %broadcast_in_dim3A_1 {strides = array<i32>} : memref<16x512xf32, #tpu.memory_space<vmem>>, vector<16xf32>,
    %swap3A_1769 = arith.constant 13 : i32
    %swap3A_1770 = arith.index_cast %swap3A_1769 : i32 to index
    %swap3A_1771 = arith.constant 416 : index
    %swap3A_1772 = tpu.vector_load %arg5[%swap3A_1770, %swap3A_1771] {strides = array<i32>} : memref<16x512xf32, #tpu.memory_space<vmem>>, vector<16xf32>,
    tpu.vector_store %arg5[%swap3A_1770, %swap3A_1771], %broadcast_in_dim3A_1 {strides = array<i32>} : memref<16x512xf32, #tpu.memory_space<vmem>>, vector<16xf32>,
    %swap3A_1773 = arith.constant 13 : i32
    %swap3A_1774 = arith.index_cast %swap3A_1773 : i32 to index
    %swap3A_1775 = arith.constant 432 : index
    %swap3A_1776 = tpu.vector_load %arg5[%swap3A_1774, %swap3A_1775] {strides = array<i32>} : memref<16x512xf32, #tpu.memory_space<vmem>>, vector<16xf32>,
    tpu.vector_store %arg5[%swap3A_1774, %swap3A_1775], %broadcast_in_dim3A_1 {strides = array<i32>} : memref<16x512xf32, #tpu.memory_space<vmem>>, vector<16xf32>,
    %swap3A_1777 = arith.constant 13 : i32
    %swap3A_1778 = arith.index_cast %swap3A_1777 : i32 to index
    %swap3A_1779 = arith.constant 448 : index
    %swap3A_1780 = tpu.vector_load %arg5[%swap3A_1778, %swap3A_1779] {strides = array<i32>} : memref<16x512xf32, #tpu.memory_space<vmem>>, vector<16xf32>,
    tpu.vector_store %arg5[%swap3A_1778, %swap3A_1779], %broadcast_in_dim3A_1 {strides = array<i32>} : memref<16x512xf32, #tpu.memory_space<vmem>>, vector<16xf32>,
    %swap3A_1781 = arith.constant 13 : i32
    %swap3A_1782 = arith.index_cast %swap3A_1781 : i32 to index
    %swap3A_1783 = arith.constant 464 : index
    %swap3A_1784 = tpu.vector_load %arg5[%swap3A_1782, %swap3A_1783] {strides = array<i32>} : memref<16x512xf32, #tpu.memory_space<vmem>>, vector<16xf32>,
    tpu.vector_store %arg5[%swap3A_1782, %swap3A_1783], %broadcast_in_dim3A_1 {strides = array<i32>} : memref<16x512xf32, #tpu.memory_space<vmem>>, vector<16xf32>,
    %swap3A_1785 = arith.constant 13 : i32
    %swap3A_1786 = arith.index_cast %swap3A_1785 : i32 to index
    %swap3A_1787 = arith.constant 480 : index
    %swap3A_1788 = tpu.vector_load %arg5[%swap3A_1786, %swap3A_1787] {strides = array<i32>} : memref<16x512xf32, #tpu.memory_space<vmem>>, vector<16xf32>,
    tpu.vector_store %arg5[%swap3A_1786, %swap3A_1787], %broadcast_in_dim3A_1 {strides = array<i32>} : memref<16x512xf32, #tpu.memory_space<vmem>>, vector<16xf32>,
    %swap3A_1789 = arith.constant 13 : i32
    %swap3A_1790 = arith.index_cast %swap3A_1789 : i32 to index
    %swap3A_1791 = arith.constant 496 : index
    %swap3A_1792 = tpu.vector_load %arg5[%swap3A_1790, %swap3A_1791] {strides = array<i32>} : memref<16x512xf32, #tpu.memory_space<vmem>>, vector<16xf32>,
    tpu.vector_store %arg5[%swap3A_1790, %swap3A_1791], %broadcast_in_dim3A_1 {strides = array<i32>} : memref<16x512xf32, #tpu.memory_space<vmem>>, vector<16xf32>,
    %swap3A_1793 = arith.constant 14 : i32
    %swap3A_1794 = arith.index_cast %swap3A_1793 : i32 to index
    %swap3A_1795 = arith.constant 0 : index
    %swap3A_1796 = tpu.vector_load %arg5[%swap3A_1794, %swap3A_1795] {strides = array<i32>} : memref<16x512xf32, #tpu.memory_space<vmem>>, vector<16xf32>,
    tpu.vector_store %arg5[%swap3A_1794, %swap3A_1795], %broadcast_in_dim3A_1 {strides = array<i32>} : memref<16x512xf32, #tpu.memory_space<vmem>>, vector<16xf32>,
    %swap3A_1797 = arith.constant 14 : i32
    %swap3A_1798 = arith.index_cast %swap3A_1797 : i32 to index
    %swap3A_1799 = arith.constant 16 : index
    %swap3A_1800 = tpu.vector_load %arg5[%swap3A_1798, %swap3A_1799] {strides = array<i32>} : memref<16x512xf32, #tpu.memory_space<vmem>>, vector<16xf32>,
    tpu.vector_store %arg5[%swap3A_1798, %swap3A_1799], %broadcast_in_dim3A_1 {strides = array<i32>} : memref<16x512xf32, #tpu.memory_space<vmem>>, vector<16xf32>,
    %swap3A_1801 = arith.constant 14 : i32
    %swap3A_1802 = arith.index_cast %swap3A_1801 : i32 to index
    %swap3A_1803 = arith.constant 32 : index
    %swap3A_1804 = tpu.vector_load %arg5[%swap3A_1802, %swap3A_1803] {strides = array<i32>} : memref<16x512xf32, #tpu.memory_space<vmem>>, vector<16xf32>,
    tpu.vector_store %arg5[%swap3A_1802, %swap3A_1803], %broadcast_in_dim3A_1 {strides = array<i32>} : memref<16x512xf32, #tpu.memory_space<vmem>>, vector<16xf32>,
    %swap3A_1805 = arith.constant 14 : i32
    %swap3A_1806 = arith.index_cast %swap3A_1805 : i32 to index
    %swap3A_1807 = arith.constant 48 : index
    %swap3A_1808 = tpu.vector_load %arg5[%swap3A_1806, %swap3A_1807] {strides = array<i32>} : memref<16x512xf32, #tpu.memory_space<vmem>>, vector<16xf32>,
    tpu.vector_store %arg5[%swap3A_1806, %swap3A_1807], %broadcast_in_dim3A_1 {strides = array<i32>} : memref<16x512xf32, #tpu.memory_space<vmem>>, vector<16xf32>,
    %swap3A_1809 = arith.constant 14 : i32
    %swap3A_1810 = arith.index_cast %swap3A_1809 : i32 to index
    %swap3A_1811 = arith.constant 64 : index
    %swap3A_1812 = tpu.vector_load %arg5[%swap3A_1810, %swap3A_1811] {strides = array<i32>} : memref<16x512xf32, #tpu.memory_space<vmem>>, vector<16xf32>,
    tpu.vector_store %arg5[%swap3A_1810, %swap3A_1811], %broadcast_in_dim3A_1 {strides = array<i32>} : memref<16x512xf32, #tpu.memory_space<vmem>>, vector<16xf32>,
    %swap3A_1813 = arith.constant 14 : i32
    %swap3A_1814 = arith.index_cast %swap3A_1813 : i32 to index
    %swap3A_1815 = arith.constant 80 : index
    %swap3A_1816 = tpu.vector_load %arg5[%swap3A_1814, %swap3A_1815] {strides = array<i32>} : memref<16x512xf32, #tpu.memory_space<vmem>>, vector<16xf32>,
    tpu.vector_store %arg5[%swap3A_1814, %swap3A_1815], %broadcast_in_dim3A_1 {strides = array<i32>} : memref<16x512xf32, #tpu.memory_space<vmem>>, vector<16xf32>,
    %swap3A_1817 = arith.constant 14 : i32
    %swap3A_1818 = arith.index_cast %swap3A_1817 : i32 to index
    %swap3A_1819 = arith.constant 96 : index
    %swap3A_1820 = tpu.vector_load %arg5[%swap3A_1818, %swap3A_1819] {strides = array<i32>} : memref<16x512xf32, #tpu.memory_space<vmem>>, vector<16xf32>,
    tpu.vector_store %arg5[%swap3A_1818, %swap3A_1819], %broadcast_in_dim3A_1 {strides = array<i32>} : memref<16x512xf32, #tpu.memory_space<vmem>>, vector<16xf32>,
    %swap3A_1821 = arith.constant 14 : i32
    %swap3A_1822 = arith.index_cast %swap3A_1821 : i32 to index
    %swap3A_1823 = arith.constant 112 : index
    %swap3A_1824 = tpu.vector_load %arg5[%swap3A_1822, %swap3A_1823] {strides = array<i32>} : memref<16x512xf32, #tpu.memory_space<vmem>>, vector<16xf32>,
    tpu.vector_store %arg5[%swap3A_1822, %swap3A_1823], %broadcast_in_dim3A_1 {strides = array<i32>} : memref<16x512xf32, #tpu.memory_space<vmem>>, vector<16xf32>,
    %swap3A_1825 = arith.constant 14 : i32
    %swap3A_1826 = arith.index_cast %swap3A_1825 : i32 to index
    %swap3A_1827 = arith.constant 128 : index
    %swap3A_1828 = tpu.vector_load %arg5[%swap3A_1826, %swap3A_1827] {strides = array<i32>} : memref<16x512xf32, #tpu.memory_space<vmem>>, vector<16xf32>,
    tpu.vector_store %arg5[%swap3A_1826, %swap3A_1827], %broadcast_in_dim3A_1 {strides = array<i32>} : memref<16x512xf32, #tpu.memory_space<vmem>>, vector<16xf32>,
    %swap3A_1829 = arith.constant 14 : i32
    %swap3A_1830 = arith.index_cast %swap3A_1829 : i32 to index
    %swap3A_1831 = arith.constant 144 : index
    %swap3A_1832 = tpu.vector_load %arg5[%swap3A_1830, %swap3A_1831] {strides = array<i32>} : memref<16x512xf32, #tpu.memory_space<vmem>>, vector<16xf32>,
    tpu.vector_store %arg5[%swap3A_1830, %swap3A_1831], %broadcast_in_dim3A_1 {strides = array<i32>} : memref<16x512xf32, #tpu.memory_space<vmem>>, vector<16xf32>,
    %swap3A_1833 = arith.constant 14 : i32
    %swap3A_1834 = arith.index_cast %swap3A_1833 : i32 to index
    %swap3A_1835 = arith.constant 160 : index
    %swap3A_1836 = tpu.vector_load %arg5[%swap3A_1834, %swap3A_1835] {strides = array<i32>} : memref<16x512xf32, #tpu.memory_space<vmem>>, vector<16xf32>,
    tpu.vector_store %arg5[%swap3A_1834, %swap3A_1835], %broadcast_in_dim3A_1 {strides = array<i32>} : memref<16x512xf32, #tpu.memory_space<vmem>>, vector<16xf32>,
    %swap3A_1837 = arith.constant 14 : i32
    %swap3A_1838 = arith.index_cast %swap3A_1837 : i32 to index
    %swap3A_1839 = arith.constant 176 : index
    %swap3A_1840 = tpu.vector_load %arg5[%swap3A_1838, %swap3A_1839] {strides = array<i32>} : memref<16x512xf32, #tpu.memory_space<vmem>>, vector<16xf32>,
    tpu.vector_store %arg5[%swap3A_1838, %swap3A_1839], %broadcast_in_dim3A_1 {strides = array<i32>} : memref<16x512xf32, #tpu.memory_space<vmem>>, vector<16xf32>,
    %swap3A_1841 = arith.constant 14 : i32
    %swap3A_1842 = arith.index_cast %swap3A_1841 : i32 to index
    %swap3A_1843 = arith.constant 192 : index
    %swap3A_1844 = tpu.vector_load %arg5[%swap3A_1842, %swap3A_1843] {strides = array<i32>} : memref<16x512xf32, #tpu.memory_space<vmem>>, vector<16xf32>,
    tpu.vector_store %arg5[%swap3A_1842, %swap3A_1843], %broadcast_in_dim3A_1 {strides = array<i32>} : memref<16x512xf32, #tpu.memory_space<vmem>>, vector<16xf32>,
    %swap3A_1845 = arith.constant 14 : i32
    %swap3A_1846 = arith.index_cast %swap3A_1845 : i32 to index
    %swap3A_1847 = arith.constant 208 : index
    %swap3A_1848 = tpu.vector_load %arg5[%swap3A_1846, %swap3A_1847] {strides = array<i32>} : memref<16x512xf32, #tpu.memory_space<vmem>>, vector<16xf32>,
    tpu.vector_store %arg5[%swap3A_1846, %swap3A_1847], %broadcast_in_dim3A_1 {strides = array<i32>} : memref<16x512xf32, #tpu.memory_space<vmem>>, vector<16xf32>,
    %swap3A_1849 = arith.constant 14 : i32
    %swap3A_1850 = arith.index_cast %swap3A_1849 : i32 to index
    %swap3A_1851 = arith.constant 224 : index
    %swap3A_1852 = tpu.vector_load %arg5[%swap3A_1850, %swap3A_1851] {strides = array<i32>} : memref<16x512xf32, #tpu.memory_space<vmem>>, vector<16xf32>,
    tpu.vector_store %arg5[%swap3A_1850, %swap3A_1851], %broadcast_in_dim3A_1 {strides = array<i32>} : memref<16x512xf32, #tpu.memory_space<vmem>>, vector<16xf32>,
    %swap3A_1853 = arith.constant 14 : i32
    %swap3A_1854 = arith.index_cast %swap3A_1853 : i32 to index
    %swap3A_1855 = arith.constant 240 : index
    %swap3A_1856 = tpu.vector_load %arg5[%swap3A_1854, %swap3A_1855] {strides = array<i32>} : memref<16x512xf32, #tpu.memory_space<vmem>>, vector<16xf32>,
    tpu.vector_store %arg5[%swap3A_1854, %swap3A_1855], %broadcast_in_dim3A_1 {strides = array<i32>} : memref<16x512xf32, #tpu.memory_space<vmem>>, vector<16xf32>,
    %swap3A_1857 = arith.constant 14 : i32
    %swap3A_1858 = arith.index_cast %swap3A_1857 : i32 to index
    %swap3A_1859 = arith.constant 256 : index
    %swap3A_1860 = tpu.vector_load %arg5[%swap3A_1858, %swap3A_1859] {strides = array<i32>} : memref<16x512xf32, #tpu.memory_space<vmem>>, vector<16xf32>,
    tpu.vector_store %arg5[%swap3A_1858, %swap3A_1859], %broadcast_in_dim3A_1 {strides = array<i32>} : memref<16x512xf32, #tpu.memory_space<vmem>>, vector<16xf32>,
    %swap3A_1861 = arith.constant 14 : i32
    %swap3A_1862 = arith.index_cast %swap3A_1861 : i32 to index
    %swap3A_1863 = arith.constant 272 : index
    %swap3A_1864 = tpu.vector_load %arg5[%swap3A_1862, %swap3A_1863] {strides = array<i32>} : memref<16x512xf32, #tpu.memory_space<vmem>>, vector<16xf32>,
    tpu.vector_store %arg5[%swap3A_1862, %swap3A_1863], %broadcast_in_dim3A_1 {strides = array<i32>} : memref<16x512xf32, #tpu.memory_space<vmem>>, vector<16xf32>,
    %swap3A_1865 = arith.constant 14 : i32
    %swap3A_1866 = arith.index_cast %swap3A_1865 : i32 to index
    %swap3A_1867 = arith.constant 288 : index
    %swap3A_1868 = tpu.vector_load %arg5[%swap3A_1866, %swap3A_1867] {strides = array<i32>} : memref<16x512xf32, #tpu.memory_space<vmem>>, vector<16xf32>,
    tpu.vector_store %arg5[%swap3A_1866, %swap3A_1867], %broadcast_in_dim3A_1 {strides = array<i32>} : memref<16x512xf32, #tpu.memory_space<vmem>>, vector<16xf32>,
    %swap3A_1869 = arith.constant 14 : i32
    %swap3A_1870 = arith.index_cast %swap3A_1869 : i32 to index
    %swap3A_1871 = arith.constant 304 : index
    %swap3A_1872 = tpu.vector_load %arg5[%swap3A_1870, %swap3A_1871] {strides = array<i32>} : memref<16x512xf32, #tpu.memory_space<vmem>>, vector<16xf32>,
    tpu.vector_store %arg5[%swap3A_1870, %swap3A_1871], %broadcast_in_dim3A_1 {strides = array<i32>} : memref<16x512xf32, #tpu.memory_space<vmem>>, vector<16xf32>,
    %swap3A_1873 = arith.constant 14 : i32
    %swap3A_1874 = arith.index_cast %swap3A_1873 : i32 to index
    %swap3A_1875 = arith.constant 320 : index
    %swap3A_1876 = tpu.vector_load %arg5[%swap3A_1874, %swap3A_1875] {strides = array<i32>} : memref<16x512xf32, #tpu.memory_space<vmem>>, vector<16xf32>,
    tpu.vector_store %arg5[%swap3A_1874, %swap3A_1875], %broadcast_in_dim3A_1 {strides = array<i32>} : memref<16x512xf32, #tpu.memory_space<vmem>>, vector<16xf32>,
    %swap3A_1877 = arith.constant 14 : i32
    %swap3A_1878 = arith.index_cast %swap3A_1877 : i32 to index
    %swap3A_1879 = arith.constant 336 : index
    %swap3A_1880 = tpu.vector_load %arg5[%swap3A_1878, %swap3A_1879] {strides = array<i32>} : memref<16x512xf32, #tpu.memory_space<vmem>>, vector<16xf32>,
    tpu.vector_store %arg5[%swap3A_1878, %swap3A_1879], %broadcast_in_dim3A_1 {strides = array<i32>} : memref<16x512xf32, #tpu.memory_space<vmem>>, vector<16xf32>,
    %swap3A_1881 = arith.constant 14 : i32
    %swap3A_1882 = arith.index_cast %swap3A_1881 : i32 to index
    %swap3A_1883 = arith.constant 352 : index
    %swap3A_1884 = tpu.vector_load %arg5[%swap3A_1882, %swap3A_1883] {strides = array<i32>} : memref<16x512xf32, #tpu.memory_space<vmem>>, vector<16xf32>,
    tpu.vector_store %arg5[%swap3A_1882, %swap3A_1883], %broadcast_in_dim3A_1 {strides = array<i32>} : memref<16x512xf32, #tpu.memory_space<vmem>>, vector<16xf32>,
    %swap3A_1885 = arith.constant 14 : i32
    %swap3A_1886 = arith.index_cast %swap3A_1885 : i32 to index
    %swap3A_1887 = arith.constant 368 : index
    %swap3A_1888 = tpu.vector_load %arg5[%swap3A_1886, %swap3A_1887] {strides = array<i32>} : memref<16x512xf32, #tpu.memory_space<vmem>>, vector<16xf32>,
    tpu.vector_store %arg5[%swap3A_1886, %swap3A_1887], %broadcast_in_dim3A_1 {strides = array<i32>} : memref<16x512xf32, #tpu.memory_space<vmem>>, vector<16xf32>,
    %swap3A_1889 = arith.constant 14 : i32
    %swap3A_1890 = arith.index_cast %swap3A_1889 : i32 to index
    %swap3A_1891 = arith.constant 384 : index
    %swap3A_1892 = tpu.vector_load %arg5[%swap3A_1890, %swap3A_1891] {strides = array<i32>} : memref<16x512xf32, #tpu.memory_space<vmem>>, vector<16xf32>,
    tpu.vector_store %arg5[%swap3A_1890, %swap3A_1891], %broadcast_in_dim3A_1 {strides = array<i32>} : memref<16x512xf32, #tpu.memory_space<vmem>>, vector<16xf32>,
    %swap3A_1893 = arith.constant 14 : i32
    %swap3A_1894 = arith.index_cast %swap3A_1893 : i32 to index
    %swap3A_1895 = arith.constant 400 : index
    %swap3A_1896 = tpu.vector_load %arg5[%swap3A_1894, %swap3A_1895] {strides = array<i32>} : memref<16x512xf32, #tpu.memory_space<vmem>>, vector<16xf32>,
    tpu.vector_store %arg5[%swap3A_1894, %swap3A_1895], %broadcast_in_dim3A_1 {strides = array<i32>} : memref<16x512xf32, #tpu.memory_space<vmem>>, vector<16xf32>,
    %swap3A_1897 = arith.constant 14 : i32
    %swap3A_1898 = arith.index_cast %swap3A_1897 : i32 to index
    %swap3A_1899 = arith.constant 416 : index
    %swap3A_1900 = tpu.vector_load %arg5[%swap3A_1898, %swap3A_1899] {strides = array<i32>} : memref<16x512xf32, #tpu.memory_space<vmem>>, vector<16xf32>,
    tpu.vector_store %arg5[%swap3A_1898, %swap3A_1899], %broadcast_in_dim3A_1 {strides = array<i32>} : memref<16x512xf32, #tpu.memory_space<vmem>>, vector<16xf32>,
    %swap3A_1901 = arith.constant 14 : i32
    %swap3A_1902 = arith.index_cast %swap3A_1901 : i32 to index
    %swap3A_1903 = arith.constant 432 : index
    %swap3A_1904 = tpu.vector_load %arg5[%swap3A_1902, %swap3A_1903] {strides = array<i32>} : memref<16x512xf32, #tpu.memory_space<vmem>>, vector<16xf32>,
    tpu.vector_store %arg5[%swap3A_1902, %swap3A_1903], %broadcast_in_dim3A_1 {strides = array<i32>} : memref<16x512xf32, #tpu.memory_space<vmem>>, vector<16xf32>,
    %swap3A_1905 = arith.constant 14 : i32
    %swap3A_1906 = arith.index_cast %swap3A_1905 : i32 to index
    %swap3A_1907 = arith.constant 448 : index
    %swap3A_1908 = tpu.vector_load %arg5[%swap3A_1906, %swap3A_1907] {strides = array<i32>} : memref<16x512xf32, #tpu.memory_space<vmem>>, vector<16xf32>,
    tpu.vector_store %arg5[%swap3A_1906, %swap3A_1907], %broadcast_in_dim3A_1 {strides = array<i32>} : memref<16x512xf32, #tpu.memory_space<vmem>>, vector<16xf32>,
    %swap3A_1909 = arith.constant 14 : i32
    %swap3A_1910 = arith.index_cast %swap3A_1909 : i32 to index
    %swap3A_1911 = arith.constant 464 : index
    %swap3A_1912 = tpu.vector_load %arg5[%swap3A_1910, %swap3A_1911] {strides = array<i32>} : memref<16x512xf32, #tpu.memory_space<vmem>>, vector<16xf32>,
    tpu.vector_store %arg5[%swap3A_1910, %swap3A_1911], %broadcast_in_dim3A_1 {strides = array<i32>} : memref<16x512xf32, #tpu.memory_space<vmem>>, vector<16xf32>,
    %swap3A_1913 = arith.constant 14 : i32
    %swap3A_1914 = arith.index_cast %swap3A_1913 : i32 to index
    %swap3A_1915 = arith.constant 480 : index
    %swap3A_1916 = tpu.vector_load %arg5[%swap3A_1914, %swap3A_1915] {strides = array<i32>} : memref<16x512xf32, #tpu.memory_space<vmem>>, vector<16xf32>,
    tpu.vector_store %arg5[%swap3A_1914, %swap3A_1915], %broadcast_in_dim3A_1 {strides = array<i32>} : memref<16x512xf32, #tpu.memory_space<vmem>>, vector<16xf32>,
    %swap3A_1917 = arith.constant 14 : i32
    %swap3A_1918 = arith.index_cast %swap3A_1917 : i32 to index
    %swap3A_1919 = arith.constant 496 : index
    %swap3A_1920 = tpu.vector_load %arg5[%swap3A_1918, %swap3A_1919] {strides = array<i32>} : memref<16x512xf32, #tpu.memory_space<vmem>>, vector<16xf32>,
    tpu.vector_store %arg5[%swap3A_1918, %swap3A_1919], %broadcast_in_dim3A_1 {strides = array<i32>} : memref<16x512xf32, #tpu.memory_space<vmem>>, vector<16xf32>,
    %swap3A_1921 = arith.constant 15 : i32
    %swap3A_1922 = arith.index_cast %swap3A_1921 : i32 to index
    %swap3A_1923 = arith.constant 0 : index
    %swap3A_1924 = tpu.vector_load %arg5[%swap3A_1922, %swap3A_1923] {strides = array<i32>} : memref<16x512xf32, #tpu.memory_space<vmem>>, vector<16xf32>,
    tpu.vector_store %arg5[%swap3A_1922, %swap3A_1923], %broadcast_in_dim3A_1 {strides = array<i32>} : memref<16x512xf32, #tpu.memory_space<vmem>>, vector<16xf32>,
    %swap3A_1925 = arith.constant 15 : i32
    %swap3A_1926 = arith.index_cast %swap3A_1925 : i32 to index
    %swap3A_1927 = arith.constant 16 : index
    %swap3A_1928 = tpu.vector_load %arg5[%swap3A_1926, %swap3A_1927] {strides = array<i32>} : memref<16x512xf32, #tpu.memory_space<vmem>>, vector<16xf32>,
    tpu.vector_store %arg5[%swap3A_1926, %swap3A_1927], %broadcast_in_dim3A_1 {strides = array<i32>} : memref<16x512xf32, #tpu.memory_space<vmem>>, vector<16xf32>,
    %swap3A_1929 = arith.constant 15 : i32
    %swap3A_1930 = arith.index_cast %swap3A_1929 : i32 to index
    %swap3A_1931 = arith.constant 32 : index
    %swap3A_1932 = tpu.vector_load %arg5[%swap3A_1930, %swap3A_1931] {strides = array<i32>} : memref<16x512xf32, #tpu.memory_space<vmem>>, vector<16xf32>,
    tpu.vector_store %arg5[%swap3A_1930, %swap3A_1931], %broadcast_in_dim3A_1 {strides = array<i32>} : memref<16x512xf32, #tpu.memory_space<vmem>>, vector<16xf32>,
    %swap3A_1933 = arith.constant 15 : i32
    %swap3A_1934 = arith.index_cast %swap3A_1933 : i32 to index
    %swap3A_1935 = arith.constant 48 : index
    %swap3A_1936 = tpu.vector_load %arg5[%swap3A_1934, %swap3A_1935] {strides = array<i32>} : memref<16x512xf32, #tpu.memory_space<vmem>>, vector<16xf32>,
    tpu.vector_store %arg5[%swap3A_1934, %swap3A_1935], %broadcast_in_dim3A_1 {strides = array<i32>} : memref<16x512xf32, #tpu.memory_space<vmem>>, vector<16xf32>,
    %swap3A_1937 = arith.constant 15 : i32
    %swap3A_1938 = arith.index_cast %swap3A_1937 : i32 to index
    %swap3A_1939 = arith.constant 64 : index
    %swap3A_1940 = tpu.vector_load %arg5[%swap3A_1938, %swap3A_1939] {strides = array<i32>} : memref<16x512xf32, #tpu.memory_space<vmem>>, vector<16xf32>,
    tpu.vector_store %arg5[%swap3A_1938, %swap3A_1939], %broadcast_in_dim3A_1 {strides = array<i32>} : memref<16x512xf32, #tpu.memory_space<vmem>>, vector<16xf32>,
    %swap3A_1941 = arith.constant 15 : i32
    %swap3A_1942 = arith.index_cast %swap3A_1941 : i32 to index
    %swap3A_1943 = arith.constant 80 : index
    %swap3A_1944 = tpu.vector_load %arg5[%swap3A_1942, %swap3A_1943] {strides = array<i32>} : memref<16x512xf32, #tpu.memory_space<vmem>>, vector<16xf32>,
    tpu.vector_store %arg5[%swap3A_1942, %swap3A_1943], %broadcast_in_dim3A_1 {strides = array<i32>} : memref<16x512xf32, #tpu.memory_space<vmem>>, vector<16xf32>,
    %swap3A_1945 = arith.constant 15 : i32
    %swap3A_1946 = arith.index_cast %swap3A_1945 : i32 to index
    %swap3A_1947 = arith.constant 96 : index
    %swap3A_1948 = tpu.vector_load %arg5[%swap3A_1946, %swap3A_1947] {strides = array<i32>} : memref<16x512xf32, #tpu.memory_space<vmem>>, vector<16xf32>,
    tpu.vector_store %arg5[%swap3A_1946, %swap3A_1947], %broadcast_in_dim3A_1 {strides = array<i32>} : memref<16x512xf32, #tpu.memory_space<vmem>>, vector<16xf32>,
    %swap3A_1949 = arith.constant 15 : i32
    %swap3A_1950 = arith.index_cast %swap3A_1949 : i32 to index
    %swap3A_1951 = arith.constant 112 : index
    %swap3A_1952 = tpu.vector_load %arg5[%swap3A_1950, %swap3A_1951] {strides = array<i32>} : memref<16x512xf32, #tpu.memory_space<vmem>>, vector<16xf32>,
    tpu.vector_store %arg5[%swap3A_1950, %swap3A_1951], %broadcast_in_dim3A_1 {strides = array<i32>} : memref<16x512xf32, #tpu.memory_space<vmem>>, vector<16xf32>,
    %swap3A_1953 = arith.constant 15 : i32
    %swap3A_1954 = arith.index_cast %swap3A_1953 : i32 to index
    %swap3A_1955 = arith.constant 128 : index
    %swap3A_1956 = tpu.vector_load %arg5[%swap3A_1954, %swap3A_1955] {strides = array<i32>} : memref<16x512xf32, #tpu.memory_space<vmem>>, vector<16xf32>,
    tpu.vector_store %arg5[%swap3A_1954, %swap3A_1955], %broadcast_in_dim3A_1 {strides = array<i32>} : memref<16x512xf32, #tpu.memory_space<vmem>>, vector<16xf32>,
    %swap3A_1957 = arith.constant 15 : i32
    %swap3A_1958 = arith.index_cast %swap3A_1957 : i32 to index
    %swap3A_1959 = arith.constant 144 : index
    %swap3A_1960 = tpu.vector_load %arg5[%swap3A_1958, %swap3A_1959] {strides = array<i32>} : memref<16x512xf32, #tpu.memory_space<vmem>>, vector<16xf32>,
    tpu.vector_store %arg5[%swap3A_1958, %swap3A_1959], %broadcast_in_dim3A_1 {strides = array<i32>} : memref<16x512xf32, #tpu.memory_space<vmem>>, vector<16xf32>,
    %swap3A_1961 = arith.constant 15 : i32
    %swap3A_1962 = arith.index_cast %swap3A_1961 : i32 to index
    %swap3A_1963 = arith.constant 160 : index
    %swap3A_1964 = tpu.vector_load %arg5[%swap3A_1962, %swap3A_1963] {strides = array<i32>} : memref<16x512xf32, #tpu.memory_space<vmem>>, vector<16xf32>,
    tpu.vector_store %arg5[%swap3A_1962, %swap3A_1963], %broadcast_in_dim3A_1 {strides = array<i32>} : memref<16x512xf32, #tpu.memory_space<vmem>>, vector<16xf32>,
    %swap3A_1965 = arith.constant 15 : i32
    %swap3A_1966 = arith.index_cast %swap3A_1965 : i32 to index
    %swap3A_1967 = arith.constant 176 : index
    %swap3A_1968 = tpu.vector_load %arg5[%swap3A_1966, %swap3A_1967] {strides = array<i32>} : memref<16x512xf32, #tpu.memory_space<vmem>>, vector<16xf32>,
    tpu.vector_store %arg5[%swap3A_1966, %swap3A_1967], %broadcast_in_dim3A_1 {strides = array<i32>} : memref<16x512xf32, #tpu.memory_space<vmem>>, vector<16xf32>,
    %swap3A_1969 = arith.constant 15 : i32
    %swap3A_1970 = arith.index_cast %swap3A_1969 : i32 to index
    %swap3A_1971 = arith.constant 192 : index
    %swap3A_1972 = tpu.vector_load %arg5[%swap3A_1970, %swap3A_1971] {strides = array<i32>} : memref<16x512xf32, #tpu.memory_space<vmem>>, vector<16xf32>,
    tpu.vector_store %arg5[%swap3A_1970, %swap3A_1971], %broadcast_in_dim3A_1 {strides = array<i32>} : memref<16x512xf32, #tpu.memory_space<vmem>>, vector<16xf32>,
    %swap3A_1973 = arith.constant 15 : i32
    %swap3A_1974 = arith.index_cast %swap3A_1973 : i32 to index
    %swap3A_1975 = arith.constant 208 : index
    %swap3A_1976 = tpu.vector_load %arg5[%swap3A_1974, %swap3A_1975] {strides = array<i32>} : memref<16x512xf32, #tpu.memory_space<vmem>>, vector<16xf32>,
    tpu.vector_store %arg5[%swap3A_1974, %swap3A_1975], %broadcast_in_dim3A_1 {strides = array<i32>} : memref<16x512xf32, #tpu.memory_space<vmem>>, vector<16xf32>,
    %swap3A_1977 = arith.constant 15 : i32
    %swap3A_1978 = arith.index_cast %swap3A_1977 : i32 to index
    %swap3A_1979 = arith.constant 224 : index
    %swap3A_1980 = tpu.vector_load %arg5[%swap3A_1978, %swap3A_1979] {strides = array<i32>} : memref<16x512xf32, #tpu.memory_space<vmem>>, vector<16xf32>,
    tpu.vector_store %arg5[%swap3A_1978, %swap3A_1979], %broadcast_in_dim3A_1 {strides = array<i32>} : memref<16x512xf32, #tpu.memory_space<vmem>>, vector<16xf32>,
    %swap3A_1981 = arith.constant 15 : i32
    %swap3A_1982 = arith.index_cast %swap3A_1981 : i32 to index
    %swap3A_1983 = arith.constant 240 : index
    %swap3A_1984 = tpu.vector_load %arg5[%swap3A_1982, %swap3A_1983] {strides = array<i32>} : memref<16x512xf32, #tpu.memory_space<vmem>>, vector<16xf32>,
    tpu.vector_store %arg5[%swap3A_1982, %swap3A_1983], %broadcast_in_dim3A_1 {strides = array<i32>} : memref<16x512xf32, #tpu.memory_space<vmem>>, vector<16xf32>,
    %swap3A_1985 = arith.constant 15 : i32
    %swap3A_1986 = arith.index_cast %swap3A_1985 : i32 to index
    %swap3A_1987 = arith.constant 256 : index
    %swap3A_1988 = tpu.vector_load %arg5[%swap3A_1986, %swap3A_1987] {strides = array<i32>} : memref<16x512xf32, #tpu.memory_space<vmem>>, vector<16xf32>,
    tpu.vector_store %arg5[%swap3A_1986, %swap3A_1987], %broadcast_in_dim3A_1 {strides = array<i32>} : memref<16x512xf32, #tpu.memory_space<vmem>>, vector<16xf32>,
    %swap3A_1989 = arith.constant 15 : i32
    %swap3A_1990 = arith.index_cast %swap3A_1989 : i32 to index
    %swap3A_1991 = arith.constant 272 : index
    %swap3A_1992 = tpu.vector_load %arg5[%swap3A_1990, %swap3A_1991] {strides = array<i32>} : memref<16x512xf32, #tpu.memory_space<vmem>>, vector<16xf32>,
    tpu.vector_store %arg5[%swap3A_1990, %swap3A_1991], %broadcast_in_dim3A_1 {strides = array<i32>} : memref<16x512xf32, #tpu.memory_space<vmem>>, vector<16xf32>,
    %swap3A_1993 = arith.constant 15 : i32
    %swap3A_1994 = arith.index_cast %swap3A_1993 : i32 to index
    %swap3A_1995 = arith.constant 288 : index
    %swap3A_1996 = tpu.vector_load %arg5[%swap3A_1994, %swap3A_1995] {strides = array<i32>} : memref<16x512xf32, #tpu.memory_space<vmem>>, vector<16xf32>,
    tpu.vector_store %arg5[%swap3A_1994, %swap3A_1995], %broadcast_in_dim3A_1 {strides = array<i32>} : memref<16x512xf32, #tpu.memory_space<vmem>>, vector<16xf32>,
    %swap3A_1997 = arith.constant 15 : i32
    %swap3A_1998 = arith.index_cast %swap3A_1997 : i32 to index
    %swap3A_1999 = arith.constant 304 : index
    %swap3A_2000 = tpu.vector_load %arg5[%swap3A_1998, %swap3A_1999] {strides = array<i32>} : memref<16x512xf32, #tpu.memory_space<vmem>>, vector<16xf32>,
    tpu.vector_store %arg5[%swap3A_1998, %swap3A_1999], %broadcast_in_dim3A_1 {strides = array<i32>} : memref<16x512xf32, #tpu.memory_space<vmem>>, vector<16xf32>,
    %swap3A_2001 = arith.constant 15 : i32
    %swap3A_2002 = arith.index_cast %swap3A_2001 : i32 to index
    %swap3A_2003 = arith.constant 320 : index
    %swap3A_2004 = tpu.vector_load %arg5[%swap3A_2002, %swap3A_2003] {strides = array<i32>} : memref<16x512xf32, #tpu.memory_space<vmem>>, vector<16xf32>,
    tpu.vector_store %arg5[%swap3A_2002, %swap3A_2003], %broadcast_in_dim3A_1 {strides = array<i32>} : memref<16x512xf32, #tpu.memory_space<vmem>>, vector<16xf32>,
    %swap3A_2005 = arith.constant 15 : i32
    %swap3A_2006 = arith.index_cast %swap3A_2005 : i32 to index
    %swap3A_2007 = arith.constant 336 : index
    %swap3A_2008 = tpu.vector_load %arg5[%swap3A_2006, %swap3A_2007] {strides = array<i32>} : memref<16x512xf32, #tpu.memory_space<vmem>>, vector<16xf32>,
    tpu.vector_store %arg5[%swap3A_2006, %swap3A_2007], %broadcast_in_dim3A_1 {strides = array<i32>} : memref<16x512xf32, #tpu.memory_space<vmem>>, vector<16xf32>,
    %swap3A_2009 = arith.constant 15 : i32
    %swap3A_2010 = arith.index_cast %swap3A_2009 : i32 to index
    %swap3A_2011 = arith.constant 352 : index
    %swap3A_2012 = tpu.vector_load %arg5[%swap3A_2010, %swap3A_2011] {strides = array<i32>} : memref<16x512xf32, #tpu.memory_space<vmem>>, vector<16xf32>,
    tpu.vector_store %arg5[%swap3A_2010, %swap3A_2011], %broadcast_in_dim3A_1 {strides = array<i32>} : memref<16x512xf32, #tpu.memory_space<vmem>>, vector<16xf32>,
    %swap3A_2013 = arith.constant 15 : i32
    %swap3A_2014 = arith.index_cast %swap3A_2013 : i32 to index
    %swap3A_2015 = arith.constant 368 : index
    %swap3A_2016 = tpu.vector_load %arg5[%swap3A_2014, %swap3A_2015] {strides = array<i32>} : memref<16x512xf32, #tpu.memory_space<vmem>>, vector<16xf32>,
    tpu.vector_store %arg5[%swap3A_2014, %swap3A_2015], %broadcast_in_dim3A_1 {strides = array<i32>} : memref<16x512xf32, #tpu.memory_space<vmem>>, vector<16xf32>,
    %swap3A_2017 = arith.constant 15 : i32
    %swap3A_2018 = arith.index_cast %swap3A_2017 : i32 to index
    %swap3A_2019 = arith.constant 384 : index
    %swap3A_2020 = tpu.vector_load %arg5[%swap3A_2018, %swap3A_2019] {strides = array<i32>} : memref<16x512xf32, #tpu.memory_space<vmem>>, vector<16xf32>,
    tpu.vector_store %arg5[%swap3A_2018, %swap3A_2019], %broadcast_in_dim3A_1 {strides = array<i32>} : memref<16x512xf32, #tpu.memory_space<vmem>>, vector<16xf32>,
    %swap3A_2021 = arith.constant 15 : i32
    %swap3A_2022 = arith.index_cast %swap3A_2021 : i32 to index
    %swap3A_2023 = arith.constant 400 : index
    %swap3A_2024 = tpu.vector_load %arg5[%swap3A_2022, %swap3A_2023] {strides = array<i32>} : memref<16x512xf32, #tpu.memory_space<vmem>>, vector<16xf32>,
    tpu.vector_store %arg5[%swap3A_2022, %swap3A_2023], %broadcast_in_dim3A_1 {strides = array<i32>} : memref<16x512xf32, #tpu.memory_space<vmem>>, vector<16xf32>,
    %swap3A_2025 = arith.constant 15 : i32
    %swap3A_2026 = arith.index_cast %swap3A_2025 : i32 to index
    %swap3A_2027 = arith.constant 416 : index
    %swap3A_2028 = tpu.vector_load %arg5[%swap3A_2026, %swap3A_2027] {strides = array<i32>} : memref<16x512xf32, #tpu.memory_space<vmem>>, vector<16xf32>,
    tpu.vector_store %arg5[%swap3A_2026, %swap3A_2027], %broadcast_in_dim3A_1 {strides = array<i32>} : memref<16x512xf32, #tpu.memory_space<vmem>>, vector<16xf32>,
    %swap3A_2029 = arith.constant 15 : i32
    %swap3A_2030 = arith.index_cast %swap3A_2029 : i32 to index
    %swap3A_2031 = arith.constant 432 : index
    %swap3A_2032 = tpu.vector_load %arg5[%swap3A_2030, %swap3A_2031] {strides = array<i32>} : memref<16x512xf32, #tpu.memory_space<vmem>>, vector<16xf32>,
    tpu.vector_store %arg5[%swap3A_2030, %swap3A_2031], %broadcast_in_dim3A_1 {strides = array<i32>} : memref<16x512xf32, #tpu.memory_space<vmem>>, vector<16xf32>,
    %swap3A_2033 = arith.constant 15 : i32
    %swap3A_2034 = arith.index_cast %swap3A_2033 : i32 to index
    %swap3A_2035 = arith.constant 448 : index
    %swap3A_2036 = tpu.vector_load %arg5[%swap3A_2034, %swap3A_2035] {strides = array<i32>} : memref<16x512xf32, #tpu.memory_space<vmem>>, vector<16xf32>,
    tpu.vector_store %arg5[%swap3A_2034, %swap3A_2035], %broadcast_in_dim3A_1 {strides = array<i32>} : memref<16x512xf32, #tpu.memory_space<vmem>>, vector<16xf32>,
    %swap3A_2037 = arith.constant 15 : i32
    %swap3A_2038 = arith.index_cast %swap3A_2037 : i32 to index
    %swap3A_2039 = arith.constant 464 : index
    %swap3A_2040 = tpu.vector_load %arg5[%swap3A_2038, %swap3A_2039] {strides = array<i32>} : memref<16x512xf32, #tpu.memory_space<vmem>>, vector<16xf32>,
    tpu.vector_store %arg5[%swap3A_2038, %swap3A_2039], %broadcast_in_dim3A_1 {strides = array<i32>} : memref<16x512xf32, #tpu.memory_space<vmem>>, vector<16xf32>,
    %swap3A_2041 = arith.constant 15 : i32
    %swap3A_2042 = arith.index_cast %swap3A_2041 : i32 to index
    %swap3A_2043 = arith.constant 480 : index
    %swap3A_2044 = tpu.vector_load %arg5[%swap3A_2042, %swap3A_2043] {strides = array<i32>} : memref<16x512xf32, #tpu.memory_space<vmem>>, vector<16xf32>,
    tpu.vector_store %arg5[%swap3A_2042, %swap3A_2043], %broadcast_in_dim3A_1 {strides = array<i32>} : memref<16x512xf32, #tpu.memory_space<vmem>>, vector<16xf32>,
    %swap3A_2045 = arith.constant 15 : i32
    %swap3A_2046 = arith.index_cast %swap3A_2045 : i32 to index
    %swap3A_2047 = arith.constant 496 : index
    %swap3A_2048 = tpu.vector_load %arg5[%swap3A_2046, %swap3A_2047] {strides = array<i32>} : memref<16x512xf32, #tpu.memory_space<vmem>>, vector<16xf32>,
    tpu.vector_store %arg5[%swap3A_2046, %swap3A_2047], %broadcast_in_dim3A_1 {strides = array<i32>} : memref<16x512xf32, #tpu.memory_space<vmem>>, vector<16xf32>,
    %iota3A = tpu.iota {dimensions = array<i32: 0>} : vector<16xi32>
    %broadcast_in_dim3A_2049 = arith.constant 1.000000e+00 : f32
    %broadcast_in_dim3A_2050 = vector.broadcast %broadcast_in_dim3A_2049 : f32 to vector<16xf32>
    %get3A = arith.constant 0 : index
    %get3A_2051 = tpu.vector_load %arg4[%get3A] {strides = array<i32>} : memref<256xi32, #tpu.memory_space<vmem>>, vector<16xi32>,
    tpu.vector_store_idx %arg5[%iota3A, %get3A_2051], %broadcast_in_dim3A_2050 {add = true} : memref<16x512xf32, #tpu.memory_space<vmem>>[vector<16xi32>, vector<16xi32>], vector<16xf32>,
    %get3A_2052 = arith.constant 16 : index
    %get3A_2053 = tpu.vector_load %arg4[%get3A_2052] {strides = array<i32>} : memref<256xi32, #tpu.memory_space<vmem>>, vector<16xi32>,
    tpu.vector_store_idx %arg5[%iota3A, %get3A_2053], %broadcast_in_dim3A_2050 {add = true} : memref<16x512xf32, #tpu.memory_space<vmem>>[vector<16xi32>, vector<16xi32>], vector<16xf32>,
    %get3A_2054 = arith.constant 32 : index
    %get3A_2055 = tpu.vector_load %arg4[%get3A_2054] {strides = array<i32>} : memref<256xi32, #tpu.memory_space<vmem>>, vector<16xi32>,
    tpu.vector_store_idx %arg5[%iota3A, %get3A_2055], %broadcast_in_dim3A_2050 {add = true} : memref<16x512xf32, #tpu.memory_space<vmem>>[vector<16xi32>, vector<16xi32>], vector<16xf32>,
    %get3A_2056 = arith.constant 48 : index
    %get3A_2057 = tpu.vector_load %arg4[%get3A_2056] {strides = array<i32>} : memref<256xi32, #tpu.memory_space<vmem>>, vector<16xi32>,
    tpu.vector_store_idx %arg5[%iota3A, %get3A_2057], %broadcast_in_dim3A_2050 {add = true} : memref<16x512xf32, #tpu.memory_space<vmem>>[vector<16xi32>, vector<16xi32>], vector<16xf32>,
    %get3A_2058 = arith.constant 64 : index
    %get3A_2059 = tpu.vector_load %arg4[%get3A_2058] {strides = array<i32>} : memref<256xi32, #tpu.memory_space<vmem>>, vector<16xi32>,
    tpu.vector_store_idx %arg5[%iota3A, %get3A_2059], %broadcast_in_dim3A_2050 {add = true} : memref<16x512xf32, #tpu.memory_space<vmem>>[vector<16xi32>, vector<16xi32>], vector<16xf32>,
    %get3A_2060 = arith.constant 80 : index
    %get3A_2061 = tpu.vector_load %arg4[%get3A_2060] {strides = array<i32>} : memref<256xi32, #tpu.memory_space<vmem>>, vector<16xi32>,
    tpu.vector_store_idx %arg5[%iota3A, %get3A_2061], %broadcast_in_dim3A_2050 {add = true} : memref<16x512xf32, #tpu.memory_space<vmem>>[vector<16xi32>, vector<16xi32>], vector<16xf32>,
    %get3A_2062 = arith.constant 96 : index
    %get3A_2063 = tpu.vector_load %arg4[%get3A_2062] {strides = array<i32>} : memref<256xi32, #tpu.memory_space<vmem>>, vector<16xi32>,
    tpu.vector_store_idx %arg5[%iota3A, %get3A_2063], %broadcast_in_dim3A_2050 {add = true} : memref<16x512xf32, #tpu.memory_space<vmem>>[vector<16xi32>, vector<16xi32>], vector<16xf32>,
    %get3A_2064 = arith.constant 112 : index
    %get3A_2065 = tpu.vector_load %arg4[%get3A_2064] {strides = array<i32>} : memref<256xi32, #tpu.memory_space<vmem>>, vector<16xi32>,
    tpu.vector_store_idx %arg5[%iota3A, %get3A_2065], %broadcast_in_dim3A_2050 {add = true} : memref<16x512xf32, #tpu.memory_space<vmem>>[vector<16xi32>, vector<16xi32>], vector<16xf32>,
    %get3A_2066 = arith.constant 128 : index
    %get3A_2067 = tpu.vector_load %arg4[%get3A_2066] {strides = array<i32>} : memref<256xi32, #tpu.memory_space<vmem>>, vector<16xi32>,
    tpu.vector_store_idx %arg5[%iota3A, %get3A_2067], %broadcast_in_dim3A_2050 {add = true} : memref<16x512xf32, #tpu.memory_space<vmem>>[vector<16xi32>, vector<16xi32>], vector<16xf32>,
    %get3A_2068 = arith.constant 144 : index
    %get3A_2069 = tpu.vector_load %arg4[%get3A_2068] {strides = array<i32>} : memref<256xi32, #tpu.memory_space<vmem>>, vector<16xi32>,
    tpu.vector_store_idx %arg5[%iota3A, %get3A_2069], %broadcast_in_dim3A_2050 {add = true} : memref<16x512xf32, #tpu.memory_space<vmem>>[vector<16xi32>, vector<16xi32>], vector<16xf32>,
    %get3A_2070 = arith.constant 160 : index
    %get3A_2071 = tpu.vector_load %arg4[%get3A_2070] {strides = array<i32>} : memref<256xi32, #tpu.memory_space<vmem>>, vector<16xi32>,
    tpu.vector_store_idx %arg5[%iota3A, %get3A_2071], %broadcast_in_dim3A_2050 {add = true} : memref<16x512xf32, #tpu.memory_space<vmem>>[vector<16xi32>, vector<16xi32>], vector<16xf32>,
    %get3A_2072 = arith.constant 176 : index
    %get3A_2073 = tpu.vector_load %arg4[%get3A_2072] {strides = array<i32>} : memref<256xi32, #tpu.memory_space<vmem>>, vector<16xi32>,
    tpu.vector_store_idx %arg5[%iota3A, %get3A_2073], %broadcast_in_dim3A_2050 {add = true} : memref<16x512xf32, #tpu.memory_space<vmem>>[vector<16xi32>, vector<16xi32>], vector<16xf32>,
    %get3A_2074 = arith.constant 192 : index
    %get3A_2075 = tpu.vector_load %arg4[%get3A_2074] {strides = array<i32>} : memref<256xi32, #tpu.memory_space<vmem>>, vector<16xi32>,
    tpu.vector_store_idx %arg5[%iota3A, %get3A_2075], %broadcast_in_dim3A_2050 {add = true} : memref<16x512xf32, #tpu.memory_space<vmem>>[vector<16xi32>, vector<16xi32>], vector<16xf32>,
    %get3A_2076 = arith.constant 208 : index
    %get3A_2077 = tpu.vector_load %arg4[%get3A_2076] {strides = array<i32>} : memref<256xi32, #tpu.memory_space<vmem>>, vector<16xi32>,
    tpu.vector_store_idx %arg5[%iota3A, %get3A_2077], %broadcast_in_dim3A_2050 {add = true} : memref<16x512xf32, #tpu.memory_space<vmem>>[vector<16xi32>, vector<16xi32>], vector<16xf32>,
    %get3A_2078 = arith.constant 224 : index
    %get3A_2079 = tpu.vector_load %arg4[%get3A_2078] {strides = array<i32>} : memref<256xi32, #tpu.memory_space<vmem>>, vector<16xi32>,
    tpu.vector_store_idx %arg5[%iota3A, %get3A_2079], %broadcast_in_dim3A_2050 {add = true} : memref<16x512xf32, #tpu.memory_space<vmem>>[vector<16xi32>, vector<16xi32>], vector<16xf32>,
    %get3A_2080 = arith.constant 240 : index
    %get3A_2081 = tpu.vector_load %arg4[%get3A_2080] {strides = array<i32>} : memref<256xi32, #tpu.memory_space<vmem>>, vector<16xi32>,
    tpu.vector_store_idx %arg5[%iota3A, %get3A_2081], %broadcast_in_dim3A_2050 {add = true} : memref<16x512xf32, #tpu.memory_space<vmem>>[vector<16xi32>, vector<16xi32>], vector<16xf32>,
    "tpu.region"() ({
      %run_scoped3A = tpu.sem_alloc : memref<!tpu.dma_semaphore, #tpu.memory_space<semaphore_mem>>
      %dma_start3A = arith.constant 0 : i32
      %dma_start3A_2082 = arith.constant 0 : i32
      %dma_start3A_2083 = tpu.memref_slice %arg3[%arg1, %dma_start3A, %dma_start3A_2082] : memref<16x16x512xf32, #tpu.memory_space<hbm>> -> memref<1x16x512xf32, #tpu.memory_space<hbm>>
      %dma_start3A_2084 = tpu.memref_squeeze %dma_start3A_2083 : memref<1x16x512xf32, #tpu.memory_space<hbm>> -> memref<16x512xf32, #tpu.memory_space<hbm>>
      %dma_start3A_2085 = arith.constant 0 : i32
      %dma_start3A_2086 = arith.constant 0 : i32
      %dma_start3A_2087 = tpu.memref_slice %arg3[%arg1, %dma_start3A_2085, %dma_start3A_2086] : memref<16x16x512xf32, #tpu.memory_space<hbm>> -> memref<1x16x512xf32, #tpu.memory_space<hbm>>
      %dma_start3A_2088 = tpu.memref_squeeze %dma_start3A_2087 : memref<1x16x512xf32, #tpu.memory_space<hbm>> -> memref<16x512xf32, #tpu.memory_space<hbm>>
      tpu.enqueue_dma source(%arg5 : memref<16x512xf32, #tpu.memory_space<vmem>>) target(%dma_start3A_2088 : memref<16x512xf32, #tpu.memory_space<hbm>>) target_semaphore(%run_scoped3A : memref<!tpu.dma_semaphore, #tpu.memory_space<semaphore_mem>>)
      %dma_wait3A = arith.constant 0 : i32
      %dma_wait3A_2089 = arith.constant 0 : i32
      %dma_wait3A_2090 = tpu.memref_slice %arg3[%arg1, %dma_wait3A, %dma_wait3A_2089] : memref<16x16x512xf32, #tpu.memory_space<hbm>> -> memref<1x16x512xf32, #tpu.memory_space<hbm>>
      %dma_wait3A_2091 = tpu.memref_squeeze %dma_wait3A_2090 : memref<1x16x512xf32, #tpu.memory_space<hbm>> -> memref<16x512xf32, #tpu.memory_space<hbm>>
      %dma_wait3A_2092 = arith.constant 0 : i32
      %dma_wait3A_2093 = arith.constant 0 : i32
      %dma_wait3A_2094 = tpu.memref_slice %arg3[%arg1, %dma_wait3A_2092, %dma_wait3A_2093] : memref<16x16x512xf32, #tpu.memory_space<hbm>> -> memref<1x16x512xf32, #tpu.memory_space<hbm>>
      %dma_wait3A_2095 = tpu.memref_squeeze %dma_wait3A_2094 : memref<1x16x512xf32, #tpu.memory_space<hbm>> -> memref<16x512xf32, #tpu.memory_space<hbm>>
      tpu.wait_dma2 semaphore(%run_scoped3A : memref<!tpu.dma_semaphore, #tpu.memory_space<semaphore_mem>>) src(%arg5 : memref<16x512xf32, #tpu.memory_space<vmem>>) dst(%dma_wait3A_2095 : memref<16x512xf32, #tpu.memory_space<hbm>>)
      tpu.yield
    }) : () -> ()
    return
  }
}

module attributes {stable_mosaic.version = 14 : i64} {
  func.func @_phase_a(%arg0: i32, %arg1: memref<1024x768xf32, #tpu.memory_space<vmem>>, %arg2: memref<512x768xf32, #tpu.memory_space<vmem>>, %arg3: memref<1x1x1024xi32, #tpu.memory_space<vmem>>, %arg4: memref<512x768xf32, #tpu.memory_space<vmem>>, %arg5: memref<512x1xf32, #tpu.memory_space<vmem>>, %arg6: memref<512x768xbf16, #tpu.memory_space<vmem>>) attributes {dimension_semantics = [#tpu.dimension_semantics<arbitrary>], iteration_bounds = array<i64: 8>, scalar_prefetch = 0 : i64, scratch_operands = 1 : i64, tpu.core_type = #tpu.core_type<tc>, window_params = [{transform_indices = @transform_0, window_bounds = array<i64: 1024, 768>}, {pipeline_mode = #tpu.pipeline_mode<synchronous>, transform_indices = @transform_1, window_bounds = array<i64: 512, 768>}, {transform_indices = @transform_2, window_bounds = array<i64: 1, 1, 1024>}, {pipeline_mode = #tpu.pipeline_mode<synchronous>, transform_indices = @transform_3, window_bounds = array<i64: 512, 768>}, {pipeline_mode = #tpu.pipeline_mode<synchronous>, transform_indices = @transform_4, window_bounds = array<i64: 512, 1>}]} {
    %eq3A = arith.constant 0 : i32
    %eq3A_0 = arith.cmpi eq, %arg0, %eq3A : i32
    %convert_element_type3A = arith.extui %eq3A_0 : i1 to i32
    %cond3A = arith.constant 0 : i32
    %cond3A_1 = arith.cmpi ne, %convert_element_type3A, %cond3A : i32
    scf.if %cond3A_1 {
      %get3A_50 = arith.constant 0 : index
      %get3A_51 = arith.constant 0 : index
      %get3A_52 = vector.load %arg2[%get3A_50, %get3A_51] : memref<512x768xf32, #tpu.memory_space<vmem>>, vector<512x768xf32>
      %mul3A_53 = arith.mulf %get3A_52, %get3A_52 : vector<512x768xf32>
      %reduce_sum3A_54 = arith.constant dense<0.000000e+00> : vector<512xf32>
      %reduce_sum3A_55 = vector.multi_reduction <add>, %mul3A_53, %reduce_sum3A_54 [1] : vector<512x768xf32> to vector<512xf32>
      %broadcast_in_dim3A_56 = vector.shape_cast %reduce_sum3A_55 : vector<512xf32> to vector<512x1xf32>
      %sqrt3A_57 = math.sqrt %broadcast_in_dim3A_56 : vector<512x1xf32>
      %max3A_58 = arith.constant 9.99999996E-13 : f32
      %max3A_59 = vector.broadcast %max3A_58 : f32 to vector<512x1xf32>
      %max3A_60 = arith.maximumf %sqrt3A_57, %max3A_59 : vector<512x1xf32>
      %div3A_61 = vector.broadcast %max3A_60 : vector<512x1xf32> to vector<512x768xf32>
      %div3A_62 = arith.divf %get3A_52, %div3A_61 : vector<512x768xf32>
      %convert_element_type3A_63 = arith.truncf %div3A_62 : vector<512x768xf32> to vector<512x768xbf16>
      %swap3A_64 = arith.constant 0 : index
      %swap3A_65 = arith.constant 0 : index
      %swap3A_66 = vector.load %arg6[%swap3A_64, %swap3A_65] : memref<512x768xbf16, #tpu.memory_space<vmem>>, vector<512x768xbf16>
      tpu.vector_store %arg6[%swap3A_64, %swap3A_65], %convert_element_type3A_63 {strides = array<i32>} : memref<512x768xbf16, #tpu.memory_space<vmem>>, vector<512x768xbf16>,
    } else {
    }
    %get3A = arith.constant 0 : index
    %get3A_2 = arith.constant 0 : index
    %get3A_3 = vector.load %arg1[%get3A, %get3A_2] : memref<1024x768xf32, #tpu.memory_space<vmem>>, vector<1024x768xf32>
    %mul3A = arith.mulf %get3A_3, %get3A_3 : vector<1024x768xf32>
    %reduce_sum3A = arith.constant dense<0.000000e+00> : vector<1024xf32>
    %reduce_sum3A_4 = vector.multi_reduction <add>, %mul3A, %reduce_sum3A [1] : vector<1024x768xf32> to vector<1024xf32>
    %broadcast_in_dim3A = vector.shape_cast %reduce_sum3A_4 : vector<1024xf32> to vector<1024x1xf32>
    %sqrt3A = math.sqrt %broadcast_in_dim3A : vector<1024x1xf32>
    %max3A = arith.constant 9.99999993E-9 : f32
    %max3A_5 = vector.broadcast %max3A : f32 to vector<1024x1xf32>
    %max3A_6 = arith.maximumf %sqrt3A, %max3A_5 : vector<1024x1xf32>
    %div3A = vector.broadcast %max3A_6 : vector<1024x1xf32> to vector<1024x768xf32>
    %div3A_7 = arith.divf %get3A_3, %div3A : vector<1024x768xf32>
    %convert_element_type3A_8 = arith.truncf %div3A_7 : vector<1024x768xf32> to vector<1024x768xbf16>
    %get3A_9 = arith.constant 0 : index
    %get3A_10 = arith.constant 0 : index
    %get3A_11 = vector.load %arg6[%get3A_9, %get3A_10] : memref<512x768xbf16, #tpu.memory_space<vmem>>, vector<512x768xbf16>
    %dot_general3A = arith.constant dense<0.000000e+00> : vector<1024x512xf32>
    %dot_general3A_12 = tpu.matmul %convert_element_type3A_8, %get3A_11, %dot_general3A {dimension_numbers = #tpu.dot_dimension_numbers<[1], [1], [0], [0], [0, 0, 1, 0], [], []>, transpose_lhs_hint = false} : vector<1024x768xbf16>, vector<512x768xbf16>, vector<1024x512xf32> -> vector<1024x512xf32>
    %reduce_max3A = arith.constant dense<0xFF800000> : vector<1024xf32>
    %reduce_max3A_13 = vector.multi_reduction <maximumf>, %dot_general3A_12, %reduce_max3A [1] : vector<1024x512xf32> to vector<1024xf32>
    %broadcast_in_dim3A_14 = vector.shape_cast %reduce_max3A_13 : vector<1024xf32> to vector<1024x1xf32>
    %iota3A = tpu.iota {dimensions = array<i32: 1>} : vector<1024x512xi32>
    %ge3A = vector.broadcast %broadcast_in_dim3A_14 : vector<1024x1xf32> to vector<1024x512xf32>
    %ge3A_15 = arith.cmpf oge, %dot_general3A_12, %ge3A : vector<1024x512xf32>
    %jit3A = arith.constant 512 : i32
    %broadcast_in_dim3A_16 = vector.broadcast %jit3A : i32 to vector<1024x512xi32>
    %select_n3A = arith.select %ge3A_15, %iota3A, %broadcast_in_dim3A_16 : vector<1024x512xi1>, vector<1024x512xi32>
    %reduce_min3A = arith.constant dense<2147483647> : vector<1024xi32>
    %reduce_min3A_17 = vector.multi_reduction <minsi>, %select_n3A, %reduce_min3A [1] : vector<1024x512xi32> to vector<1024xi32>
    %reshape3A = vector.shape_cast %reduce_min3A_17 : vector<1024xi32> to vector<1x1x1024xi32>
    %swap3A = arith.constant 0 : index
    %swap3A_18 = arith.constant 0 : index
    %swap3A_19 = arith.constant 0 : index
    %swap3A_20 = vector.load %arg3[%swap3A, %swap3A_18, %swap3A_19] : memref<1x1x1024xi32, #tpu.memory_space<vmem>>, vector<1x1x1024xi32>
    tpu.vector_store %arg3[%swap3A, %swap3A_18, %swap3A_19], %reshape3A {strides = array<i32>} : memref<1x1x1024xi32, #tpu.memory_space<vmem>>, vector<1x1x1024xi32>,
    %broadcast_in_dim3A_21 = vector.shape_cast %reduce_min3A_17 : vector<1024xi32> to vector<1024x1xi32>
    %eq3A_22 = vector.broadcast %broadcast_in_dim3A_21 : vector<1024x1xi32> to vector<1024x512xi32>
    %eq3A_23 = arith.cmpi eq, %iota3A, %eq3A_22 : vector<1024x512xi32>
    %convert_element_type3A_24 = arith.extui %eq3A_23 : vector<1024x512xi1> to vector<1024x512xi32>
    %convert_element_type3A_25 = arith.sitofp %convert_element_type3A_24 : vector<1024x512xi32> to vector<1024x512xf32>
    %convert_element_type3A_26 = arith.truncf %convert_element_type3A_25 : vector<1024x512xf32> to vector<1024x512xbf16>
    %convert_element_type3A_27 = arith.truncf %get3A_3 : vector<1024x768xf32> to vector<1024x768xbf16>
    %dot_general3A_28 = arith.constant dense<0.000000e+00> : vector<512x768xf32>
    %dot_general3A_29 = tpu.matmul %convert_element_type3A_26, %convert_element_type3A_27, %dot_general3A_28 {dimension_numbers = #tpu.dot_dimension_numbers<[0], [0], [1], [1], [0, 1, 1, 1], [], []>, transpose_lhs_hint = false} : vector<1024x512xbf16>, vector<1024x768xbf16>, vector<512x768xf32> -> vector<512x768xf32>
    %broadcast_in_dim3A_30 = arith.constant 1.000000e+00 : bf16
    %broadcast_in_dim3A_31 = vector.broadcast %broadcast_in_dim3A_30 : bf16 to vector<1024x1xbf16>
    %dot_general3A_32 = arith.constant dense<0.000000e+00> : vector<512x1xf32>
    %dot_general3A_33 = tpu.matmul %convert_element_type3A_26, %broadcast_in_dim3A_31, %dot_general3A_32 {dimension_numbers = #tpu.dot_dimension_numbers<[0], [0], [1], [1], [0, 1, 1, 1], [], []>, transpose_lhs_hint = false} : vector<1024x512xbf16>, vector<1024x1xbf16>, vector<512x1xf32> -> vector<512x1xf32>
    %eq3A_34 = arith.constant 0 : i32
    %eq3A_35 = arith.cmpi eq, %arg0, %eq3A_34 : i32
    %convert_element_type3A_36 = arith.extui %eq3A_35 : i1 to i32
    %cond3A_37 = arith.constant 0 : i32
    %cond3A_38 = arith.cmpi ne, %convert_element_type3A_36, %cond3A_37 : i32
    scf.if %cond3A_38 {
      %broadcast_in_dim3A_50 = arith.constant 0.000000e+00 : f32
      %broadcast_in_dim3A_51 = vector.broadcast %broadcast_in_dim3A_50 : f32 to vector<512x768xf32>
      %swap3A_52 = arith.constant 0 : index
      %swap3A_53 = arith.constant 0 : index
      %swap3A_54 = vector.load %arg4[%swap3A_52, %swap3A_53] : memref<512x768xf32, #tpu.memory_space<vmem>>, vector<512x768xf32>
      tpu.vector_store %arg4[%swap3A_52, %swap3A_53], %broadcast_in_dim3A_51 {strides = array<i32>} : memref<512x768xf32, #tpu.memory_space<vmem>>, vector<512x768xf32>,
      %broadcast_in_dim3A_55 = arith.constant 0.000000e+00 : f32
      %broadcast_in_dim3A_56 = vector.broadcast %broadcast_in_dim3A_55 : f32 to vector<512x1xf32>
      %swap3A_57 = arith.constant 0 : index
      %swap3A_58 = arith.constant 0 : index
      %swap3A_59 = vector.load %arg5[%swap3A_57, %swap3A_58] : memref<512x1xf32, #tpu.memory_space<vmem>>, vector<512x1xf32>
      tpu.vector_store %arg5[%swap3A_57, %swap3A_58], %broadcast_in_dim3A_56 {strides = array<i32>} : memref<512x1xf32, #tpu.memory_space<vmem>>, vector<512x1xf32>,
    } else {
    }
    %get3A_39 = arith.constant 0 : index
    %get3A_40 = arith.constant 0 : index
    %get3A_41 = vector.load %arg4[%get3A_39, %get3A_40] : memref<512x768xf32, #tpu.memory_space<vmem>>, vector<512x768xf32>
    %add3A = arith.addf %get3A_41, %dot_general3A_29 : vector<512x768xf32>
    %swap3A_42 = arith.constant 0 : index
    %swap3A_43 = arith.constant 0 : index
    %swap3A_44 = vector.load %arg4[%swap3A_42, %swap3A_43] : memref<512x768xf32, #tpu.memory_space<vmem>>, vector<512x768xf32>
    tpu.vector_store %arg4[%swap3A_42, %swap3A_43], %add3A {strides = array<i32>} : memref<512x768xf32, #tpu.memory_space<vmem>>, vector<512x768xf32>,
    %ge3A_45 = arith.constant 4 : i32
    %ge3A_46 = arith.cmpi sge, %arg0, %ge3A_45 : i32
    %convert_element_type3A_47 = arith.extui %ge3A_46 : i1 to i32
    %cond3A_48 = arith.constant 0 : i32
    %cond3A_49 = arith.cmpi ne, %convert_element_type3A_47, %cond3A_48 : i32
    scf.if %cond3A_49 {
      %get3A_50 = arith.constant 0 : index
      %get3A_51 = arith.constant 0 : index
      %get3A_52 = vector.load %arg5[%get3A_50, %get3A_51] : memref<512x1xf32, #tpu.memory_space<vmem>>, vector<512x1xf32>
      %add3A_53 = arith.addf %get3A_52, %dot_general3A_33 : vector<512x1xf32>
      %swap3A_54 = arith.constant 0 : index
      %swap3A_55 = arith.constant 0 : index
      %swap3A_56 = vector.load %arg5[%swap3A_54, %swap3A_55] : memref<512x1xf32, #tpu.memory_space<vmem>>, vector<512x1xf32>
      tpu.vector_store %arg5[%swap3A_54, %swap3A_55], %add3A_53 {strides = array<i32>} : memref<512x1xf32, #tpu.memory_space<vmem>>, vector<512x1xf32>,
    } else {
    }
    return
  }
  func.func @transform_0(%arg0: i32) -> (i32, i32) {
    %c0_i32 = arith.constant 0 : i32
    %c0_i32_0 = arith.constant 0 : i32
    return %arg0, %c0_i32 : i32, i32
  }
  func.func @transform_1(%arg0: i32) -> (i32, i32) {
    %c0_i32 = arith.constant 0 : i32
    %c0_i32_0 = arith.constant 0 : i32
    %c0_i32_1 = arith.constant 0 : i32
    return %c0_i32, %c0_i32_0 : i32, i32
  }
  func.func @transform_2(%arg0: i32) -> (i32, i32, i32) {
    %c0_i32 = arith.constant 0 : i32
    %c0_i32_0 = arith.constant 0 : i32
    %c0_i32_1 = arith.constant 0 : i32
    return %arg0, %c0_i32, %c0_i32_0 : i32, i32, i32
  }
  func.func @transform_3(%arg0: i32) -> (i32, i32) {
    %c0_i32 = arith.constant 0 : i32
    %c0_i32_0 = arith.constant 0 : i32
    %c0_i32_1 = arith.constant 0 : i32
    return %c0_i32, %c0_i32_0 : i32, i32
  }
  func.func @transform_4(%arg0: i32) -> (i32, i32) {
    %c0_i32 = arith.constant 0 : i32
    %c0_i32_0 = arith.constant 0 : i32
    %c0_i32_1 = arith.constant 0 : i32
    return %c0_i32, %c0_i32_0 : i32, i32
  }
}

module attributes {stable_mosaic.version = 14 : i64} {
  func.func @_phase_c(%arg0: i32, %arg1: memref<1xf32, #tpu.memory_space<smem>>, %arg2: memref<1xf32, #tpu.memory_space<smem>>, %arg3: memref<512x768xf32, #tpu.memory_space<vmem>>, %arg4: memref<256x512xf32, #tpu.memory_space<vmem>>, %arg5: memref<512x1xf32, #tpu.memory_space<vmem>>, %arg6: memref<512x768xf32, #tpu.memory_space<vmem>>, %arg7: memref<1024x768xf32, #tpu.memory_space<vmem>>, %arg8: memref<1024x768xf32, #tpu.memory_space<vmem>>, %arg9: memref<512x768xbf16, #tpu.memory_space<vmem>>) attributes {dimension_semantics = [#tpu.dimension_semantics<arbitrary>], iteration_bounds = array<i64: 8>, scalar_prefetch = 0 : i64, scratch_operands = 1 : i64, tpu.core_type = #tpu.core_type<tc>, window_params = [{transform_indices = @transform_0, window_bounds = array<i64: 1>}, {transform_indices = @transform_1, window_bounds = array<i64: 1>}, {pipeline_mode = #tpu.pipeline_mode<synchronous>, transform_indices = @transform_2, window_bounds = array<i64: 512, 768>}, {pipeline_mode = #tpu.pipeline_mode<synchronous>, transform_indices = @transform_3, window_bounds = array<i64: 256, 512>}, {pipeline_mode = #tpu.pipeline_mode<synchronous>, transform_indices = @transform_4, window_bounds = array<i64: 512, 1>}, {pipeline_mode = #tpu.pipeline_mode<synchronous>, transform_indices = @transform_5, window_bounds = array<i64: 512, 768>}, {transform_indices = @transform_6, window_bounds = array<i64: 1024, 768>}, {transform_indices = @transform_7, window_bounds = array<i64: 1024, 768>}]} {
    %eq3A = arith.constant 0 : i32
    %eq3A_0 = arith.cmpi eq, %arg0, %eq3A : i32
    %convert_element_type3A = arith.extui %eq3A_0 : i1 to i32
    %cond3A = arith.constant 0 : i32
    %cond3A_1 = arith.cmpi ne, %convert_element_type3A, %cond3A : i32
    scf.if %cond3A_1 {
      %get3A_67 = arith.constant 0 : index
      %get3A_68 = arith.constant 0 : index
      %get3A_69 = vector.load %arg6[%get3A_67, %get3A_68] : memref<512x768xf32, #tpu.memory_space<vmem>>, vector<512x768xf32>
      %get3A_70 = arith.constant 0 : index
      %get3A_71 = arith.constant 0 : index
      %get3A_72 = vector.load %arg3[%get3A_70, %get3A_71] : memref<512x768xf32, #tpu.memory_space<vmem>>, vector<512x768xf32>
      %get3A_73 = arith.constant 0 : index
      %get3A_74 = arith.constant 0 : index
      %get3A_75 = vector.load %arg5[%get3A_73, %get3A_74] : memref<512x1xf32, #tpu.memory_space<vmem>>, vector<512x1xf32>
      %get3A_76 = arith.constant 0 : index
      %get3A_77 = arith.constant 0 : index
      %get3A_78 = vector.load %arg4[%get3A_76, %get3A_77] : memref<256x512xf32, #tpu.memory_space<vmem>>, vector<256x512xf32>
      %broadcast_in_dim3A_79 = arith.constant 1.000000e+00 : f32
      %broadcast_in_dim3A_80 = vector.broadcast %broadcast_in_dim3A_79 : f32 to vector<256x1xf32>
      %dot_general3A_81 = arith.constant dense<0.000000e+00> : vector<512x1xf32>
      %dot_general3A_82 = tpu.matmul %get3A_78, %broadcast_in_dim3A_80, %dot_general3A_81 {dimension_numbers = #tpu.dot_dimension_numbers<[0], [0], [1], [1], [0, 1, 1, 1], [], []>, transpose_lhs_hint = false} : vector<256x512xf32>, vector<256x1xf32>, vector<512x1xf32> -> vector<512x1xf32>
      %add3A_83 = arith.addf %get3A_75, %dot_general3A_82 : vector<512x1xf32>
      %gt3A = arith.constant 0.000000e+00 : f32
      %gt3A_84 = vector.broadcast %gt3A : f32 to vector<512x1xf32>
      %gt3A_85 = arith.cmpf ogt, %add3A_83, %gt3A_84 : vector<512x1xf32>
      %max3A_86 = arith.constant 1.000000e+00 : f32
      %max3A_87 = vector.broadcast %max3A_86 : f32 to vector<512x1xf32>
      %max3A_88 = arith.maximumf %add3A_83, %max3A_87 : vector<512x1xf32>
      %div3A_89 = vector.broadcast %max3A_88 : vector<512x1xf32> to vector<512x768xf32>
      %div3A_90 = arith.divf %get3A_72, %div3A_89 : vector<512x768xf32>
      %broadcast_in_dim3A_91 = vector.shape_cast %gt3A_85 : vector<512x1xi1> to vector<512x1xi1>
      %broadcast_in_dim3A_92 = vector.broadcast %broadcast_in_dim3A_91 : vector<512x1xi1> to vector<512x768xi1>
      %select_n3A = arith.select %broadcast_in_dim3A_92, %div3A_90, %get3A_69 : vector<512x768xi1>, vector<512x768xf32>
      %mul3A_93 = arith.mulf %select_n3A, %select_n3A : vector<512x768xf32>
      %reduce_sum3A_94 = arith.constant dense<0.000000e+00> : vector<512xf32>
      %reduce_sum3A_95 = vector.multi_reduction <add>, %mul3A_93, %reduce_sum3A_94 [1] : vector<512x768xf32> to vector<512xf32>
      %broadcast_in_dim3A_96 = vector.shape_cast %reduce_sum3A_95 : vector<512xf32> to vector<512x1xf32>
      %sqrt3A_97 = math.sqrt %broadcast_in_dim3A_96 : vector<512x1xf32>
      %max3A_98 = arith.constant 9.99999996E-13 : f32
      %max3A_99 = vector.broadcast %max3A_98 : f32 to vector<512x1xf32>
      %max3A_100 = arith.maximumf %sqrt3A_97, %max3A_99 : vector<512x1xf32>
      %div3A_101 = vector.broadcast %max3A_100 : vector<512x1xf32> to vector<512x768xf32>
      %div3A_102 = arith.divf %select_n3A, %div3A_101 : vector<512x768xf32>
      %mul3A_103 = arith.constant 9.990000e-01 : f32
      %mul3A_104 = vector.broadcast %mul3A_103 : f32 to vector<512x768xf32>
      %mul3A_105 = arith.mulf %mul3A_104, %get3A_69 : vector<512x768xf32>
      %mul3A_106 = arith.constant 1.000000e-03 : f32
      %mul3A_107 = vector.broadcast %mul3A_106 : f32 to vector<512x768xf32>
      %mul3A_108 = arith.mulf %mul3A_107, %div3A_102 : vector<512x768xf32>
      %add3A_109 = arith.addf %mul3A_105, %mul3A_108 : vector<512x768xf32>
      %mul3A_110 = arith.mulf %add3A_109, %add3A_109 : vector<512x768xf32>
      %reduce_sum3A_111 = arith.constant dense<0.000000e+00> : vector<512xf32>
      %reduce_sum3A_112 = vector.multi_reduction <add>, %mul3A_110, %reduce_sum3A_111 [1] : vector<512x768xf32> to vector<512xf32>
      %broadcast_in_dim3A_113 = vector.shape_cast %reduce_sum3A_112 : vector<512xf32> to vector<512x1xf32>
      %sqrt3A_114 = math.sqrt %broadcast_in_dim3A_113 : vector<512x1xf32>
      %max3A_115 = arith.constant 9.99999993E-9 : f32
      %max3A_116 = vector.broadcast %max3A_115 : f32 to vector<512x1xf32>
      %max3A_117 = arith.maximumf %sqrt3A_114, %max3A_116 : vector<512x1xf32>
      %div3A_118 = vector.broadcast %max3A_117 : vector<512x1xf32> to vector<512x768xf32>
      %div3A_119 = arith.divf %add3A_109, %div3A_118 : vector<512x768xf32>
      %convert_element_type3A_120 = arith.truncf %div3A_119 : vector<512x768xf32> to vector<512x768xbf16>
      %swap3A_121 = arith.constant 0 : index
      %swap3A_122 = arith.constant 0 : index
      %swap3A_123 = vector.load %arg9[%swap3A_121, %swap3A_122] : memref<512x768xbf16, #tpu.memory_space<vmem>>, vector<512x768xbf16>
      tpu.vector_store %arg9[%swap3A_121, %swap3A_122], %convert_element_type3A_120 {strides = array<i32>} : memref<512x768xbf16, #tpu.memory_space<vmem>>, vector<512x768xbf16>,
    } else {
    }
    %get3A = arith.constant 0 : index
    %get3A_2 = arith.constant 0 : index
    %get3A_3 = vector.load %arg7[%get3A, %get3A_2] : memref<1024x768xf32, #tpu.memory_space<vmem>>, vector<1024x768xf32>
    %mul3A = arith.mulf %get3A_3, %get3A_3 : vector<1024x768xf32>
    %reduce_sum3A = arith.constant dense<0.000000e+00> : vector<1024xf32>
    %reduce_sum3A_4 = vector.multi_reduction <add>, %mul3A, %reduce_sum3A [1] : vector<1024x768xf32> to vector<1024xf32>
    %broadcast_in_dim3A = vector.shape_cast %reduce_sum3A_4 : vector<1024xf32> to vector<1024x1xf32>
    %sqrt3A = math.sqrt %broadcast_in_dim3A : vector<1024x1xf32>
    %max3A = arith.constant 9.99999993E-9 : f32
    %max3A_5 = vector.broadcast %max3A : f32 to vector<1024x1xf32>
    %max3A_6 = arith.maximumf %sqrt3A, %max3A_5 : vector<1024x1xf32>
    %div3A = vector.broadcast %max3A_6 : vector<1024x1xf32> to vector<1024x768xf32>
    %div3A_7 = arith.divf %get3A_3, %div3A : vector<1024x768xf32>
    %convert_element_type3A_8 = arith.truncf %div3A_7 : vector<1024x768xf32> to vector<1024x768xbf16>
    %get3A_9 = arith.constant 0 : index
    %get3A_10 = arith.constant 0 : index
    %get3A_11 = vector.load %arg9[%get3A_9, %get3A_10] : memref<512x768xbf16, #tpu.memory_space<vmem>>, vector<512x768xbf16>
    %dot_general3A = arith.constant dense<0.000000e+00> : vector<1024x512xf32>
    %dot_general3A_12 = tpu.matmul %convert_element_type3A_8, %get3A_11, %dot_general3A {dimension_numbers = #tpu.dot_dimension_numbers<[1], [1], [0], [0], [0, 0, 1, 0], [], []>, transpose_lhs_hint = false} : vector<1024x768xbf16>, vector<512x768xbf16>, vector<1024x512xf32> -> vector<1024x512xf32>
    %reduce_max3A = arith.constant dense<0xFF800000> : vector<1024xf32>
    %reduce_max3A_13 = vector.multi_reduction <maximumf>, %dot_general3A_12, %reduce_max3A [1] : vector<1024x512xf32> to vector<1024xf32>
    %broadcast_in_dim3A_14 = vector.shape_cast %reduce_max3A_13 : vector<1024xf32> to vector<1024x1xf32>
    %sub3A = arith.constant 1.000000e+00 : f32
    %sub3A_15 = vector.broadcast %sub3A : f32 to vector<1024x1xf32>
    %sub3A_16 = arith.subf %sub3A_15, %broadcast_in_dim3A_14 : vector<1024x1xf32>
    %jit3A = arith.constant 0.000000e+00 : f32
    %jit3A_17 = arith.constant 2.000000e+00 : f32
    %max3A_18 = vector.broadcast %jit3A : f32 to vector<1024x1xf32>
    %max3A_19 = arith.maximumf %max3A_18, %sub3A_16 : vector<1024x1xf32>
    %min3A = vector.broadcast %jit3A_17 : f32 to vector<1024x1xf32>
    %min3A_20 = arith.minimumf %min3A, %max3A_19 : vector<1024x1xf32>
    %get3A_21 = arith.constant 0 : index
    %get3A_22 = memref.load %arg1[%get3A_21] : memref<1xf32, #tpu.memory_space<smem>>
    %exp3A = math.exp %get3A_22 : f32
    %get3A_23 = arith.constant 0 : index
    %get3A_24 = memref.load %arg2[%get3A_23] : memref<1xf32, #tpu.memory_space<smem>>
    %logistic3A = arith.negf %get3A_24 : f32
    %logistic3A_25 = math.exp %logistic3A : f32
    %logistic3A_26 = arith.constant 1.000000e+00 : f32
    %logistic3A_27 = arith.addf %logistic3A_26, %logistic3A_25 : f32
    %logistic3A_28 = arith.divf %logistic3A_26, %logistic3A_27 : f32
    %neg3A = arith.constant 0.000000e+00 : f32
    %neg3A_29 = arith.subf %neg3A, %exp3A : f32
    %mul3A_30 = vector.broadcast %neg3A_29 : f32 to vector<1024x1xf32>
    %mul3A_31 = arith.mulf %mul3A_30, %min3A_20 : vector<1024x1xf32>
    %exp3A_32 = math.exp %mul3A_31 : vector<1024x1xf32>
    %sub3A_33 = arith.constant 1.000000e+00 : f32
    %sub3A_34 = vector.broadcast %sub3A_33 : f32 to vector<1024x1xf32>
    %sub3A_35 = arith.subf %sub3A_34, %exp3A_32 : vector<1024x1xf32>
    %sub3A_36 = arith.constant 1.000000e+00 : f32
    %sub3A_37 = arith.subf %sub3A_36, %logistic3A_28 : f32
    %mul3A_38 = vector.broadcast %logistic3A_28 : f32 to vector<1024x1xf32>
    %mul3A_39 = arith.mulf %mul3A_38, %sub3A_35 : vector<1024x1xf32>
    %add3A = vector.broadcast %sub3A_37 : f32 to vector<1024x1xf32>
    %add3A_40 = arith.addf %add3A, %mul3A_39 : vector<1024x1xf32>
    %jit3A_41 = arith.constant 1.000000e-01 : f32
    %jit3A_42 = arith.constant 1.000000e+01 : f32
    %max3A_43 = vector.broadcast %jit3A_41 : f32 to vector<1024x1xf32>
    %max3A_44 = arith.maximumf %max3A_43, %add3A_40 : vector<1024x1xf32>
    %min3A_45 = vector.broadcast %jit3A_42 : f32 to vector<1024x1xf32>
    %min3A_46 = arith.minimumf %min3A_45, %max3A_44 : vector<1024x1xf32>
    %mul3A_47 = vector.broadcast %min3A_46 : vector<1024x1xf32> to vector<1024x768xf32>
    %mul3A_48 = arith.mulf %get3A_3, %mul3A_47 : vector<1024x768xf32>
    %mul3A_49 = arith.constant 5.000000e-01 : f32
    %mul3A_50 = vector.broadcast %mul3A_49 : f32 to vector<1024x768xf32>
    %mul3A_51 = arith.mulf %mul3A_50, %mul3A_48 : vector<1024x768xf32>
    %mul3A_52 = arith.constant 4.471500e-02 : f32
    %mul3A_53 = vector.broadcast %mul3A_52 : f32 to vector<1024x768xf32>
    %mul3A_54 = arith.mulf %mul3A_53, %mul3A_48 : vector<1024x768xf32>
    %mul3A_55 = arith.mulf %mul3A_54, %mul3A_48 : vector<1024x768xf32>
    %mul3A_56 = arith.mulf %mul3A_55, %mul3A_48 : vector<1024x768xf32>
    %add3A_57 = arith.addf %mul3A_48, %mul3A_56 : vector<1024x768xf32>
    %mul3A_58 = arith.constant 0.797884583 : f32
    %mul3A_59 = vector.broadcast %mul3A_58 : f32 to vector<1024x768xf32>
    %mul3A_60 = arith.mulf %mul3A_59, %add3A_57 : vector<1024x768xf32>
    %tanh3A = math.tanh %mul3A_60 : vector<1024x768xf32>
    %add3A_61 = arith.constant 1.000000e+00 : f32
    %add3A_62 = vector.broadcast %add3A_61 : f32 to vector<1024x768xf32>
    %add3A_63 = arith.addf %add3A_62, %tanh3A : vector<1024x768xf32>
    %mul3A_64 = arith.mulf %mul3A_51, %add3A_63 : vector<1024x768xf32>
    %swap3A = arith.constant 0 : index
    %swap3A_65 = arith.constant 0 : index
    %swap3A_66 = vector.load %arg8[%swap3A, %swap3A_65] : memref<1024x768xf32, #tpu.memory_space<vmem>>, vector<1024x768xf32>
    tpu.vector_store %arg8[%swap3A, %swap3A_65], %mul3A_64 {strides = array<i32>} : memref<1024x768xf32, #tpu.memory_space<vmem>>, vector<1024x768xf32>,
    return
  }
  func.func @transform_0(%arg0: i32) -> i32 {
    %c0_i32 = arith.constant 0 : i32
    %c0_i32_0 = arith.constant 0 : i32
    return %c0_i32 : i32
  }
  func.func @transform_1(%arg0: i32) -> i32 {
    %c0_i32 = arith.constant 0 : i32
    %c0_i32_0 = arith.constant 0 : i32
    return %c0_i32 : i32
  }
  func.func @transform_2(%arg0: i32) -> (i32, i32) {
    %c0_i32 = arith.constant 0 : i32
    %c0_i32_0 = arith.constant 0 : i32
    %c0_i32_1 = arith.constant 0 : i32
    return %c0_i32, %c0_i32_0 : i32, i32
  }
  func.func @transform_3(%arg0: i32) -> (i32, i32) {
    %c0_i32 = arith.constant 0 : i32
    %c0_i32_0 = arith.constant 0 : i32
    %c0_i32_1 = arith.constant 0 : i32
    return %c0_i32, %c0_i32_0 : i32, i32
  }
  func.func @transform_4(%arg0: i32) -> (i32, i32) {
    %c0_i32 = arith.constant 0 : i32
    %c0_i32_0 = arith.constant 0 : i32
    %c0_i32_1 = arith.constant 0 : i32
    return %c0_i32, %c0_i32_0 : i32, i32
  }
  func.func @transform_5(%arg0: i32) -> (i32, i32) {
    %c0_i32 = arith.constant 0 : i32
    %c0_i32_0 = arith.constant 0 : i32
    %c0_i32_1 = arith.constant 0 : i32
    return %c0_i32, %c0_i32_0 : i32, i32
  }
  func.func @transform_6(%arg0: i32) -> (i32, i32) {
    %c0_i32 = arith.constant 0 : i32
    %c0_i32_0 = arith.constant 0 : i32
    return %arg0, %c0_i32 : i32, i32
  }
  func.func @transform_7(%arg0: i32) -> (i32, i32) {
    %c0_i32 = arith.constant 0 : i32
    %c0_i32_0 = arith.constant 0 : i32
    return %arg0, %c0_i32 : i32, i32
  }
}

</mosaic_0001>

<sc_bundles>
// kernel: kernel.5.cloned.1.call-start
scs
__scs_entry_jumppad:
0x0: {  	(pc) =	sbr.rel $0x88, $3  }
0x1: {  	(tag) =	ssettag $0x0;
	lr =	simm.s32 $0x1  }
0x2: {  	[smem:$0x3F9D] =	sst lr;
	_ =	strace $0xD0000000  }
0x3: {  	_ = 	snop  }
0x4: {  	_ = 	snop  }
0x5: {  	_ = 	snop  }
0x6: {  	_ = 	snop  }
0x7: {  	_ = 	snop  }
__scs_overlays_trampoline_lowered:
0x8: {  	[smem:$0x3FAC] =	sst s0  }
0x9: {  	[smem:$0x3FAD] =	sst s1  }
0xa: {  	[smem:$0x3FAE] =	sst s2  }
0xb: {  	[smem:$0x3FAF] =	sst s3  }
0xc: {  	[smem:$0x3FB0] =	sst s4  }
0xd: {  	[smem:$0x3FB1] =	sst s5  }
0xe: {  	[smem:$0x3FB2] =	sst s6  }
0xf: {  	[smem:$0x3FB3] =	sst s7  }
0x10: {  	[smem:$0x3FB4] =	sst s8  }
0x11: {  	[smem:$0x3FB5] =	sst s9;
	s0 =	simm.s32 @!p0 $0x0  }
0x12: {  	s1 =	sld [smem:$0x3F9B];
	s0 =	simm.s32 @p0 $0x1  }
0x13: {  	[smem:$0x3FB6] =	sst s0;
	s0 =	simm.s32 @!p1 $0x0  }
0x14: {  	s2 =	sld [smem:$0x3F9A];
	s0 =	simm.s32 @p1 $0x1  }
0x15: {  	[smem:$0x3FB7] =	sst s0;
	s0 =	simm.s32 @!p2 $0x0  }
0x16: {  	s3 =	sld [smem:$0x3FDB];
	s0 =	simm.s32 @p2 $0x1  }
0x17: {  	s4 =	simm.s32 $0x1BF5;
	[smem:$0x3FB9] =	sst s0  }
0x18: {  	s0 =	sld [smem:$0x3F9C];
	_ =	swait.ge [sflag:s4], $0x0  }
0x19: {  	s7 =	sld [smem:$0x3F9D]  }
0x1a: {  	s8 =	sadd.s32 $0xFFFFE003, lr  }
0x1b: {  	s9 =	sadd.s32 $0xFFFFFEF7, lr;
	s5 =	simm.s32 $0xFFFFFFFF;
	p2 =	slt.u32 s8, $0xFFFFF086  }
0x1c: {  	p1 =	slt.u32 s9, $0xF7A;
	s5 =	simm.s32 @!p2 $0x0  }
0x1d: {  	s5 =	simm.s32 @p1 $0x1;
	p0 =	seq.s32 s7, s2  }
0x1e: {  	s7 =	smul.u32 @!p0 $0xF7A, s2;
	p2 =	seq.s32 @!p0 s5, $0x0  }
0x1f: {  	s9 =	smul.u32 $0xF7A, s1;
	s8 =	simm.s32 @!p0 $0x1BF5;
	p2 =	por !p2, p0  }
0x20: {  	[sflag:s8] =	ssyncset.s32 @!p0 $0xFFFFF086;
	s6 =	sadd.s32 @!p0 s3, s7;
	s7 =	simm.s32 @!p0 $0x108  }
0x21: {  	s3 =	sadd.s32 s3, s9;
	s6 =	sadd.s32 @!p0 $0x88, s6;
	s7 =	simm.s32 @p2 $0x1082  }
0x22: {  	[simem:s7], [sflag:s8] =	dma.local @!p0 [hbm:s6], $0xF7A  }
0x23: {  	s9 =	sor.u32 $0xD0000000, s2;
	s6 =	simm.s32 $0x108;
	_ =	swait.ge @!p0 [sflag:s8], $0x0  }
0x24: {  	s3 =	sadd.s32 $0x88, s3;
	s6 =	simm.s32 @!p1 $0x1082;
	[sflag:s4] =	ssyncset.s32 $0xFFFFF086  }
0x25: {  	[simem:s6], [sflag:s4] =	dma.local [hbm:s3], $0xF7A  }
0x26: {  	[smem:$0x3F9D] =	sst s1;
	(tag) =	ssettag s2;
	_ =	strace s9  }
0x27: {  	s1 =	sld [smem:$0x3FAD]  }
0x28: {  	s2 =	sld [smem:$0x3FAE]  }
0x29: {  	s4 =	sld [smem:$0x3FB0]  }
0x2a: {  	p0 =	seq.s32 s5, $0x0;
	s5 =	sld [smem:$0x3FB1]  }
0x2b: {  	s6 =	sld [smem:$0x3FB2]  }
0x2c: {  	s7 =	sld [smem:$0x3FB3]  }
0x2d: {  	s3 =	simm.s32 $0x108;
	s8 =	sld [smem:$0x3FB4]  }
0x2e: {  	s3 =	simm.s32 @!p0 $0x1082;
	s9 =	sld [smem:$0x3FB5]  }
0x2f: {  	lr =	sadd.s32 s0, s3;
	s0 =	sld [smem:$0x3FAC]  }
0x30: {  	s3 =	sld [smem:$0x3FAF]  }
0x31: {  	[smem:$0x3FB8] =	sst s10  }
0x32: {  	s10 =	sld [smem:$0x3FB6];
	_ =	sdelay $0x3  }
0x33: {  	p0 =	seq.s32 s10, $0x1;
	s10 =	sld [smem:$0x3FB8];
	_ =	sdelay $0x3  }
0x34: {  	[smem:$0x3FB8] =	sst s10  }
0x35: {  	s10 =	sld [smem:$0x3FB7];
	_ =	sdelay $0x3  }
0x36: {  	p1 =	seq.s32 s10, $0x1;
	s10 =	sld [smem:$0x3FB8];
	_ =	sdelay $0x3  }
0x37: {  	[smem:$0x3FB8] =	sst s10  }
0x38: {  	s10 =	sld [smem:$0x3FB9]  }
0x39: {  	_ = 	snop;
	(pc) =	sbr.ind lr, $3  }
0x3a: {  	_ = 	snop  }
0x3b: {  	_ = 	snop  }
0x3c: {  	p2 =	seq.s32 s10, $0x1;
	s10 =	sld [smem:$0x3FB8]  }
0x3d: {  	_ =	shalt  }
0x3e: {  	_ =	shalt  }
0x3f: {  	_ =	shalt  }
0x40: {  	_ =	shalt  }
0x41: {  	_ =	shalt  }
0x42: {  	_ =	shalt  }
0x43: {  	_ =	shalt  }
0x44: {  	_ =	shalt  }
0x45: {  	_ =	shalt  }
0x46: {  	_ =	shalt  }
0x47: {  	_ =	shalt  }
0x48: {  	_ =	shalt  }
0x49: {  	_ =	shalt  }
0x4a: {  	_ =	shalt  }
0x4b: {  	_ =	shalt  }
0x4c: {  	_ =	shalt  }
0x4d: {  	_ =	shalt  }
0x4e: {  	_ =	shalt  }
0x4f: {  	_ =	shalt  }
0x50: {  	_ =	shalt  }
0x51: {  	_ =	shalt  }
0x52: {  	_ =	shalt  }
0x53: {  	_ =	shalt  }
0x54: {  	_ =	shalt  }
0x55: {  	_ =	shalt  }
0x56: {  	_ =	shalt  }
0x57: {  	_ =	shalt  }
0x58: {  	_ =	shalt  }
0x59: {  	_ =	shalt  }
0x5a: {  	_ =	shalt  }
0x5b: {  	_ =	shalt  }
0x5c: {  	_ =	shalt  }
0x5d: {  	_ =	shalt  }
0x5e: {  	_ =	shalt  }
0x5f: {  	_ =	shalt  }
0x60: {  	_ =	shalt  }
0x61: {  	_ =	shalt  }
0x62: {  	_ =	shalt  }
0x63: {  	_ =	shalt  }
0x64: {  	_ =	shalt  }
0x65: {  	_ =	shalt  }
0x66: {  	_ =	shalt  }
0x67: {  	_ =	shalt  }
0x68: {  	_ =	shalt  }
0x69: {  	_ =	shalt  }
0x6a: {  	_ =	shalt  }
0x6b: {  	_ =	shalt  }
0x6c: {  	_ =	shalt  }
0x6d: {  	_ =	shalt  }
0x6e: {  	_ =	shalt  }
0x6f: {  	_ =	shalt  }
0x70: {  	_ =	shalt  }
0x71: {  	_ =	shalt  }
0x72: {  	_ =	shalt  }
0x73: {  	_ =	shalt  }
0x74: {  	_ =	shalt  }
0x75: {  	_ =	shalt  }
0x76: {  	_ =	shalt  }
0x77: {  	_ =	shalt  }
0x78: {  	_ =	shalt  }
0x79: {  	_ =	shalt  }
0x7a: {  	_ =	shalt  }
0x7b: {  	_ =	shalt  }
0x7c: {  	_ =	shalt  }
0x7d: {  	_ =	shalt  }
0x7e: {  	_ =	shalt  }
0x7f: {  	_ =	shalt  }
0x80: {  	_ =	shalt  }
0x81: {  	_ =	shalt  }
0x82: {  	_ =	shalt  }
0x83: {  	_ =	shalt  }
0x84: {  	_ =	shalt  }
0x85: {  	_ =	shalt  }
0x86: {  	_ =	shalt  }
0x87: {  	_ =	shalt  }
.Lfunc_end0:
.L_simem_size_0:
called_computation_lowered:
.L_overlay_start_0:
0x88: {  	s0 =	sld [smem:$0x3FD9]  }
0x89: {  	s1 =	sld [smem:$0x3FFE];
	_ =	sdelay $0x3  }
0x8a: {  	s0 =	sadd.s32 s1, s0  }
0x8b: {  	[smem:$0x3FC4] =	sst s0  }
0x8c: {  	_ = 	snop  }
0x8d: {  	s0 =	sld [smem:$0x3FD0];
	(tm) =	ssettm $0x1  }
0x8e: {  	s16 =	sld [smem:$0x3FFB];
	_ =	sdelay $0x3  }
0x8f: {  	_ =	strace s16  }
0x90: {  	s1 =	sld [smem:$0x3FFC];
	_ =	sdelay $0x3  }
0x91: {  	_ =	strace s1  }
0x92: {  	s1 =	sld [smem:$0x3FFD];
	_ =	sdelay $0x3  }
0x93: {  	_ =	strace s1  }
0x94: {  	_ =	strace $0x8FFFFFFF  }
0x95: {  	s17 =	sld [smem:$0x3FDB];
	_ =	sdelay $0x1  }
0x96: {  	s2 =	simm.s32 $_scs_section_size  }
0x97: {  	s3 =	simm.s32 $_size__tile_overlayer_lowered;
	s4 =	simm.s32 $_tile_overlayer_lowered  }
0x98: {  	s20 =	simm.s32 $0x1BFF;
	s19 =	sshll.u32 s4, $0x1;
	s1 =	sadd.s32 s2, s17  }
0x99: {  	s5 =	simm.s32 $0x0;
	s18 =	sshll.u32 s3, $0x1;
	s3 =	sadd.s32 s19, s1  }
0x9a: {  	[timem:s5], [sflag:s20] =	dma.local [hbm:s3], s18  }
0x9b: {  	_ =	swait.ge [sflag:s20], s18  }
0x9c: {  	s2 =	ssub.s32 $0x0, s18;
	[sflag:s20] =	ssyncset.done $0x0  }
0x9d: {  	[sflag:s20] =	ssyncadd.s32 s2;
	_ =	sdelay $0x1  }
0x9e: {  	s21 =	simm.s32 $0x1B8B  }
0x9f: {  	_ =	swait.ge [sflag:s21], $0x1  }
0xa0: {  	[sflag:s21] =	ssyncset.done $0x0  }
0xa1: {  	s23 =	simm.s32 $0x1B8E;
	s22 =	sld [smem:$0x3FFE];
	[sflag:s21] =	ssyncadd.s32 $0xFFFFFFFF  }
0xa2: {  	s24 =	simm.s32 $execute0_lowered;
	[smem:$0x3FD2] =	sst s23  }
0xa3: {  	s3 =	sshll.u32 s24, $0x1;
	_ =	strace $0x80000046;
	[dreg:$0x1] =	wrdreg $0xFFFFFFFF  }
0xa4: {  	s25 =	simm.s32 $_size_execute0_lowered;
	s1 =	sadd.s32 s1, s3;
	[dreg:$0x0] =	wrdreg $0x0  }
0xa5: {  	s3 =	sshll.u32 s25, $0x1;
	[dreg:$0x2] =	wrdreg s1  }
0xa6: {  	[dreg:$0x3] =	wrdreg s3  }
0xa7: {  	[dreg:$0x4] =	wrdreg $0xC0  }
0xa8: {  	_ =	task [dreg:s5], $0x5FFFF  }
0xa9: {  	[dreg:$0x1] =	wrdreg $0xFFFFFFFF  }
0xaa: {  	[dreg:$0x0] =	wrdreg $0x60  }
0xab: {  	[dreg:$0x2] =	wrdreg s22  }
0xac: {  	[dreg:$0x3] =	wrdreg s0  }
0xad: {  	[dreg:$0x4] =	wrdreg $0x9  }
0xae: {  	_ =	task.clear_ibuf [dreg:s5], $0x5FFFF;
	_ =	strace $0x90000046  }
0xaf: {  	s26 =	simm.s32 $0x9;
	_ =	strace $0x80000048  }
0xb0: {  	_ =	swait.ge [sflag:s26], $0x1  }
0xb1: {  	[sflag:s26] =	ssyncadd.s32 $0xFFFFFFFF  }
0xb2: {  	_ =	strace $0x90000048  }
0xb3: {  	_ =	sfence  }
0xb4: {  	s28 =	sld [smem:$0x0];
	_ =	sdelay $0x1  }
0xb5: {  	s29 =	srdreg.scid  }
0xb6: {  	s30 =	sshll.u32 s29, $0xD;
	s31 =	sshrl.u32 s29, $0x2  }
0xb7: {  	s2 =	sand.u32 $0x4000, s30;
	s1 =	sand.u32 $0x1, s29;
	s0 =	sadd.s32 s31, s28  }
0xb8: {  	s1 =	sor.u32 s2, s1;
	s0 =	sshll.u32 s0, $0x11  }
0xb9: {  	s0 =	sor.u32 s0, s1  }
0xba: {  	s0 =	sadd.s32 $0x8F2B, s0  }
0xbb: {  	[sflag:s0] =	ssyncadd.remote.s32 $0x1  }
0xbc: {  	_ =	sfence.sel $0xFFFF  }
0xbd: {  	[dreg:$0x0] =	wrdreg $0xFFFFFFFF;
	(pc) =	sbr.abs _section_cstart, $3  }
0xbe: {  	[dreg:$0x1] =	wrdreg $0xFFFFFFFF  }
0xbf: {  	_ =	task.clear_ibuf [dreg:s5], $0x2FFFF;
	_ =	strace $0x9FFFFFFF  }
0xc0: {  	(tm) =	ssettm $0x7FFFFFFF  }
0xc1: {  	_ =	shalt  }
tec
execute0_lowered:
.L_overlay_start_1:
0x0: {  	(tag) =	ssettag $0x1  }
0x1: {  	s4 =	rddreg [dreg:$0x0]  }
0x2: {  	s2 =	rddreg [dreg:$0x1];
	s1 =	stileid.u32  }
0x3: {  	s0 =	rddreg [dreg:$0x2];
	s3 =	simm.s32 $0x0;
	s5 =	sshll.u32 s1, $0x5  }
0x4: {  	[smem:$0x7FF] =	sst s3;
	s4 =	sadd.s32 s5, s4  }
0x5: {  	s30 =	simm.s32 $0x1;
	_ =	strace $0x80000047;
	s4 =	sadd.s32 $0xC00, s4  }
0x6: {  	[tilespmem:s3], [sflag:$0x1] =	stream.linear.gather [hbm4b:s4+s3], $0x100, $0x38;
	[tilespmem:$0x2100] =	vst v63  }
0x7: {  	_ =	swait.ge [sflag:s30], $0x100  }
0x8: {  	[sflag:s30] =	ssyncset.done $0x0  }
0x9: {  	v0 =	vimm.f32 $0.0e+00;
	[sflag:s30] =	ssyncadd.s32 $0xFFFFFF00  }
0xa: {  	[tilespmem:$0x100] =	vst v0  }
0xb: {  	[tilespmem:$0x110] =	vst v0  }
0xc: {  	[tilespmem:$0x120] =	vst v0  }
0xd: {  	[tilespmem:$0x130] =	vst v0  }
0xe: {  	[tilespmem:$0x140] =	vst v0  }
0xf: {  	[tilespmem:$0x150] =	vst v0  }
0x10: {  	[tilespmem:$0x160] =	vst v0  }
0x11: {  	[tilespmem:$0x170] =	vst v0  }
0x12: {  	[tilespmem:$0x500] =	vst v0  }
0x13: {  	[tilespmem:$0x510] =	vst v0  }
0x14: {  	[tilespmem:$0x520] =	vst v0  }
0x15: {  	[tilespmem:$0x530] =	vst v0  }
0x16: {  	[tilespmem:$0x540] =	vst v0  }
0x17: {  	[tilespmem:$0x550] =	vst v0  }
0x18: {  	[tilespmem:$0x560] =	vst v0  }
0x19: {  	[tilespmem:$0x570] =	vst v0  }
0x1a: {  	[tilespmem:$0x900] =	vst v0  }
0x1b: {  	[tilespmem:$0x910] =	vst v0  }
0x1c: {  	[tilespmem:$0x920] =	vst v0  }
0x1d: {  	[tilespmem:$0x930] =	vst v0  }
0x1e: {  	[tilespmem:$0x940] =	vst v0  }
0x1f: {  	[tilespmem:$0x950] =	vst v0  }
0x20: {  	[tilespmem:$0x960] =	vst v0  }
0x21: {  	[tilespmem:$0x970] =	vst v0  }
0x22: {  	[tilespmem:$0xD00] =	vst v0  }
0x23: {  	[tilespmem:$0xD10] =	vst v0  }
0x24: {  	[tilespmem:$0xD20] =	vst v0  }
0x25: {  	[tilespmem:$0xD30] =	vst v0  }
0x26: {  	[tilespmem:$0xD40] =	vst v0  }
0x27: {  	[tilespmem:$0xD50] =	vst v0  }
0x28: {  	[tilespmem:$0xD60] =	vst v0  }
0x29: {  	[tilespmem:$0xD70] =	vst v0  }
0x2a: {  	[tilespmem:$0x180] =	vst v0  }
0x2b: {  	[tilespmem:$0x190] =	vst v0  }
0x2c: {  	[tilespmem:$0x1A0] =	vst v0  }
0x2d: {  	[tilespmem:$0x1B0] =	vst v0  }
0x2e: {  	[tilespmem:$0x1C0] =	vst v0  }
0x2f: {  	[tilespmem:$0x1D0] =	vst v0  }
0x30: {  	[tilespmem:$0x1E0] =	vst v0  }
0x31: {  	[tilespmem:$0x1F0] =	vst v0  }
0x32: {  	[tilespmem:$0x580] =	vst v0  }
0x33: {  	[tilespmem:$0x590] =	vst v0  }
0x34: {  	[tilespmem:$0x5A0] =	vst v0  }
0x35: {  	[tilespmem:$0x5B0] =	vst v0  }
0x36: {  	[tilespmem:$0x5C0] =	vst v0  }
0x37: {  	[tilespmem:$0x5D0] =	vst v0  }
0x38: {  	[tilespmem:$0x5E0] =	vst v0  }
0x39: {  	[tilespmem:$0x5F0] =	vst v0  }
0x3a: {  	[tilespmem:$0x980] =	vst v0  }
0x3b: {  	[tilespmem:$0x990] =	vst v0  }
0x3c: {  	[tilespmem:$0x9A0] =	vst v0  }
0x3d: {  	[tilespmem:$0x9B0] =	vst v0  }
0x3e: {  	[tilespmem:$0x9C0] =	vst v0  }
0x3f: {  	[tilespmem:$0x9D0] =	vst v0  }
0x40: {  	[tilespmem:$0x9E0] =	vst v0  }
0x41: {  	[tilespmem:$0x9F0] =	vst v0  }
0x42: {  	[tilespmem:$0xD80] =	vst v0  }
0x43: {  	[tilespmem:$0xD90] =	vst v0  }
0x44: {  	[tilespmem:$0xDA0] =	vst v0  }
0x45: {  	[tilespmem:$0xDB0] =	vst v0  }
0x46: {  	[tilespmem:$0xDC0] =	vst v0  }
0x47: {  	[tilespmem:$0xDD0] =	vst v0  }
0x48: {  	[tilespmem:$0xDE0] =	vst v0  }
0x49: {  	[tilespmem:$0xDF0] =	vst v0  }
0x4a: {  	[tilespmem:$0x200] =	vst v0  }
0x4b: {  	[tilespmem:$0x210] =	vst v0  }
0x4c: {  	[tilespmem:$0x220] =	vst v0  }
0x4d: {  	[tilespmem:$0x230] =	vst v0  }
0x4e: {  	[tilespmem:$0x240] =	vst v0  }
0x4f: {  	[tilespmem:$0x250] =	vst v0  }
0x50: {  	[tilespmem:$0x260] =	vst v0  }
0x51: {  	[tilespmem:$0x270] =	vst v0  }
0x52: {  	[tilespmem:$0x600] =	vst v0  }
0x53: {  	[tilespmem:$0x610] =	vst v0  }
0x54: {  	[tilespmem:$0x620] =	vst v0  }
0x55: {  	[tilespmem:$0x630] =	vst v0  }
0x56: {  	[tilespmem:$0x640] =	vst v0  }
0x57: {  	[tilespmem:$0x650] =	vst v0  }
0x58: {  	[tilespmem:$0x660] =	vst v0  }
0x59: {  	[tilespmem:$0x670] =	vst v0  }
0x5a: {  	[tilespmem:$0xA00] =	vst v0  }
0x5b: {  	[tilespmem:$0xA10] =	vst v0  }
0x5c: {  	[tilespmem:$0xA20] =	vst v0  }
0x5d: {  	[tilespmem:$0xA30] =	vst v0  }
0x5e: {  	[tilespmem:$0xA40] =	vst v0  }
0x5f: {  	[tilespmem:$0xA50] =	vst v0  }
0x60: {  	[tilespmem:$0xA60] =	vst v0  }
0x61: {  	[tilespmem:$0xA70] =	vst v0  }
0x62: {  	[tilespmem:$0xE00] =	vst v0  }
0x63: {  	[tilespmem:$0xE10] =	vst v0  }
0x64: {  	[tilespmem:$0xE20] =	vst v0  }
0x65: {  	[tilespmem:$0xE30] =	vst v0  }
0x66: {  	[tilespmem:$0xE40] =	vst v0  }
0x67: {  	[tilespmem:$0xE50] =	vst v0  }
0x68: {  	[tilespmem:$0xE60] =	vst v0  }
0x69: {  	[tilespmem:$0xE70] =	vst v0  }
0x6a: {  	[tilespmem:$0x280] =	vst v0  }
0x6b: {  	[tilespmem:$0x290] =	vst v0  }
0x6c: {  	[tilespmem:$0x2A0] =	vst v0  }
0x6d: {  	[tilespmem:$0x2B0] =	vst v0  }
0x6e: {  	[tilespmem:$0x2C0] =	vst v0  }
0x6f: {  	[tilespmem:$0x2D0] =	vst v0  }
0x70: {  	[tilespmem:$0x2E0] =	vst v0  }
0x71: {  	[tilespmem:$0x2F0] =	vst v0  }
0x72: {  	[tilespmem:$0x680] =	vst v0  }
0x73: {  	[tilespmem:$0x690] =	vst v0  }
0x74: {  	[tilespmem:$0x6A0] =	vst v0  }
0x75: {  	[tilespmem:$0x6B0] =	vst v0  }
0x76: {  	[tilespmem:$0x6C0] =	vst v0  }
0x77: {  	[tilespmem:$0x6D0] =	vst v0  }
0x78: {  	[tilespmem:$0x6E0] =	vst v0  }
0x79: {  	[tilespmem:$0x6F0] =	vst v0  }
0x7a: {  	[tilespmem:$0xA80] =	vst v0  }
0x7b: {  	[tilespmem:$0xA90] =	vst v0  }
0x7c: {  	[tilespmem:$0xAA0] =	vst v0  }
0x7d: {  	[tilespmem:$0xAB0] =	vst v0  }
0x7e: {  	[tilespmem:$0xAC0] =	vst v0  }
0x7f: {  	[tilespmem:$0xAD0] =	vst v0  }
0x80: {  	[tilespmem:$0xAE0] =	vst v0  }
0x81: {  	[tilespmem:$0xAF0] =	vst v0  }
0x82: {  	[tilespmem:$0xE80] =	vst v0  }
0x83: {  	[tilespmem:$0xE90] =	vst v0  }
0x84: {  	[tilespmem:$0xEA0] =	vst v0  }
0x85: {  	[tilespmem:$0xEB0] =	vst v0  }
0x86: {  	[tilespmem:$0xEC0] =	vst v0  }
0x87: {  	[tilespmem:$0xED0] =	vst v0  }
0x88: {  	[tilespmem:$0xEE0] =	vst v0  }
0x89: {  	[tilespmem:$0xEF0] =	vst v0  }
0x8a: {  	[tilespmem:$0x300] =	vst v0  }
0x8b: {  	[tilespmem:$0x310] =	vst v0  }
0x8c: {  	[tilespmem:$0x320] =	vst v0  }
0x8d: {  	[tilespmem:$0x330] =	vst v0  }
0x8e: {  	[tilespmem:$0x340] =	vst v0  }
0x8f: {  	[tilespmem:$0x350] =	vst v0  }
0x90: {  	[tilespmem:$0x360] =	vst v0  }
0x91: {  	[tilespmem:$0x370] =	vst v0  }
0x92: {  	[tilespmem:$0x700] =	vst v0  }
0x93: {  	[tilespmem:$0x710] =	vst v0  }
0x94: {  	[tilespmem:$0x720] =	vst v0  }
0x95: {  	[tilespmem:$0x730] =	vst v0  }
0x96: {  	[tilespmem:$0x740] =	vst v0  }
0x97: {  	[tilespmem:$0x750] =	vst v0  }
0x98: {  	[tilespmem:$0x760] =	vst v0  }
0x99: {  	[tilespmem:$0x770] =	vst v0  }
0x9a: {  	[tilespmem:$0xB00] =	vst v0  }
0x9b: {  	[tilespmem:$0xB10] =	vst v0  }
0x9c: {  	[tilespmem:$0xB20] =	vst v0  }
0x9d: {  	[tilespmem:$0xB30] =	vst v0  }
0x9e: {  	[tilespmem:$0xB40] =	vst v0  }
0x9f: {  	[tilespmem:$0xB50] =	vst v0  }
0xa0: {  	[tilespmem:$0xB60] =	vst v0  }
0xa1: {  	[tilespmem:$0xB70] =	vst v0  }
0xa2: {  	[tilespmem:$0xF00] =	vst v0  }
0xa3: {  	[tilespmem:$0xF10] =	vst v0  }
0xa4: {  	[tilespmem:$0xF20] =	vst v0  }
0xa5: {  	[tilespmem:$0xF30] =	vst v0  }
0xa6: {  	[tilespmem:$0xF40] =	vst v0  }
0xa7: {  	[tilespmem:$0xF50] =	vst v0  }
0xa8: {  	[tilespmem:$0xF60] =	vst v0  }
0xa9: {  	[tilespmem:$0xF70] =	vst v0  }
0xaa: {  	[tilespmem:$0x380] =	vst v0  }
0xab: {  	[tilespmem:$0x390] =	vst v0  }
0xac: {  	[tilespmem:$0x3A0] =	vst v0  }
0xad: {  	[tilespmem:$0x3B0] =	vst v0  }
0xae: {  	[tilespmem:$0x3C0] =	vst v0  }
0xaf: {  	[tilespmem:$0x3D0] =	vst v0  }
0xb0: {  	[tilespmem:$0x3E0] =	vst v0  }
0xb1: {  	[tilespmem:$0x3F0] =	vst v0  }
0xb2: {  	[tilespmem:$0x780] =	vst v0  }
0xb3: {  	[tilespmem:$0x790] =	vst v0  }
0xb4: {  	[tilespmem:$0x7A0] =	vst v0  }
0xb5: {  	[tilespmem:$0x7B0] =	vst v0  }
0xb6: {  	[tilespmem:$0x7C0] =	vst v0  }
0xb7: {  	[tilespmem:$0x7D0] =	vst v0  }
0xb8: {  	[tilespmem:$0x7E0] =	vst v0  }
0xb9: {  	[tilespmem:$0x7F0] =	vst v0  }
0xba: {  	[tilespmem:$0xB80] =	vst v0  }
0xbb: {  	[tilespmem:$0xB90] =	vst v0  }
0xbc: {  	[tilespmem:$0xBA0] =	vst v0  }
0xbd: {  	[tilespmem:$0xBB0] =	vst v0  }
0xbe: {  	[tilespmem:$0xBC0] =	vst v0  }
0xbf: {  	[tilespmem:$0xBD0] =	vst v0  }
0xc0: {  	[tilespmem:$0xBE0] =	vst v0  }
0xc1: {  	[tilespmem:$0xBF0] =	vst v0  }
0xc2: {  	[tilespmem:$0xF80] =	vst v0  }
0xc3: {  	[tilespmem:$0xF90] =	vst v0  }
0xc4: {  	[tilespmem:$0xFA0] =	vst v0  }
0xc5: {  	[tilespmem:$0xFB0] =	vst v0  }
0xc6: {  	[tilespmem:$0xFC0] =	vst v0  }
0xc7: {  	[tilespmem:$0xFD0] =	vst v0  }
0xc8: {  	[tilespmem:$0xFE0] =	vst v0  }
0xc9: {  	[tilespmem:$0xFF0] =	vst v0  }
0xca: {  	[tilespmem:$0x400] =	vst v0  }
0xcb: {  	[tilespmem:$0x410] =	vst v0  }
0xcc: {  	[tilespmem:$0x420] =	vst v0  }
0xcd: {  	[tilespmem:$0x430] =	vst v0  }
0xce: {  	[tilespmem:$0x440] =	vst v0  }
0xcf: {  	[tilespmem:$0x450] =	vst v0  }
0xd0: {  	[tilespmem:$0x460] =	vst v0  }
0xd1: {  	[tilespmem:$0x470] =	vst v0  }
0xd2: {  	[tilespmem:$0x800] =	vst v0  }
0xd3: {  	[tilespmem:$0x810] =	vst v0  }
0xd4: {  	[tilespmem:$0x820] =	vst v0  }
0xd5: {  	[tilespmem:$0x830] =	vst v0  }
0xd6: {  	[tilespmem:$0x840] =	vst v0  }
0xd7: {  	[tilespmem:$0x850] =	vst v0  }
0xd8: {  	[tilespmem:$0x860] =	vst v0  }
0xd9: {  	[tilespmem:$0x870] =	vst v0  }
0xda: {  	[tilespmem:$0xC00] =	vst v0  }
0xdb: {  	[tilespmem:$0xC10] =	vst v0  }
0xdc: {  	[tilespmem:$0xC20] =	vst v0  }
0xdd: {  	[tilespmem:$0xC30] =	vst v0  }
0xde: {  	[tilespmem:$0xC40] =	vst v0  }
0xdf: {  	[tilespmem:$0xC50] =	vst v0  }
0xe0: {  	[tilespmem:$0xC60] =	vst v0  }
0xe1: {  	[tilespmem:$0xC70] =	vst v0  }
0xe2: {  	[tilespmem:$0x1000] =	vst v0  }
0xe3: {  	[tilespmem:$0x1010] =	vst v0  }
0xe4: {  	[tilespmem:$0x1020] =	vst v0  }
0xe5: {  	[tilespmem:$0x1030] =	vst v0  }
0xe6: {  	[tilespmem:$0x1040] =	vst v0  }
0xe7: {  	[tilespmem:$0x1050] =	vst v0  }
0xe8: {  	[tilespmem:$0x1060] =	vst v0  }
0xe9: {  	[tilespmem:$0x1070] =	vst v0  }
0xea: {  	[tilespmem:$0x480] =	vst v0  }
0xeb: {  	[tilespmem:$0x490] =	vst v0  }
0xec: {  	[tilespmem:$0x4A0] =	vst v0  }
0xed: {  	[tilespmem:$0x4B0] =	vst v0  }
0xee: {  	[tilespmem:$0x4C0] =	vst v0  }
0xef: {  	[tilespmem:$0x4D0] =	vst v0  }
0xf0: {  	[tilespmem:$0x4E0] =	vst v0  }
0xf1: {  	[tilespmem:$0x4F0] =	vst v0  }
0xf2: {  	[tilespmem:$0x880] =	vst v0  }
0xf3: {  	[tilespmem:$0x890] =	vst v0  }
0xf4: {  	[tilespmem:$0x8A0] =	vst v0  }
0xf5: {  	[tilespmem:$0x8B0] =	vst v0  }
0xf6: {  	[tilespmem:$0x8C0] =	vst v0  }
0xf7: {  	[tilespmem:$0x8D0] =	vst v0  }
0xf8: {  	[tilespmem:$0x8E0] =	vst v0  }
0xf9: {  	[tilespmem:$0x8F0] =	vst v0  }
0xfa: {  	[tilespmem:$0xC80] =	vst v0  }
0xfb: {  	[tilespmem:$0xC90] =	vst v0  }
0xfc: {  	[tilespmem:$0xCA0] =	vst v0  }
0xfd: {  	[tilespmem:$0xCB0] =	vst v0  }
0xfe: {  	[tilespmem:$0xCC0] =	vst v0  }
0xff: {  	[tilespmem:$0xCD0] =	vst v0  }
0x100: {  	[tilespmem:$0xCE0] =	vst v0  }
0x101: {  	[tilespmem:$0xCF0] =	vst v0  }
0x102: {  	[tilespmem:$0x1080] =	vst v0  }
0x103: {  	[tilespmem:$0x1090] =	vst v0  }
0x104: {  	[tilespmem:$0x10A0] =	vst v0  }
0x105: {  	[tilespmem:$0x10B0] =	vst v0  }
0x106: {  	[tilespmem:$0x10C0] =	vst v0  }
0x107: {  	[tilespmem:$0x10D0] =	vst v0  }
0x108: {  	[tilespmem:$0x10E0] =	vst v0  }
0x109: {  	[tilespmem:$0x10F0] =	vst v0  }
0x10a: {  	[tilespmem:$0x1100] =	vst v0  }
0x10b: {  	[tilespmem:$0x1110] =	vst v0  }
0x10c: {  	[tilespmem:$0x1120] =	vst v0  }
0x10d: {  	[tilespmem:$0x1130] =	vst v0  }
0x10e: {  	[tilespmem:$0x1140] =	vst v0  }
0x10f: {  	[tilespmem:$0x1150] =	vst v0  }
0x110: {  	[tilespmem:$0x1160] =	vst v0  }
0x111: {  	[tilespmem:$0x1170] =	vst v0  }
0x112: {  	[tilespmem:$0x1500] =	vst v0  }
0x113: {  	[tilespmem:$0x1510] =	vst v0  }
0x114: {  	[tilespmem:$0x1520] =	vst v0  }
0x115: {  	[tilespmem:$0x1530] =	vst v0  }
0x116: {  	[tilespmem:$0x1540] =	vst v0  }
0x117: {  	[tilespmem:$0x1550] =	vst v0  }
0x118: {  	[tilespmem:$0x1560] =	vst v0  }
0x119: {  	[tilespmem:$0x1570] =	vst v0  }
0x11a: {  	[tilespmem:$0x1900] =	vst v0  }
0x11b: {  	[tilespmem:$0x1910] =	vst v0  }
0x11c: {  	[tilespmem:$0x1920] =	vst v0  }
0x11d: {  	[tilespmem:$0x1930] =	vst v0  }
0x11e: {  	[tilespmem:$0x1940] =	vst v0  }
0x11f: {  	[tilespmem:$0x1950] =	vst v0  }
0x120: {  	[tilespmem:$0x1960] =	vst v0  }
0x121: {  	[tilespmem:$0x1970] =	vst v0  }
0x122: {  	[tilespmem:$0x1D00] =	vst v0  }
0x123: {  	[tilespmem:$0x1D10] =	vst v0  }
0x124: {  	[tilespmem:$0x1D20] =	vst v0  }
0x125: {  	[tilespmem:$0x1D30] =	vst v0  }
0x126: {  	[tilespmem:$0x1D40] =	vst v0  }
0x127: {  	[tilespmem:$0x1D50] =	vst v0  }
0x128: {  	[tilespmem:$0x1D60] =	vst v0  }
0x129: {  	[tilespmem:$0x1D70] =	vst v0  }
0x12a: {  	[tilespmem:$0x1180] =	vst v0  }
0x12b: {  	[tilespmem:$0x1190] =	vst v0  }
0x12c: {  	[tilespmem:$0x11A0] =	vst v0  }
0x12d: {  	[tilespmem:$0x11B0] =	vst v0  }
0x12e: {  	[tilespmem:$0x11C0] =	vst v0  }
0x12f: {  	[tilespmem:$0x11D0] =	vst v0  }
0x130: {  	[tilespmem:$0x11E0] =	vst v0  }
0x131: {  	[tilespmem:$0x11F0] =	vst v0  }
0x132: {  	[tilespmem:$0x1580] =	vst v0  }
0x133: {  	[tilespmem:$0x1590] =	vst v0  }
0x134: {  	[tilespmem:$0x15A0] =	vst v0  }
0x135: {  	[tilespmem:$0x15B0] =	vst v0  }
0x136: {  	[tilespmem:$0x15C0] =	vst v0  }
0x137: {  	[tilespmem:$0x15D0] =	vst v0  }
0x138: {  	[tilespmem:$0x15E0] =	vst v0  }
0x139: {  	[tilespmem:$0x1CE0] =	vst v0  }
0x13a: {  	[tilespmem:$0x1CA0] =	vst v0  }
0x13b: {  	[tilespmem:$0x18C0] =	vst v0  }
0x13c: {  	[tilespmem:$0x1990] =	vst v0  }
0x13d: {  	[tilespmem:$0x19B0] =	vst v0  }
0x13e: {  	[tilespmem:$0x19C0] =	vst v0  }
0x13f: {  	[tilespmem:$0x18B0] =	vst v0  }
0x140: {  	[tilespmem:$0x19E0] =	vst v0  }
0x141: {  	[tilespmem:$0x15F0] =	vst v0  }
0x142: {  	[tilespmem:$0x19D0] =	vst v0  }
0x143: {  	[tilespmem:$0x19F0] =	vst v0  }
0x144: {  	[tilespmem:$0x1D90] =	vst v0  }
0x145: {  	[tilespmem:$0x1DA0] =	vst v0  }
0x146: {  	[tilespmem:$0x1DB0] =	vst v0  }
0x147: {  	[tilespmem:$0x1DC0] =	vst v0  }
0x148: {  	[tilespmem:$0x1D80] =	vst v0  }
0x149: {  	[tilespmem:$0x1DF0] =	vst v0  }
0x14a: {  	[tilespmem:$0x1200] =	vst v0  }
0x14b: {  	[tilespmem:$0x1210] =	vst v0  }
0x14c: {  	[tilespmem:$0x1220] =	vst v0  }
0x14d: {  	[tilespmem:$0x1230] =	vst v0  }
0x14e: {  	[tilespmem:$0x1240] =	vst v0  }
0x14f: {  	[tilespmem:$0x1250] =	vst v0  }
0x150: {  	[tilespmem:$0x1260] =	vst v0  }
0x151: {  	[tilespmem:$0x1270] =	vst v0  }
0x152: {  	[tilespmem:$0x1600] =	vst v0  }
0x153: {  	[tilespmem:$0x1610] =	vst v0  }
0x154: {  	[tilespmem:$0x1620] =	vst v0  }
0x155: {  	[tilespmem:$0x1630] =	vst v0  }
0x156: {  	[tilespmem:$0x1640] =	vst v0  }
0x157: {  	[tilespmem:$0x1650] =	vst v0  }
0x158: {  	[tilespmem:$0x1660] =	vst v0  }
0x159: {  	[tilespmem:$0x1670] =	vst v0  }
0x15a: {  	[tilespmem:$0x1A00] =	vst v0  }
0x15b: {  	[tilespmem:$0x1A10] =	vst v0  }
0x15c: {  	[tilespmem:$0x1A20] =	vst v0  }
0x15d: {  	[tilespmem:$0x1A30] =	vst v0  }
0x15e: {  	[tilespmem:$0x1A40] =	vst v0  }
0x15f: {  	[tilespmem:$0x1A50] =	vst v0  }
0x160: {  	[tilespmem:$0x1A60] =	vst v0  }
0x161: {  	[tilespmem:$0x1A70] =	vst v0  }
0x162: {  	[tilespmem:$0x1E00] =	vst v0  }
0x163: {  	[tilespmem:$0x1E10] =	vst v0  }
0x164: {  	[tilespmem:$0x1E20] =	vst v0  }
0x165: {  	[tilespmem:$0x1E30] =	vst v0  }
0x166: {  	[tilespmem:$0x1E40] =	vst v0  }
0x167: {  	[tilespmem:$0x1E50] =	vst v0  }
0x168: {  	[tilespmem:$0x1E60] =	vst v0  }
0x169: {  	[tilespmem:$0x1E70] =	vst v0  }
0x16a: {  	[tilespmem:$0x1280] =	vst v0  }
0x16b: {  	[tilespmem:$0x1290] =	vst v0  }
0x16c: {  	[tilespmem:$0x12A0] =	vst v0  }
0x16d: {  	[tilespmem:$0x12B0] =	vst v0  }
0x16e: {  	[tilespmem:$0x12C0] =	vst v0  }
0x16f: {  	[tilespmem:$0x12D0] =	vst v0  }
0x170: {  	[tilespmem:$0x12E0] =	vst v0  }
0x171: {  	[tilespmem:$0x12F0] =	vst v0  }
0x172: {  	[tilespmem:$0x1680] =	vst v0  }
0x173: {  	[tilespmem:$0x1690] =	vst v0  }
0x174: {  	[tilespmem:$0x16A0] =	vst v0  }
0x175: {  	[tilespmem:$0x16B0] =	vst v0  }
0x176: {  	[tilespmem:$0x16C0] =	vst v0  }
0x177: {  	[tilespmem:$0x16D0] =	vst v0  }
0x178: {  	[tilespmem:$0x16E0] =	vst v0  }
0x179: {  	[tilespmem:$0x16F0] =	vst v0  }
0x17a: {  	[tilespmem:$0x1A80] =	vst v0  }
0x17b: {  	[tilespmem:$0x1A90] =	vst v0  }
0x17c: {  	[tilespmem:$0x1AA0] =	vst v0  }
0x17d: {  	[tilespmem:$0x1AB0] =	vst v0  }
0x17e: {  	[tilespmem:$0x1AC0] =	vst v0  }
0x17f: {  	[tilespmem:$0x1AD0] =	vst v0  }
0x180: {  	[tilespmem:$0x1AE0] =	vst v0  }
0x181: {  	[tilespmem:$0x1AF0] =	vst v0  }
0x182: {  	[tilespmem:$0x1E80] =	vst v0  }
0x183: {  	[tilespmem:$0x1E90] =	vst v0  }
0x184: {  	[tilespmem:$0x1EA0] =	vst v0  }
0x185: {  	[tilespmem:$0x1EB0] =	vst v0  }
0x186: {  	[tilespmem:$0x1EC0] =	vst v0  }
0x187: {  	[tilespmem:$0x1ED0] =	vst v0  }
0x188: {  	[tilespmem:$0x1EE0] =	vst v0  }
0x189: {  	[tilespmem:$0x1EF0] =	vst v0  }
0x18a: {  	[tilespmem:$0x1300] =	vst v0  }
0x18b: {  	[tilespmem:$0x1310] =	vst v0  }
0x18c: {  	[tilespmem:$0x1320] =	vst v0  }
0x18d: {  	[tilespmem:$0x1330] =	vst v0  }
0x18e: {  	[tilespmem:$0x1340] =	vst v0  }
0x18f: {  	[tilespmem:$0x1350] =	vst v0  }
0x190: {  	[tilespmem:$0x1360] =	vst v0  }
0x191: {  	[tilespmem:$0x1370] =	vst v0  }
0x192: {  	[tilespmem:$0x1700] =	vst v0  }
0x193: {  	[tilespmem:$0x1710] =	vst v0  }
0x194: {  	[tilespmem:$0x1720] =	vst v0  }
0x195: {  	[tilespmem:$0x1730] =	vst v0  }
0x196: {  	[tilespmem:$0x1740] =	vst v0  }
0x197: {  	[tilespmem:$0x1750] =	vst v0  }
0x198: {  	[tilespmem:$0x1760] =	vst v0  }
0x199: {  	[tilespmem:$0x1770] =	vst v0  }
0x19a: {  	[tilespmem:$0x1B00] =	vst v0  }
0x19b: {  	[tilespmem:$0x1B10] =	vst v0  }
0x19c: {  	[tilespmem:$0x1B20] =	vst v0  }
0x19d: {  	[tilespmem:$0x1B30] =	vst v0  }
0x19e: {  	[tilespmem:$0x1B40] =	vst v0  }
0x19f: {  	[tilespmem:$0x1B50] =	vst v0  }
0x1a0: {  	[tilespmem:$0x1B60] =	vst v0  }
0x1a1: {  	[tilespmem:$0x1B70] =	vst v0  }
0x1a2: {  	[tilespmem:$0x1F00] =	vst v0  }
0x1a3: {  	[tilespmem:$0x1F10] =	vst v0  }
0x1a4: {  	[tilespmem:$0x1F20] =	vst v0  }
0x1a5: {  	[tilespmem:$0x1F30] =	vst v0  }
0x1a6: {  	[tilespmem:$0x1F40] =	vst v0  }
0x1a7: {  	[tilespmem:$0x1F50] =	vst v0  }
0x1a8: {  	[tilespmem:$0x1F60] =	vst v0  }
0x1a9: {  	[tilespmem:$0x1F70] =	vst v0  }
0x1aa: {  	[tilespmem:$0x1380] =	vst v0  }
0x1ab: {  	[tilespmem:$0x1390] =	vst v0  }
0x1ac: {  	[tilespmem:$0x13A0] =	vst v0  }
0x1ad: {  	[tilespmem:$0x13B0] =	vst v0  }
0x1ae: {  	[tilespmem:$0x13C0] =	vst v0  }
0x1af: {  	[tilespmem:$0x13D0] =	vst v0  }
0x1b0: {  	[tilespmem:$0x13E0] =	vst v0  }
0x1b1: {  	[tilespmem:$0x13F0] =	vst v0  }
0x1b2: {  	[tilespmem:$0x1780] =	vst v0  }
0x1b3: {  	[tilespmem:$0x1790] =	vst v0  }
0x1b4: {  	[tilespmem:$0x17A0] =	vst v0  }
0x1b5: {  	[tilespmem:$0x17B0] =	vst v0  }
0x1b6: {  	[tilespmem:$0x17C0] =	vst v0  }
0x1b7: {  	[tilespmem:$0x17D0] =	vst v0  }
0x1b8: {  	[tilespmem:$0x17E0] =	vst v0  }
0x1b9: {  	[tilespmem:$0x17F0] =	vst v0  }
0x1ba: {  	[tilespmem:$0x1B80] =	vst v0  }
0x1bb: {  	[tilespmem:$0x1B90] =	vst v0  }
0x1bc: {  	[tilespmem:$0x1BA0] =	vst v0  }
0x1bd: {  	[tilespmem:$0x1BB0] =	vst v0  }
0x1be: {  	[tilespmem:$0x1BC0] =	vst v0  }
0x1bf: {  	[tilespmem:$0x1BD0] =	vst v0  }
0x1c0: {  	[tilespmem:$0x1BE0] =	vst v0  }
0x1c1: {  	[tilespmem:$0x1BF0] =	vst v0  }
0x1c2: {  	[tilespmem:$0x1F80] =	vst v0  }
0x1c3: {  	[tilespmem:$0x1F90] =	vst v0  }
0x1c4: {  	[tilespmem:$0x1FA0] =	vst v0  }
0x1c5: {  	[tilespmem:$0x1FB0] =	vst v0  }
0x1c6: {  	[tilespmem:$0x1FC0] =	vst v0  }
0x1c7: {  	[tilespmem:$0x1FD0] =	vst v0  }
0x1c8: {  	[tilespmem:$0x1FE0] =	vst v0  }
0x1c9: {  	[tilespmem:$0x1FF0] =	vst v0  }
0x1ca: {  	[tilespmem:$0x1400] =	vst v0  }
0x1cb: {  	[tilespmem:$0x1410] =	vst v0  }
0x1cc: {  	[tilespmem:$0x1420] =	vst v0  }
0x1cd: {  	[tilespmem:$0x1430] =	vst v0  }
0x1ce: {  	[tilespmem:$0x1440] =	vst v0  }
0x1cf: {  	[tilespmem:$0x1450] =	vst v0  }
0x1d0: {  	[tilespmem:$0x1460] =	vst v0  }
0x1d1: {  	[tilespmem:$0x1470] =	vst v0  }
0x1d2: {  	[tilespmem:$0x1800] =	vst v0  }
0x1d3: {  	[tilespmem:$0x1810] =	vst v0  }
0x1d4: {  	[tilespmem:$0x1820] =	vst v0  }
0x1d5: {  	[tilespmem:$0x1830] =	vst v0  }
0x1d6: {  	[tilespmem:$0x1840] =	vst v0  }
0x1d7: {  	[tilespmem:$0x1850] =	vst v0  }
0x1d8: {  	[tilespmem:$0x1860] =	vst v0  }
0x1d9: {  	[tilespmem:$0x1870] =	vst v0  }
0x1da: {  	[tilespmem:$0x1C00] =	vst v0  }
0x1db: {  	[tilespmem:$0x1C10] =	vst v0  }
0x1dc: {  	[tilespmem:$0x1C20] =	vst v0  }
0x1dd: {  	[tilespmem:$0x1C30] =	vst v0  }
0x1de: {  	[tilespmem:$0x1C40] =	vst v0  }
0x1df: {  	[tilespmem:$0x1C50] =	vst v0  }
0x1e0: {  	[tilespmem:$0x1C60] =	vst v0  }
0x1e1: {  	[tilespmem:$0x1C70] =	vst v0  }
0x1e2: {  	[tilespmem:$0x2000] =	vst v0  }
0x1e3: {  	[tilespmem:$0x2010] =	vst v0  }
0x1e4: {  	[tilespmem:$0x2020] =	vst v0  }
0x1e5: {  	[tilespmem:$0x2030] =	vst v0  }
0x1e6: {  	[tilespmem:$0x2040] =	vst v0  }
0x1e7: {  	[tilespmem:$0x2050] =	vst v0  }
0x1e8: {  	[tilespmem:$0x2060] =	vst v0  }
0x1e9: {  	[tilespmem:$0x2070] =	vst v0  }
0x1ea: {  	[tilespmem:$0x1480] =	vst v0  }
0x1eb: {  	[tilespmem:$0x1490] =	vst v0  }
0x1ec: {  	[tilespmem:$0x14A0] =	vst v0  }
0x1ed: {  	[tilespmem:$0x14B0] =	vst v0  }
0x1ee: {  	[tilespmem:$0x14C0] =	vst v0  }
0x1ef: {  	[tilespmem:$0x14D0] =	vst v0  }
0x1f0: {  	[tilespmem:$0x14E0] =	vst v0  }
0x1f1: {  	[tilespmem:$0x14F0] =	vst v0  }
0x1f2: {  	[tilespmem:$0x1880] =	vst v0  }
0x1f3: {  	[tilespmem:$0x1890] =	vst v0  }
0x1f4: {  	[tilespmem:$0x18A0] =	vst v0  }
0x1f5: {  	vm0 =	vcmask $0x300;
	v1 =	vimm.s32 $0x1380;
	[tilespmem:$0x18D0] =	vst v0  }
0x1f6: {  	vm14 =	vcmask $0x704;
	v1 =	vsel vm0, $0x0, v1;
	[tilespmem:$0x18E0] =	vst v0  }
0x1f7: {  	vm15 =	vcmask $0xB08;
	v1 =	vsel vm14, $0x80, v1;
	[tilespmem:$0x18F0] =	vst v0  }
0x1f8: {  	vm4 =	vcmask $0xF0C;
	v1 =	vsel vm15, $0x100, v1;
	[tilespmem:$0x1C80] =	vst v0  }
0x1f9: {  	vm5 =	vcmask $0x1310;
	v1 =	vsel vm4, $0x180, v1;
	[tilespmem:$0x1C90] =	vst v0  }
0x1fa: {  	vm6 =	vcmask $0x1714;
	v1 =	vsel vm5, $0x200, v1;
	[tilespmem:$0x19A0] =	vst v0  }
0x1fb: {  	vm7 =	vcmask $0x1B18;
	v1 =	vsel vm6, $0x280, v1;
	[tilespmem:$0x1CB0] =	vst v0  }
0x1fc: {  	vm8 =	vcmask $0x1F1C;
	v1 =	vsel vm7, $0x300, v1;
	[tilespmem:$0x1CD0] =	vst v0  }
0x1fd: {  	vm9 =	vcmask $0x2320;
	[tilespmem:$0x1CC0] =	vst v0;
	v1 =	vsel vm8, $0x380, v1;
	v2 =	vld [tilespmem:$0x0]  }
0x1fe: {  	vm10 =	vcmask $0x2724;
	[tilespmem:$0x1CF0] =	vst v0;
	v1 =	vsel vm9, $0x1000, v1  }
0x1ff: {  	vm11 =	vcmask $0x2B28;
	v1 =	vsel vm10, $0x1080, v1;
	[tilespmem:$0x2090] =	vst v0  }
0x200: {  	vm12 =	vcmask $0x2F2C;
	[tilespmem:$0x2080] =	vst v0;
	v1 =	vsel vm11, $0x1100, v1  }
0x201: {  	vm13 =	vcmask $0x3330;
	vm14 =	vcmask $0x3734;
	v1 =	vsel vm12, $0x1180, v1;
	[tilespmem:$0x1DD0] =	vst v0  }
0x202: {  	[tilespmem:$0x20A0] =	vst v0;
	v1 =	vsel vm13, $0x1200, v1;
	v3 =	vand.u32 $0x7F, v2;
	v2 =	vshll.u32 v2, $0x3  }
0x203: {  	vm15 =	vcmask $0x3B38;
	v2 =	vand.u32 $0xFFFFFC00, v2;
	v1 =	vsel vm14, $0x1280, v1;
	[tilespmem:$0x1DE0] =	vst v0  }
0x204: {  	[tilespmem:$0x20C0] =	vst v0;
	v2 =	vor.u32 v3, v2;
	v1 =	vsel vm15, $0x1300, v1  }
0x205: {  	[tilespmem:$0x20B0] =	vst v0;
	v2 =	vadd.s32 v1, v2  }
0x206: {  	[tilespmem:$0x20D0] =	vst v0  }
0x207: {  	[tilespmem:$0x20E0] =	vst v0  }
0x208: {  	[tilespmem:$0x20F0] =	vst v0  }
0x209: {  	v48 =	vimm.f32 $1.000000000e+00;
	s31 =	simm.s32 $0x100;
	[tilespmem:$0x1980] =	vst v0  }
0x20a: {  	[tilespmem:v2+s31+$0x0] =	vst.idx.add.f32.msk $0xffff, v48  }
0x20b: {  	v2 =	vld [tilespmem:$0x10];
	_ =	sdelay $0x4  }
0x20c: {  	v49 =	vshll.u32 v2, $0x3  }
0x20d: {  	v2 =	vand.u32 $0x7F, v2;
	v3 =	vand.u32 $0xFFFFFC00, v49  }
0x20e: {  	v2 =	vor.u32 v2, v3  }
0x20f: {  	v2 =	vadd.s32 v1, v2;
	_ =	sdelay $0x4  }
0x210: {  	[tilespmem:v2+s31+$0x0] =	vst.idx.add.f32.msk $0xffff, v48  }
0x211: {  	v2 =	vld [tilespmem:$0x20];
	_ =	sdelay $0x4  }
0x212: {  	v50 =	vshll.u32 v2, $0x3  }
0x213: {  	v2 =	vand.u32 $0x7F, v2;
	v3 =	vand.u32 $0xFFFFFC00, v50  }
0x214: {  	v2 =	vor.u32 v2, v3  }
0x215: {  	v2 =	vadd.s32 v1, v2;
	_ =	sdelay $0x4  }
0x216: {  	[tilespmem:v2+s31+$0x0] =	vst.idx.add.f32.msk $0xffff, v48  }
0x217: {  	v2 =	vld [tilespmem:$0x30];
	_ =	sdelay $0x4  }
0x218: {  	v51 =	vshll.u32 v2, $0x3  }
0x219: {  	v2 =	vand.u32 $0x7F, v2;
	v3 =	vand.u32 $0xFFFFFC00, v51  }
0x21a: {  	v2 =	vor.u32 v2, v3  }
0x21b: {  	v2 =	vadd.s32 v1, v2;
	_ =	sdelay $0x4  }
0x21c: {  	[tilespmem:v2+s31+$0x0] =	vst.idx.add.f32.msk $0xffff, v48  }
0x21d: {  	v2 =	vld [tilespmem:$0x40];
	_ =	sdelay $0x4  }
0x21e: {  	v52 =	vshll.u32 v2, $0x3  }
0x21f: {  	v2 =	vand.u32 $0x7F, v2;
	v3 =	vand.u32 $0xFFFFFC00, v52  }
0x220: {  	v2 =	vor.u32 v2, v3  }
0x221: {  	v2 =	vadd.s32 v1, v2;
	_ =	sdelay $0x4  }
0x222: {  	[tilespmem:v2+s31+$0x0] =	vst.idx.add.f32.msk $0xffff, v48  }
0x223: {  	v2 =	vld [tilespmem:$0x50];
	_ =	sdelay $0x4  }
0x224: {  	v53 =	vshll.u32 v2, $0x3  }
0x225: {  	v2 =	vand.u32 $0x7F, v2;
	v3 =	vand.u32 $0xFFFFFC00, v53  }
0x226: {  	v2 =	vor.u32 v2, v3  }
0x227: {  	v2 =	vadd.s32 v1, v2;
	_ =	sdelay $0x4  }
0x228: {  	[tilespmem:v2+s31+$0x0] =	vst.idx.add.f32.msk $0xffff, v48  }
0x229: {  	v2 =	vld [tilespmem:$0x60];
	_ =	sdelay $0x4  }
0x22a: {  	v54 =	vshll.u32 v2, $0x3  }
0x22b: {  	v2 =	vand.u32 $0x7F, v2;
	v3 =	vand.u32 $0xFFFFFC00, v54  }
0x22c: {  	v2 =	vor.u32 v2, v3  }
0x22d: {  	v2 =	vadd.s32 v1, v2;
	_ =	sdelay $0x4  }
0x22e: {  	[tilespmem:v2+s31+$0x0] =	vst.idx.add.f32.msk $0xffff, v48  }
0x22f: {  	v2 =	vld [tilespmem:$0x70];
	_ =	sdelay $0x4  }
0x230: {  	v55 =	vshll.u32 v2, $0x3  }
0x231: {  	v2 =	vand.u32 $0x7F, v2;
	v3 =	vand.u32 $0xFFFFFC00, v55  }
0x232: {  	v2 =	vor.u32 v2, v3  }
0x233: {  	v2 =	vadd.s32 v1, v2;
	_ =	sdelay $0x4  }
0x234: {  	[tilespmem:v2+s31+$0x0] =	vst.idx.add.f32.msk $0xffff, v48  }
0x235: {  	v2 =	vld [tilespmem:$0x80];
	_ =	sdelay $0x4  }
0x236: {  	v56 =	vshll.u32 v2, $0x3  }
0x237: {  	v2 =	vand.u32 $0x7F, v2;
	v3 =	vand.u32 $0xFFFFFC00, v56  }
0x238: {  	v2 =	vor.u32 v2, v3  }
0x239: {  	v2 =	vadd.s32 v1, v2;
	_ =	sdelay $0x4  }
0x23a: {  	[tilespmem:v2+s31+$0x0] =	vst.idx.add.f32.msk $0xffff, v48  }
0x23b: {  	v2 =	vld [tilespmem:$0x90];
	_ =	sdelay $0x4  }
0x23c: {  	v57 =	vshll.u32 v2, $0x3  }
0x23d: {  	v2 =	vand.u32 $0x7F, v2;
	v3 =	vand.u32 $0xFFFFFC00, v57  }
0x23e: {  	v2 =	vor.u32 v2, v3  }
0x23f: {  	v2 =	vadd.s32 v1, v2;
	_ =	sdelay $0x4  }
0x240: {  	[tilespmem:v2+s31+$0x0] =	vst.idx.add.f32.msk $0xffff, v48  }
0x241: {  	v2 =	vld [tilespmem:$0xA0];
	_ =	sdelay $0x4  }
0x242: {  	v58 =	vshll.u32 v2, $0x3  }
0x243: {  	v2 =	vand.u32 $0x7F, v2;
	v3 =	vand.u32 $0xFFFFFC00, v58  }
0x244: {  	v2 =	vor.u32 v2, v3  }
0x245: {  	v2 =	vadd.s32 v1, v2;
	_ =	sdelay $0x4  }
0x246: {  	[tilespmem:v2+s31+$0x0] =	vst.idx.add.f32.msk $0xffff, v48  }
0x247: {  	v2 =	vld [tilespmem:$0xB0];
	_ =	sdelay $0x4  }
0x248: {  	v59 =	vshll.u32 v2, $0x3  }
0x249: {  	v2 =	vand.u32 $0x7F, v2;
	v3 =	vand.u32 $0xFFFFFC00, v59  }
0x24a: {  	v2 =	vor.u32 v2, v3  }
0x24b: {  	v2 =	vadd.s32 v1, v2;
	_ =	sdelay $0x4  }
0x24c: {  	[tilespmem:v2+s31+$0x0] =	vst.idx.add.f32.msk $0xffff, v48  }
0x24d: {  	v2 =	vld [tilespmem:$0xC0];
	_ =	sdelay $0x4  }
0x24e: {  	v60 =	vshll.u32 v2, $0x3  }
0x24f: {  	v2 =	vand.u32 $0x7F, v2;
	v3 =	vand.u32 $0xFFFFFC00, v60  }
0x250: {  	v2 =	vor.u32 v2, v3  }
0x251: {  	v2 =	vadd.s32 v1, v2;
	_ =	sdelay $0x4  }
0x252: {  	[tilespmem:v2+s31+$0x0] =	vst.idx.add.f32.msk $0xffff, v48  }
0x253: {  	v2 =	vld [tilespmem:$0xD0];
	_ =	sdelay $0x4  }
0x254: {  	v61 =	vshll.u32 v2, $0x3  }
0x255: {  	v2 =	vand.u32 $0x7F, v2;
	v3 =	vand.u32 $0xFFFFFC00, v61  }
0x256: {  	v2 =	vor.u32 v2, v3  }
0x257: {  	v2 =	vadd.s32 v1, v2;
	_ =	sdelay $0x4  }
0x258: {  	[tilespmem:v2+s31+$0x0] =	vst.idx.add.f32.msk $0xffff, v48  }
0x259: {  	v2 =	vld [tilespmem:$0xE0];
	_ =	sdelay $0x4  }
0x25a: {  	v62 =	vshll.u32 v2, $0x3  }
0x25b: {  	v2 =	vand.u32 $0x7F, v2;
	v3 =	vand.u32 $0xFFFFFC00, v62  }
0x25c: {  	v2 =	vor.u32 v2, v3  }
0x25d: {  	v2 =	vadd.s32 v1, v2;
	_ =	sdelay $0x4  }
0x25e: {  	[tilespmem:v2+s31+$0x0] =	vst.idx.add.f32.msk $0xffff, v48  }
0x25f: {  	v2 =	vld [tilespmem:$0xF0];
	_ =	sdelay $0x4  }
0x260: {  	v63 =	vshll.u32 v2, $0x3  }
0x261: {  	v2 =	vand.u32 $0x7F, v2;
	v3 =	vand.u32 $0xFFFFFC00, v63  }
0x262: {  	v2 =	vor.u32 v2, v3  }
0x263: {  	v1 =	vadd.s32 v1, v2;
	_ =	sdelay $0x3  }
0x264: {  	s6 =	sshll.u32 s1, $0xA  }
0x265: {  	s2 =	sadd.s32 s2, s6;
	[tilespmem:v1+s31+$0x0] =	vst.idx.add.f32.msk $0xffff, v48  }
0x266: {  	[hbm4b:s2+s3] =	stream.linear.scatter [tilespmem:s31], [sflag:$0x1], $0x2000, $0x38;
	[tilespmem:$0x2100] =	vst v63  }
0x267: {  	_ =	swait.ge [sflag:s30], $0x2000  }
0x268: {  	[sflag:s30] =	ssyncset.done $0x0  }
0x269: {  	[sflag:s30] =	ssyncadd.s32 $0xFFFFE000  }
0x26a: {  	_ =	sfence.sel $0x180000  }
0x26b: {  	[bflag:$0x0] =	sbarrier.arrive $0xFFFF  }
0x26c: {  	p0 =	sne.s32 s1, $0x0;
	_ =	strace $0x90000047  }
0x26d: {  	s0 =	sadd.s32 @!p0 $0x100000, s0;
	[bflag:$0x2] =	sbarrier.arrive $0xFFFF  }
0x26e: {  	[sflag:s0] =	ssyncadd.tile.s32 @!p0 $0x1;
	_ =	shalt  }
.Lfunc_end2:
_tile_overlayer_lowered:
.L_overlay_start_2:
0x26f: {  	(tag) =	ssettag $0x2  }
0x270: {  	s0 =	rddreg [dreg:$0x0];
	s2 =	stileid.u32  }
0x271: {  	s1 =	rddreg [dreg:$0x1];
	p0 =	sne.s32 s2, $0x0  }
0x272: {  	s3 =	rddreg [dreg:$0x2];
	[bflag:$0x3] =	sbarrier.arrive $0xFFFF;
	s2 =	simm.s32 @!p0 $0x1C01  }
0x273: {  	[timem:s3], [sflag:s2] =	dma.local @!p0 [hbm:s0], s1  }
0x274: {  	s0 =	simm.s32 @!p0 $0x1  }
0x275: {  	_ =	swait.ge @!p0 [sflag:s0], s1  }
0x276: {  	s1 =	ssub.s32 @!p0 $0x0, s1;
	[sflag:s0] =	ssyncset.done @!p0 $0x0  }
0x277: {  	[sflag:s0] =	ssyncadd.s32 @!p0 s1  }
0x278: {  	[bflag:$0x3] =	sbarrier.arrive $0xFFFF  }
0x279: {  	_ =	shalt  }

</sc_bundles>
